<compile_context>
chip_gen: v7x
topology: tpu7x:2x2x1
jax: 0.10.2.dev20260603
libtpu: 0.0.44.dev20260713+nightly
codegen_flags: <defaults>
</compile_context>

<pallas_src>
import dataclasses
import functools

import jax
import jax.numpy as jnp
from jax import lax
from jax.experimental import pallas as pl
from jax.experimental.pallas import tpu as pltpu
from jax.experimental.pallas import tpu_sc as plsc

N = 10000
E = 320000
NFEAT = 128
NHID = 128
NCLASS = 16
NGRAPHS = 128

NPAD = 10240
BLK = 2560
NBLK = NPAD // BLK

NC = 2
NS = 16
NW = NC * NS
CHUNK = 80
NCHUNK = 126
EPAD = NW * NCHUNK * CHUNK
DUMMY = NPAD - 1
ROWS_PER_SUB = NPAD // NS

@functools.cache
def _sc_mesh():
    return plsc.VectorSubcoreMesh(core_axis_name="c", subcore_axis_name="s",
                                  num_cores=NC, num_subcores=NS)


def _zero_vmem(ref, rows, cols):
    @pl.loop(0, rows)
    def _(r):
        @pl.loop(0, cols, step=16)
        def _(cc):
            ref[r, pl.ds(cc, 16)] = jnp.zeros((16,), jnp.float32)


def _unpack_chunk(packed_ref, j, s_stage, d_stage):
    @pl.loop(0, CHUNK, step=16)
    def _(kk):
        pv = packed_ref[j, pl.ds(kk, 16)]
        s_stage[pl.ds(kk, 16)] = lax.bitwise_and(pv, jnp.int32(0xFFFF))
        d_stage[pl.ds(kk, 16)] = lax.shift_right_logical(pv, jnp.int32(16))


def _sc_degree(ed):
    @functools.partial(
        pl.kernel,
        out_type=jax.ShapeDtypeStruct((NW, NPAD // 128, 128), jnp.float32),
        mesh=_sc_mesh(),
        scratch_types=[
            pltpu.VMEM((NCHUNK, CHUNK), jnp.int32),
            pltpu.VMEM((NPAD // 128, 128), jnp.float32),
        ],
        compiler_params=dataclasses.replace(pltpu.CompilerParams(),
                                            needs_layout_passes=False),
    )
    def deg_kernel(e_hbm, out_hbm, e_v, h_v):
        cid = lax.axis_index("c")
        sid = lax.axis_index("s")
        wid = sid * NC + cid

        _zero_vmem(h_v, NPAD // 128, 128)
        pltpu.sync_copy(e_hbm.at[wid], e_v)

        ones = jnp.ones((16,), jnp.float32)

        @pl.loop(0, NCHUNK)
        def _(j):
            @pl.loop(0, CHUNK, step=16)
            def _(kk):
                d = lax.shift_right_logical(e_v[j, pl.ds(kk, 16)],
                                            jnp.int32(16))
                row = lax.shift_right_logical(d, jnp.int32(7))
                col = lax.bitwise_and(d, jnp.int32(127))
                plsc.addupdate_scatter(h_v, [row, col], ones)

        pltpu.sync_copy(h_v, out_hbm.at[wid])

    return deg_kernel(ed)


def _sc_edge_agg(u, ed):
    @functools.partial(
        pl.kernel,
        out_type=jax.ShapeDtypeStruct((NC, NPAD, 128), jnp.float32),
        mesh=_sc_mesh(),
        scratch_types=[
            pltpu.VMEM((NCHUNK, CHUNK), jnp.int32),
            pltpu.VMEM((CHUNK,), jnp.int32),
            pltpu.VMEM((CHUNK,), jnp.int32),
            pltpu.VMEM((CHUNK,), jnp.int32),
            pltpu.VMEM((CHUNK,), jnp.int32),
            pltpu.VMEM((CHUNK,), jnp.int32),
            pltpu.VMEM((CHUNK,), jnp.int32),
            pltpu.VMEM((CHUNK, 128), jnp.float32),
            pltpu.VMEM((CHUNK, 128), jnp.float32),
            pltpu.VMEM((CHUNK, 128), jnp.float32),
            pltpu.VMEM_SHARED((NPAD, 128), jnp.float32),
            pltpu.SemaphoreType.DMA,
            pltpu.SemaphoreType.DMA,
            pltpu.SemaphoreType.DMA,
        ],
        compiler_params=dataclasses.replace(pltpu.CompilerParams(),
                                            needs_layout_passes=False),
    )
    def agg_kernel(u_hbm, e_hbm, out_hbm, e_v, s0, d0, s1, d1, s2, d2,
                   bufa, bufb, bufc, acc_sh, sema, semb, semc):
        cid = lax.axis_index("c")
        sid = lax.axis_index("s")
        wid = sid * NC + cid

        _zero_vmem(bufc, CHUNK, 128)
        pltpu.sync_copy(e_hbm.at[wid], e_v)

        _unpack_chunk(e_v, 0, s0, d0)
        pltpu.async_copy(u_hbm.at[s0], bufa, sema)
        _unpack_chunk(e_v, 1, s1, d1)
        pltpu.async_copy(u_hbm.at[s1], bufb, semb)

        @pl.loop(0, ROWS_PER_SUB, step=CHUNK)
        def _(k):
            pltpu.sync_copy(bufc,
                            acc_sh.at[pl.ds(sid * ROWS_PER_SUB + k, CHUNK)])
        plsc.subcore_barrier()

        _unpack_chunk(e_v, 2, s2, d2)
        pltpu.async_copy(u_hbm.at[s2], bufc, semc)

        @pl.loop(0, NCHUNK, step=3)
        def _(j):
            pltpu.make_async_copy(u_hbm.at[s0], bufa, sema).wait()
            pltpu.sync_copy(bufa, acc_sh.at[d0], add=True)

            @pl.when(j + 3 < NCHUNK)
            def _():
                _unpack_chunk(e_v, j + 3, s0, d0)
                pltpu.async_copy(u_hbm.at[s0], bufa, sema)

            pltpu.make_async_copy(u_hbm.at[s1], bufb, semb).wait()
            pltpu.sync_copy(bufb, acc_sh.at[d1], add=True)

            @pl.when(j + 4 < NCHUNK)
            def _():
                _unpack_chunk(e_v, j + 4, s1, d1)
                pltpu.async_copy(u_hbm.at[s1], bufb, semb)

            pltpu.make_async_copy(u_hbm.at[s2], bufc, semc).wait()
            pltpu.sync_copy(bufc, acc_sh.at[d2], add=True)

            @pl.when(j + 5 < NCHUNK)
            def _():
                _unpack_chunk(e_v, j + 5, s2, d2)
                pltpu.async_copy(u_hbm.at[s2], bufc, semc)
        plsc.subcore_barrier()

        @pl.loop(0, ROWS_PER_SUB, step=128)
        def _(k):
            r = sid * ROWS_PER_SUB + k
            pltpu.sync_copy(acc_sh.at[pl.ds(r, 128)],
                            out_hbm.at[cid, pl.ds(r, 128)])

    return agg_kernel(u, ed)


def _tc_first(xp, W0, degp):
    def body(dp_ref, x_ref, w_ref, u_ref, dinv_ref):
        deg = lax.dot_general(dp_ref[...], jnp.ones((NW, 1), jnp.float32),
                              (((0,), (0,)), ((), ())),
                              preferred_element_type=jnp.float32) + 1.0
        dinv = lax.rsqrt(deg)
        dinv_ref[...] = dinv
        u_ref[...] = dinv * jnp.dot(x_ref[...], w_ref[...],
                                    preferred_element_type=jnp.float32)

    return pl.pallas_call(
        body,
        grid=(NBLK,),
        in_specs=[
            pl.BlockSpec((NW, BLK), lambda i: (0, i)),
            pl.BlockSpec((BLK, NFEAT), lambda i: (i, 0)),
            pl.BlockSpec((NFEAT, NHID), lambda i: (0, 0)),
        ],
        out_specs=[
            pl.BlockSpec((BLK, NHID), lambda i: (i, 0)),
            pl.BlockSpec((BLK, 1), lambda i: (i, 0)),
        ],
        out_shape=[
            jax.ShapeDtypeStruct((NPAD, NHID), jnp.float32),
            jax.ShapeDtypeStruct((NPAD, 1), jnp.float32),
        ],
    )(degp, xp, W0)


def _tc_layer(p, u, dinv, b, Wnext):
    def body(p_ref, u_ref, dinv_ref, b_ref, w_ref, out_ref):
        dinv = dinv_ref[...]
        h = jnp.maximum(dinv * (p_ref[0] + p_ref[1] + u_ref[...]) + b_ref[...],
                        0.0)
        out_ref[...] = dinv * jnp.dot(h, w_ref[...],
                                      preferred_element_type=jnp.float32)

    return pl.pallas_call(
        body,
        grid=(NBLK,),
        in_specs=[
            pl.BlockSpec((NC, BLK, NHID), lambda i: (0, i, 0)),
            pl.BlockSpec((BLK, NHID), lambda i: (i, 0)),
            pl.BlockSpec((BLK, 1), lambda i: (i, 0)),
            pl.BlockSpec((1, NHID), lambda i: (0, 0)),
            pl.BlockSpec((NHID, NHID), lambda i: (0, 0)),
        ],
        out_specs=pl.BlockSpec((BLK, NHID), lambda i: (i, 0)),
        out_shape=jax.ShapeDtypeStruct((NPAD, NHID), jnp.float32),
    )(p, u, dinv, b, Wnext)


def _tc_head(p, u, dinv, b, batch3, lin_W, lin_b):
    def body(p_ref, u_ref, dinv_ref, b_ref, bat_ref, lw_ref, lb_ref,
             out_ref, sums, cnts):
        i = pl.program_id(0)

        @pl.when(i == 0)
        def _():
            sums[...] = jnp.zeros_like(sums)
            cnts[...] = jnp.zeros_like(cnts)

        dinv = dinv_ref[...]
        h = jnp.maximum(dinv * (p_ref[0] + p_ref[1] + u_ref[...]) + b_ref[...],
                        0.0)
        seg = bat_ref[0, 0].reshape(BLK, 1)
        onehot = (seg == lax.broadcasted_iota(jnp.int32, (BLK, NGRAPHS), 1)
                  ).astype(jnp.float32)
        dn = (((0,), (0,)), ((), ()))
        sums[...] += lax.dot_general(onehot, h, dn,
                                     preferred_element_type=jnp.float32)
        cnts[...] += lax.dot_general(onehot, jnp.ones((BLK, NHID), jnp.float32),
                                     dn, preferred_element_type=jnp.float32)

        @pl.when(i == NBLK - 1)
        def _():
            pooled = sums[...] / jnp.maximum(cnts[...], 1.0)
            logits = jnp.dot(pooled, lw_ref[...],
                             preferred_element_type=jnp.float32) + lb_ref[...]
            m = jnp.max(logits, axis=-1, keepdims=True)
            ls = logits - m
            out_ref[...] = ls - jnp.log(jnp.sum(jnp.exp(ls), axis=-1,
                                                keepdims=True))

    return pl.pallas_call(
        body,
        grid=(NBLK,),
        in_specs=[
            pl.BlockSpec((NC, BLK, NHID), lambda i: (0, i, 0)),
            pl.BlockSpec((BLK, NHID), lambda i: (i, 0)),
            pl.BlockSpec((BLK, 1), lambda i: (i, 0)),
            pl.BlockSpec((1, NHID), lambda i: (0, 0)),
            pl.BlockSpec((1, 1, BLK), lambda i: (i, 0, 0)),
            pl.BlockSpec((NHID, NCLASS), lambda i: (0, 0)),
            pl.BlockSpec((1, NCLASS), lambda i: (0, 0)),
        ],
        out_specs=pl.BlockSpec((NGRAPHS, NCLASS), lambda i: (0, 0)),
        out_shape=jax.ShapeDtypeStruct((NGRAPHS, NCLASS), jnp.float32),
        scratch_shapes=[
            pltpu.VMEM((NGRAPHS, NHID), jnp.float32),
            pltpu.VMEM((NGRAPHS, NHID), jnp.float32),
        ],
    )(p, u, dinv, b, batch3, lin_W, lin_b)


def kernel(x, edge_index, batch, W0, b0, W1, b1, W2, b2, lin_W, lin_b):
    dummy_ids = N + (jnp.arange(EPAD - E, dtype=jnp.int32) % (NPAD - N))
    ed = jnp.concatenate(
        [lax.shift_left(edge_index[1], jnp.int32(16)) | edge_index[0],
         lax.shift_left(dummy_ids, jnp.int32(16)) | dummy_ids]
    ).reshape(NW, NCHUNK, CHUNK)
    xp = jnp.pad(x, ((0, NPAD - N), (0, 0)))
    batch3 = jnp.pad(batch, (0, NPAD - N),
                     constant_values=NGRAPHS).reshape(NBLK, 1, BLK)

    degp = lax.optimization_barrier(_sc_degree(ed)).reshape(NW, NPAD)
    u0, dinv = _tc_first(xp, W0, degp)

    p0 = _sc_edge_agg(u0, ed)
    u1 = _tc_layer(p0, u0, dinv, b0.reshape(1, NHID), W1)

    p1 = _sc_edge_agg(u1, ed)
    u2 = _tc_layer(p1, u1, dinv, b1.reshape(1, NHID), W2)

    p2 = _sc_edge_agg(u2, ed)
    return _tc_head(p2, u2, dinv, b2.reshape(1, NHID), batch3,
                    lin_W, lin_b.reshape(1, NCLASS))

# --- scband reference (transcript-rebuilt; emitter-appended) ---
"""Pipeline reference for scband-gcn-60919816126943 (READ-ONLY COPY).

The authoritative reference and input builder live on the scoring server;
editing this copy changes nothing except your own understanding.
"""

import jax, jax.numpy as jnp
import numpy as np

N = 10000
E = 320000
NFEAT = 128
NHID = 128
NCLASS = 16
NGRAPHS = 128


def setup_inputs(seed: int = 0) -> dict:
    key = jax.random.key(seed)
    ks = jax.random.split(key, 12)
    x = jax.random.normal(ks[0], (N, NFEAT), dtype=jnp.float32)
    edge_index = jax.random.randint(ks[1], (2, E), 0, N, dtype=jnp.int32)
    batch = jnp.sort(jax.random.randint(ks[2], (N,), 0, NGRAPHS, dtype=jnp.int32))
    W0 = jax.random.normal(ks[3], (NFEAT, NHID), dtype=jnp.float32) * 0.05
    b0 = jnp.zeros((NHID,), dtype=jnp.float32)
    W1 = jax.random.normal(ks[4], (NHID, NHID), dtype=jnp.float32) * 0.05
    b1 = jnp.zeros((NHID,), dtype=jnp.float32)
    W2 = jax.random.normal(ks[5], (NHID, NHID), dtype=jnp.float32) * 0.05
    b2 = jnp.zeros((NHID,), dtype=jnp.float32)
    lin_W = jax.random.normal(ks[6], (NHID, NCLASS), dtype=jnp.float32) * 0.05
    lin_b = jnp.zeros((NCLASS,), dtype=jnp.float32)
    return {"x": x, "edge_index": edge_index, "batch": batch,
            "W0": W0, "b0": b0, "W1": W1, "b1": b1, "W2": W2, "b2": b2,
            "lin_W": lin_W, "lin_b": lin_b}


def reference(x, edge_index, batch, W0, b0, W1, b1, W2, b2, lin_W, lin_b):
    src = edge_index[0]
    dst = edge_index[1]
    # GCNConv: add self-loops, symmetric degree normalization (recomputed identically each layer)
    loop = jnp.arange(N, dtype=src.dtype)
    s = jnp.concatenate([src, loop])
    d = jnp.concatenate([dst, loop])
    deg = jnp.zeros((N,), jnp.float32).at[d].add(1.0)
    dinv = jnp.where(deg > 0, jax.lax.rsqrt(deg), 0.0)
    norm = dinv[s] * dinv[d]

    def conv(h, W, b):
        hw = h @ W
        msg = hw[s] * norm[:, None]
        agg = jnp.zeros((N, W.shape[1]), jnp.float32).at[d].add(msg)
        return agg + b

    h = jax.nn.relu(conv(x, W0, b0))
    h = jax.nn.relu(conv(h, W1, b1))
    h = jax.nn.relu(conv(h, W2, b2))

    # global_mean_pool over batch assignment
    sums = jax.ops.segment_sum(h, batch, num_segments=NGRAPHS)
    cnts = jax.ops.segment_sum(jnp.ones((N,), jnp.float32), batch, num_segments=NGRAPHS)
    pooled = sums / jnp.maximum(cnts, 1.0)[:, None]

    logits = pooled @ lin_W + lin_b
    return jax.nn.log_softmax(logits, axis=-1)

if __name__ == "__main__":
    import jax
    _d = setup_inputs()
    print(jax.jit(kernel)(*tuple(_d.values())))

</pallas_src>

<mosaic_0001>
#map = affine_map<(d0, d1) -> (0, 0)>
#map1 = affine_map<(d0, d1) -> (0, 0, 0)>
module attributes {stable_mosaic.version = 14 : i64} {
  func.func @agg_kernel(%arg0: i32, %arg1: i32, %arg2: memref<10240x128xf32, #tpu.memory_space<hbm>>, %arg3: memref<32x126x80xi32, #tpu.memory_space<hbm>>, %arg4: memref<2x10240x128xf32, #tpu.memory_space<hbm>>, %arg5: memref<126x80xi32, #tpu.memory_space<vmem>>, %arg6: memref<80xi32, #tpu.memory_space<vmem>>, %arg7: memref<80xi32, #tpu.memory_space<vmem>>, %arg8: memref<80xi32, #tpu.memory_space<vmem>>, %arg9: memref<80xi32, #tpu.memory_space<vmem>>, %arg10: memref<80xi32, #tpu.memory_space<vmem>>, %arg11: memref<80xi32, #tpu.memory_space<vmem>>, %arg12: memref<80x128xf32, #tpu.memory_space<vmem>>, %arg13: memref<80x128xf32, #tpu.memory_space<vmem>>, %arg14: memref<80x128xf32, #tpu.memory_space<vmem>>, %arg15: memref<10240x128xf32, #tpu.memory_space<vmem_shared>>, %arg16: memref<!tpu.dma_semaphore, #tpu.memory_space<semaphore_mem>>, %arg17: memref<!tpu.dma_semaphore, #tpu.memory_space<semaphore_mem>>, %arg18: memref<!tpu.dma_semaphore, #tpu.memory_space<semaphore_mem>>) attributes {dimension_semantics = [#tpu.dimension_semantics<core_parallel>, #tpu.dimension_semantics<subcore_parallel>], iteration_bounds = array<i64: 2, 16>, scalar_prefetch = 0 : i64, scratch_operands = 14 : i64, tpu.core_type = #tpu.core_type<sc_vector_subcore>, window_params = [{transform_indices = #map}, {transform_indices = #map1}, {transform_indices = #map1}]} {
    %mul3A = arith.constant 2 : i32
    %mul3A_0 = arith.muli %arg1, %mul3A : i32
    %add3A = arith.addi %mul3A_0, %arg0 : i32
    %scan3A = arith.constant 0 : i32
    %scan3A_1 = arith.constant 80 : i32
    %scan3A_2 = arith.addi %scan3A, %scan3A_1 : i32
    %scan3A_3 = arith.constant 1 : i32
    scf.for %scan3A_44 = %scan3A to %scan3A_2 step %scan3A_3  : i32 {
      %mul3A_45 = arith.constant 1 : i32
      %mul3A_46 = arith.muli %scan3A_44, %mul3A_45 : i32
      %add3A_47 = arith.constant 0 : i32
      %add3A_48 = arith.addi %add3A_47, %mul3A_46 : i32
      %scan3A_49 = arith.constant 0 : i32
      %scan3A_50 = arith.constant 8 : i32
      %scan3A_51 = arith.addi %scan3A_49, %scan3A_50 : i32
      %scan3A_52 = arith.constant 1 : i32
      scf.for %scan3A_54 = %scan3A_49 to %scan3A_51 step %scan3A_52  : i32 {
        %mul3A_55 = arith.constant 16 : i32
        %mul3A_56 = arith.muli %scan3A_54, %mul3A_55 : i32
        %add3A_57 = arith.constant 0 : i32
        %add3A_58 = arith.addi %add3A_57, %mul3A_56 : i32
        %broadcast_in_dim3A = arith.constant 0.000000e+00 : f32
        %broadcast_in_dim3A_59 = vector.broadcast %broadcast_in_dim3A : f32 to vector<16xf32>
        %swap3A = arith.index_cast %add3A_48 : i32 to index
        %swap3A_60 = arith.index_cast %add3A_58 : i32 to index
        %swap3A_61 = tpu.vector_load %arg14[%swap3A, %swap3A_60] {strides = array<i32>} : memref<80x128xf32, #tpu.memory_space<vmem>>, vector<16xf32>,
        tpu.vector_store %arg14[%swap3A, %swap3A_60], %broadcast_in_dim3A_59 {strides = array<i32>} : memref<80x128xf32, #tpu.memory_space<vmem>>, vector<16xf32>,
      }
      %scan3A_53 = arith.constant 8 : i32
    }
    %scan3A_4 = arith.constant 80 : i32
    "tpu.region"() ({
      %run_scoped3A = tpu.sem_alloc : memref<!tpu.dma_semaphore, #tpu.memory_space<semaphore_mem>>
      %dma_start3A_44 = arith.constant 0 : i32
      %dma_start3A_45 = arith.constant 0 : i32
      %dma_start3A_46 = tpu.memref_slice %arg3[%add3A, %dma_start3A_44, %dma_start3A_45] : memref<32x126x80xi32, #tpu.memory_space<hbm>> -> memref<1x126x80xi32, #tpu.memory_space<hbm>>
      %dma_start3A_47 = tpu.memref_squeeze %dma_start3A_46 : memref<1x126x80xi32, #tpu.memory_space<hbm>> -> memref<126x80xi32, #tpu.memory_space<hbm>>
      %dma_start3A_48 = arith.constant 0 : i32
      %dma_start3A_49 = arith.constant 0 : i32
      %dma_start3A_50 = tpu.memref_slice %arg3[%add3A, %dma_start3A_48, %dma_start3A_49] : memref<32x126x80xi32, #tpu.memory_space<hbm>> -> memref<1x126x80xi32, #tpu.memory_space<hbm>>
      %dma_start3A_51 = tpu.memref_squeeze %dma_start3A_50 : memref<1x126x80xi32, #tpu.memory_space<hbm>> -> memref<126x80xi32, #tpu.memory_space<hbm>>
      tpu.enqueue_dma source(%dma_start3A_51 : memref<126x80xi32, #tpu.memory_space<hbm>>) target(%arg5 : memref<126x80xi32, #tpu.memory_space<vmem>>) target_semaphore(%run_scoped3A : memref<!tpu.dma_semaphore, #tpu.memory_space<semaphore_mem>>)
      %dma_wait3A = arith.constant 0 : i32
      %dma_wait3A_52 = arith.constant 0 : i32
      %dma_wait3A_53 = tpu.memref_slice %arg3[%add3A, %dma_wait3A, %dma_wait3A_52] : memref<32x126x80xi32, #tpu.memory_space<hbm>> -> memref<1x126x80xi32, #tpu.memory_space<hbm>>
      %dma_wait3A_54 = tpu.memref_squeeze %dma_wait3A_53 : memref<1x126x80xi32, #tpu.memory_space<hbm>> -> memref<126x80xi32, #tpu.memory_space<hbm>>
      %dma_wait3A_55 = arith.constant 0 : i32
      %dma_wait3A_56 = arith.constant 0 : i32
      %dma_wait3A_57 = tpu.memref_slice %arg3[%add3A, %dma_wait3A_55, %dma_wait3A_56] : memref<32x126x80xi32, #tpu.memory_space<hbm>> -> memref<1x126x80xi32, #tpu.memory_space<hbm>>
      %dma_wait3A_58 = tpu.memref_squeeze %dma_wait3A_57 : memref<1x126x80xi32, #tpu.memory_space<hbm>> -> memref<126x80xi32, #tpu.memory_space<hbm>>
      tpu.wait_dma2 semaphore(%run_scoped3A : memref<!tpu.dma_semaphore, #tpu.memory_space<semaphore_mem>>) src(%dma_wait3A_58 : memref<126x80xi32, #tpu.memory_space<hbm>>) dst(%arg5 : memref<126x80xi32, #tpu.memory_space<vmem>>)
      tpu.yield
    }) : () -> ()
    %scan3A_5 = arith.constant 0 : i32
    %scan3A_6 = arith.constant 5 : i32
    %scan3A_7 = arith.addi %scan3A_5, %scan3A_6 : i32
    %scan3A_8 = arith.constant 1 : i32
    scf.for %scan3A_44 = %scan3A_5 to %scan3A_7 step %scan3A_8  : i32 {
      %mul3A_45 = arith.constant 16 : i32
      %mul3A_46 = arith.muli %scan3A_44, %mul3A_45 : i32
      %add3A_47 = arith.constant 0 : i32
      %add3A_48 = arith.addi %add3A_47, %mul3A_46 : i32
      %get3A = arith.constant 0 : i32
      %get3A_49 = arith.index_cast %get3A : i32 to index
      %get3A_50 = arith.index_cast %add3A_48 : i32 to index
      %get3A_51 = tpu.vector_load %arg5[%get3A_49, %get3A_50] {strides = array<i32>} : memref<126x80xi32, #tpu.memory_space<vmem>>, vector<16xi32>,
      %and3A = arith.constant 65535 : i32
      %and3A_52 = vector.broadcast %and3A : i32 to vector<16xi32>
      %and3A_53 = arith.andi %get3A_51, %and3A_52 : vector<16xi32>
      %swap3A = arith.index_cast %add3A_48 : i32 to index
      %swap3A_54 = tpu.vector_load %arg6[%swap3A] {strides = array<i32>} : memref<80xi32, #tpu.memory_space<vmem>>, vector<16xi32>,
      tpu.vector_store %arg6[%swap3A], %and3A_53 {strides = array<i32>} : memref<80xi32, #tpu.memory_space<vmem>>, vector<16xi32>,
      %shift_right_logical3A = arith.constant 16 : i32
      %shift_right_logical3A_55 = vector.broadcast %shift_right_logical3A : i32 to vector<16xi32>
      %shift_right_logical3A_56 = arith.shrui %get3A_51, %shift_right_logical3A_55 : vector<16xi32>
      %swap3A_57 = arith.index_cast %add3A_48 : i32 to index
      %swap3A_58 = tpu.vector_load %arg7[%swap3A_57] {strides = array<i32>} : memref<80xi32, #tpu.memory_space<vmem>>, vector<16xi32>,
      tpu.vector_store %arg7[%swap3A_57], %shift_right_logical3A_56 {strides = array<i32>} : memref<80xi32, #tpu.memory_space<vmem>>, vector<16xi32>,
    }
    %scan3A_9 = arith.constant 5 : i32
    %dma_start3A = arith.constant 0 : i32
    %dma_start3A_10 = arith.constant 0 : i32
    %dma_start3A_11 = tpu.memref_slice %arg2[%dma_start3A, %dma_start3A_10] : memref<10240x128xf32, #tpu.memory_space<hbm>> -> memref<10240x128xf32, #tpu.memory_space<hbm>>
    tpu.enqueue_indirect_dma source(%dma_start3A_11 : memref<10240x128xf32, #tpu.memory_space<hbm>>) target(%arg12 : memref<80x128xf32, #tpu.memory_space<vmem>>) offsets(%arg6 : memref<80xi32, #tpu.memory_space<vmem>>) semaphore(%arg16 : memref<!tpu.dma_semaphore, #tpu.memory_space<semaphore_mem>>)
    %scan3A_12 = arith.constant 0 : i32
    %scan3A_13 = arith.constant 5 : i32
    %scan3A_14 = arith.addi %scan3A_12, %scan3A_13 : i32
    %scan3A_15 = arith.constant 1 : i32
    scf.for %scan3A_44 = %scan3A_12 to %scan3A_14 step %scan3A_15  : i32 {
      %mul3A_45 = arith.constant 16 : i32
      %mul3A_46 = arith.muli %scan3A_44, %mul3A_45 : i32
      %add3A_47 = arith.constant 0 : i32
      %add3A_48 = arith.addi %add3A_47, %mul3A_46 : i32
      %get3A = arith.constant 1 : i32
      %get3A_49 = arith.index_cast %get3A : i32 to index
      %get3A_50 = arith.index_cast %add3A_48 : i32 to index
      %get3A_51 = tpu.vector_load %arg5[%get3A_49, %get3A_50] {strides = array<i32>} : memref<126x80xi32, #tpu.memory_space<vmem>>, vector<16xi32>,
      %and3A = arith.constant 65535 : i32
      %and3A_52 = vector.broadcast %and3A : i32 to vector<16xi32>
      %and3A_53 = arith.andi %get3A_51, %and3A_52 : vector<16xi32>
      %swap3A = arith.index_cast %add3A_48 : i32 to index
      %swap3A_54 = tpu.vector_load %arg8[%swap3A] {strides = array<i32>} : memref<80xi32, #tpu.memory_space<vmem>>, vector<16xi32>,
      tpu.vector_store %arg8[%swap3A], %and3A_53 {strides = array<i32>} : memref<80xi32, #tpu.memory_space<vmem>>, vector<16xi32>,
      %shift_right_logical3A = arith.constant 16 : i32
      %shift_right_logical3A_55 = vector.broadcast %shift_right_logical3A : i32 to vector<16xi32>
      %shift_right_logical3A_56 = arith.shrui %get3A_51, %shift_right_logical3A_55 : vector<16xi32>
      %swap3A_57 = arith.index_cast %add3A_48 : i32 to index
      %swap3A_58 = tpu.vector_load %arg9[%swap3A_57] {strides = array<i32>} : memref<80xi32, #tpu.memory_space<vmem>>, vector<16xi32>,
      tpu.vector_store %arg9[%swap3A_57], %shift_right_logical3A_56 {strides = array<i32>} : memref<80xi32, #tpu.memory_space<vmem>>, vector<16xi32>,
    }
    %scan3A_16 = arith.constant 5 : i32
    %dma_start3A_17 = arith.constant 0 : i32
    %dma_start3A_18 = arith.constant 0 : i32
    %dma_start3A_19 = tpu.memref_slice %arg2[%dma_start3A_17, %dma_start3A_18] : memref<10240x128xf32, #tpu.memory_space<hbm>> -> memref<10240x128xf32, #tpu.memory_space<hbm>>
    tpu.enqueue_indirect_dma source(%dma_start3A_19 : memref<10240x128xf32, #tpu.memory_space<hbm>>) target(%arg13 : memref<80x128xf32, #tpu.memory_space<vmem>>) offsets(%arg8 : memref<80xi32, #tpu.memory_space<vmem>>) semaphore(%arg17 : memref<!tpu.dma_semaphore, #tpu.memory_space<semaphore_mem>>)
    %scan3A_20 = arith.constant 0 : i32
    %scan3A_21 = arith.constant 8 : i32
    %scan3A_22 = arith.addi %scan3A_20, %scan3A_21 : i32
    %scan3A_23 = arith.constant 1 : i32
    scf.for %scan3A_44 = %scan3A_20 to %scan3A_22 step %scan3A_23  : i32 {
      %mul3A_45 = arith.constant 80 : i32
      %mul3A_46 = arith.muli %scan3A_44, %mul3A_45 : i32
      %add3A_47 = arith.constant 0 : i32
      %add3A_48 = arith.addi %add3A_47, %mul3A_46 : i32
      %mul3A_49 = arith.constant 640 : i32
      %mul3A_50 = arith.muli %arg1, %mul3A_49 : i32
      %add3A_51 = arith.addi %mul3A_50, %add3A_48 : i32
      "tpu.region"() ({
        %run_scoped3A = tpu.sem_alloc : memref<!tpu.dma_semaphore, #tpu.memory_space<semaphore_mem>>
        %dma_start3A_52 = arith.constant 0 : i32
        %dma_start3A_53 = tpu.memref_slice %arg15[%add3A_51, %dma_start3A_52] : memref<10240x128xf32, #tpu.memory_space<vmem_shared>> -> memref<80x128xf32, #tpu.memory_space<vmem_shared>>
        %dma_start3A_54 = arith.constant 0 : i32
        %dma_start3A_55 = tpu.memref_slice %arg15[%add3A_51, %dma_start3A_54] : memref<10240x128xf32, #tpu.memory_space<vmem_shared>> -> memref<80x128xf32, #tpu.memory_space<vmem_shared>>
        tpu.enqueue_dma source(%arg14 : memref<80x128xf32, #tpu.memory_space<vmem>>) target(%dma_start3A_55 : memref<80x128xf32, #tpu.memory_space<vmem_shared>>) target_semaphore(%run_scoped3A : memref<!tpu.dma_semaphore, #tpu.memory_space<semaphore_mem>>)
        %dma_wait3A = arith.constant 0 : i32
        %dma_wait3A_56 = tpu.memref_slice %arg15[%add3A_51, %dma_wait3A] : memref<10240x128xf32, #tpu.memory_space<vmem_shared>> -> memref<80x128xf32, #tpu.memory_space<vmem_shared>>
        %dma_wait3A_57 = arith.constant 0 : i32
        %dma_wait3A_58 = tpu.memref_slice %arg15[%add3A_51, %dma_wait3A_57] : memref<10240x128xf32, #tpu.memory_space<vmem_shared>> -> memref<80x128xf32, #tpu.memory_space<vmem_shared>>
        tpu.wait_dma2 semaphore(%run_scoped3A : memref<!tpu.dma_semaphore, #tpu.memory_space<semaphore_mem>>) src(%arg14 : memref<80x128xf32, #tpu.memory_space<vmem>>) dst(%dma_wait3A_58 : memref<80x128xf32, #tpu.memory_space<vmem_shared>>)
        tpu.yield
      }) : () -> ()
    }
    %scan3A_24 = arith.constant 8 : i32
    %barrier3A = arith.constant 0 : index
    tpu.barrier barrier_id(%barrier3A)
    %scan3A_25 = arith.constant 0 : i32
    %scan3A_26 = arith.constant 5 : i32
    %scan3A_27 = arith.addi %scan3A_25, %scan3A_26 : i32
    %scan3A_28 = arith.constant 1 : i32
    scf.for %scan3A_44 = %scan3A_25 to %scan3A_27 step %scan3A_28  : i32 {
      %mul3A_45 = arith.constant 16 : i32
      %mul3A_46 = arith.muli %scan3A_44, %mul3A_45 : i32
      %add3A_47 = arith.constant 0 : i32
      %add3A_48 = arith.addi %add3A_47, %mul3A_46 : i32
      %get3A = arith.constant 2 : i32
      %get3A_49 = arith.index_cast %get3A : i32 to index
      %get3A_50 = arith.index_cast %add3A_48 : i32 to index
      %get3A_51 = tpu.vector_load %arg5[%get3A_49, %get3A_50] {strides = array<i32>} : memref<126x80xi32, #tpu.memory_space<vmem>>, vector<16xi32>,
      %and3A = arith.constant 65535 : i32
      %and3A_52 = vector.broadcast %and3A : i32 to vector<16xi32>
      %and3A_53 = arith.andi %get3A_51, %and3A_52 : vector<16xi32>
      %swap3A = arith.index_cast %add3A_48 : i32 to index
      %swap3A_54 = tpu.vector_load %arg10[%swap3A] {strides = array<i32>} : memref<80xi32, #tpu.memory_space<vmem>>, vector<16xi32>,
      tpu.vector_store %arg10[%swap3A], %and3A_53 {strides = array<i32>} : memref<80xi32, #tpu.memory_space<vmem>>, vector<16xi32>,
      %shift_right_logical3A = arith.constant 16 : i32
      %shift_right_logical3A_55 = vector.broadcast %shift_right_logical3A : i32 to vector<16xi32>
      %shift_right_logical3A_56 = arith.shrui %get3A_51, %shift_right_logical3A_55 : vector<16xi32>
      %swap3A_57 = arith.index_cast %add3A_48 : i32 to index
      %swap3A_58 = tpu.vector_load %arg11[%swap3A_57] {strides = array<i32>} : memref<80xi32, #tpu.memory_space<vmem>>, vector<16xi32>,
      tpu.vector_store %arg11[%swap3A_57], %shift_right_logical3A_56 {strides = array<i32>} : memref<80xi32, #tpu.memory_space<vmem>>, vector<16xi32>,
    }
    %scan3A_29 = arith.constant 5 : i32
    %dma_start3A_30 = arith.constant 0 : i32
    %dma_start3A_31 = arith.constant 0 : i32
    %dma_start3A_32 = tpu.memref_slice %arg2[%dma_start3A_30, %dma_start3A_31] : memref<10240x128xf32, #tpu.memory_space<hbm>> -> memref<10240x128xf32, #tpu.memory_space<hbm>>
    tpu.enqueue_indirect_dma source(%dma_start3A_32 : memref<10240x128xf32, #tpu.memory_space<hbm>>) target(%arg14 : memref<80x128xf32, #tpu.memory_space<vmem>>) offsets(%arg10 : memref<80xi32, #tpu.memory_space<vmem>>) semaphore(%arg18 : memref<!tpu.dma_semaphore, #tpu.memory_space<semaphore_mem>>)
    %scan3A_33 = arith.constant 0 : i32
    %scan3A_34 = arith.constant 42 : i32
    %scan3A_35 = arith.addi %scan3A_33, %scan3A_34 : i32
    %scan3A_36 = arith.constant 1 : i32
    scf.for %scan3A_44 = %scan3A_33 to %scan3A_35 step %scan3A_36  : i32 {
      %mul3A_45 = arith.constant 3 : i32
      %mul3A_46 = arith.muli %scan3A_44, %mul3A_45 : i32
      %add3A_47 = arith.constant 0 : i32
      %add3A_48 = arith.addi %add3A_47, %mul3A_46 : i32
      %dma_wait3A = arith.constant 0 : i32
      %dma_wait3A_49 = arith.constant 0 : i32
      %dma_wait3A_50 = tpu.memref_slice %arg2[%dma_wait3A, %dma_wait3A_49] : memref<10240x128xf32, #tpu.memory_space<hbm>> -> memref<10240x128xf32, #tpu.memory_space<hbm>>
      tpu.wait_indirect_dma semaphore(%arg16 : memref<!tpu.dma_semaphore, #tpu.memory_space<semaphore_mem>>) src(%dma_wait3A_50 : memref<10240x128xf32, #tpu.memory_space<hbm>>) dst(%arg12 : memref<80x128xf32, #tpu.memory_space<vmem>>)
      "tpu.region"() ({
        %run_scoped3A = tpu.sem_alloc : memref<!tpu.dma_semaphore, #tpu.memory_space<semaphore_mem>>
        %dma_start3A_75 = arith.constant 0 : i32
        %dma_start3A_76 = arith.constant 0 : i32
        %dma_start3A_77 = tpu.memref_slice %arg15[%dma_start3A_75, %dma_start3A_76] : memref<10240x128xf32, #tpu.memory_space<vmem_shared>> -> memref<10240x128xf32, #tpu.memory_space<vmem_shared>>
        tpu.enqueue_indirect_dma source(%arg12 : memref<80x128xf32, #tpu.memory_space<vmem>>) target(%dma_start3A_77 : memref<10240x128xf32, #tpu.memory_space<vmem_shared>>) offsets(%arg7 : memref<80xi32, #tpu.memory_space<vmem>>) semaphore(%run_scoped3A : memref<!tpu.dma_semaphore, #tpu.memory_space<semaphore_mem>>) {add = true}
        %dma_wait3A_78 = arith.constant 0 : i32
        %dma_wait3A_79 = arith.constant 0 : i32
        %dma_wait3A_80 = tpu.memref_slice %arg15[%dma_wait3A_78, %dma_wait3A_79] : memref<10240x128xf32, #tpu.memory_space<vmem_shared>> -> memref<10240x128xf32, #tpu.memory_space<vmem_shared>>
        tpu.wait_indirect_dma semaphore(%run_scoped3A : memref<!tpu.dma_semaphore, #tpu.memory_space<semaphore_mem>>) src(%arg12 : memref<80x128xf32, #tpu.memory_space<vmem>>) dst(%dma_wait3A_80 : memref<10240x128xf32, #tpu.memory_space<vmem_shared>>)
        tpu.yield
      }) : () -> ()
      %add3A_51 = arith.constant 3 : i32
      %add3A_52 = arith.addi %add3A_48, %add3A_51 : i32
      %lt3A = arith.constant 126 : i32
      %lt3A_53 = arith.cmpi slt, %add3A_52, %lt3A : i32
      %convert_element_type3A = arith.extui %lt3A_53 : i1 to i32
      %cond3A = arith.constant 0 : i32
      %cond3A_54 = arith.cmpi ne, %convert_element_type3A, %cond3A : i32
      scf.if %cond3A_54 {
        %add3A_75 = arith.constant 3 : i32
        %add3A_76 = arith.addi %add3A_48, %add3A_75 : i32
        %scan3A_77 = arith.constant 0 : i32
        %scan3A_78 = arith.constant 5 : i32
        %scan3A_79 = arith.addi %scan3A_77, %scan3A_78 : i32
        %scan3A_80 = arith.constant 1 : i32
        scf.for %scan3A_85 = %scan3A_77 to %scan3A_79 step %scan3A_80  : i32 {
          %mul3A_86 = arith.constant 16 : i32
          %mul3A_87 = arith.muli %scan3A_85, %mul3A_86 : i32
          %add3A_88 = arith.constant 0 : i32
          %add3A_89 = arith.addi %add3A_88, %mul3A_87 : i32
          %get3A = arith.index_cast %add3A_76 : i32 to index
          %get3A_90 = arith.index_cast %add3A_89 : i32 to index
          %get3A_91 = tpu.vector_load %arg5[%get3A, %get3A_90] {strides = array<i32>} : memref<126x80xi32, #tpu.memory_space<vmem>>, vector<16xi32>,
          %and3A = arith.constant 65535 : i32
          %and3A_92 = vector.broadcast %and3A : i32 to vector<16xi32>
          %and3A_93 = arith.andi %get3A_91, %and3A_92 : vector<16xi32>
          %swap3A = arith.index_cast %add3A_89 : i32 to index
          %swap3A_94 = tpu.vector_load %arg6[%swap3A] {strides = array<i32>} : memref<80xi32, #tpu.memory_space<vmem>>, vector<16xi32>,
          tpu.vector_store %arg6[%swap3A], %and3A_93 {strides = array<i32>} : memref<80xi32, #tpu.memory_space<vmem>>, vector<16xi32>,
          %shift_right_logical3A = arith.constant 16 : i32
          %shift_right_logical3A_95 = vector.broadcast %shift_right_logical3A : i32 to vector<16xi32>
          %shift_right_logical3A_96 = arith.shrui %get3A_91, %shift_right_logical3A_95 : vector<16xi32>
          %swap3A_97 = arith.index_cast %add3A_89 : i32 to index
          %swap3A_98 = tpu.vector_load %arg7[%swap3A_97] {strides = array<i32>} : memref<80xi32, #tpu.memory_space<vmem>>, vector<16xi32>,
          tpu.vector_store %arg7[%swap3A_97], %shift_right_logical3A_96 {strides = array<i32>} : memref<80xi32, #tpu.memory_space<vmem>>, vector<16xi32>,
        }
        %scan3A_81 = arith.constant 5 : i32
        %dma_start3A_82 = arith.constant 0 : i32
        %dma_start3A_83 = arith.constant 0 : i32
        %dma_start3A_84 = tpu.memref_slice %arg2[%dma_start3A_82, %dma_start3A_83] : memref<10240x128xf32, #tpu.memory_space<hbm>> -> memref<10240x128xf32, #tpu.memory_space<hbm>>
        tpu.enqueue_indirect_dma source(%dma_start3A_84 : memref<10240x128xf32, #tpu.memory_space<hbm>>) target(%arg12 : memref<80x128xf32, #tpu.memory_space<vmem>>) offsets(%arg6 : memref<80xi32, #tpu.memory_space<vmem>>) semaphore(%arg16 : memref<!tpu.dma_semaphore, #tpu.memory_space<semaphore_mem>>)
      } else {
      }
      %dma_wait3A_55 = arith.constant 0 : i32
      %dma_wait3A_56 = arith.constant 0 : i32
      %dma_wait3A_57 = tpu.memref_slice %arg2[%dma_wait3A_55, %dma_wait3A_56] : memref<10240x128xf32, #tpu.memory_space<hbm>> -> memref<10240x128xf32, #tpu.memory_space<hbm>>
      tpu.wait_indirect_dma semaphore(%arg17 : memref<!tpu.dma_semaphore, #tpu.memory_space<semaphore_mem>>) src(%dma_wait3A_57 : memref<10240x128xf32, #tpu.memory_space<hbm>>) dst(%arg13 : memref<80x128xf32, #tpu.memory_space<vmem>>)
      "tpu.region"() ({
        %run_scoped3A = tpu.sem_alloc : memref<!tpu.dma_semaphore, #tpu.memory_space<semaphore_mem>>
        %dma_start3A_75 = arith.constant 0 : i32
        %dma_start3A_76 = arith.constant 0 : i32
        %dma_start3A_77 = tpu.memref_slice %arg15[%dma_start3A_75, %dma_start3A_76] : memref<10240x128xf32, #tpu.memory_space<vmem_shared>> -> memref<10240x128xf32, #tpu.memory_space<vmem_shared>>
        tpu.enqueue_indirect_dma source(%arg13 : memref<80x128xf32, #tpu.memory_space<vmem>>) target(%dma_start3A_77 : memref<10240x128xf32, #tpu.memory_space<vmem_shared>>) offsets(%arg9 : memref<80xi32, #tpu.memory_space<vmem>>) semaphore(%run_scoped3A : memref<!tpu.dma_semaphore, #tpu.memory_space<semaphore_mem>>) {add = true}
        %dma_wait3A_78 = arith.constant 0 : i32
        %dma_wait3A_79 = arith.constant 0 : i32
        %dma_wait3A_80 = tpu.memref_slice %arg15[%dma_wait3A_78, %dma_wait3A_79] : memref<10240x128xf32, #tpu.memory_space<vmem_shared>> -> memref<10240x128xf32, #tpu.memory_space<vmem_shared>>
        tpu.wait_indirect_dma semaphore(%run_scoped3A : memref<!tpu.dma_semaphore, #tpu.memory_space<semaphore_mem>>) src(%arg13 : memref<80x128xf32, #tpu.memory_space<vmem>>) dst(%dma_wait3A_80 : memref<10240x128xf32, #tpu.memory_space<vmem_shared>>)
        tpu.yield
      }) : () -> ()
      %add3A_58 = arith.constant 4 : i32
      %add3A_59 = arith.addi %add3A_48, %add3A_58 : i32
      %lt3A_60 = arith.constant 126 : i32
      %lt3A_61 = arith.cmpi slt, %add3A_59, %lt3A_60 : i32
      %convert_element_type3A_62 = arith.extui %lt3A_61 : i1 to i32
      %cond3A_63 = arith.constant 0 : i32
      %cond3A_64 = arith.cmpi ne, %convert_element_type3A_62, %cond3A_63 : i32
      scf.if %cond3A_64 {
        %add3A_75 = arith.constant 4 : i32
        %add3A_76 = arith.addi %add3A_48, %add3A_75 : i32
        %scan3A_77 = arith.constant 0 : i32
        %scan3A_78 = arith.constant 5 : i32
        %scan3A_79 = arith.addi %scan3A_77, %scan3A_78 : i32
        %scan3A_80 = arith.constant 1 : i32
        scf.for %scan3A_85 = %scan3A_77 to %scan3A_79 step %scan3A_80  : i32 {
          %mul3A_86 = arith.constant 16 : i32
          %mul3A_87 = arith.muli %scan3A_85, %mul3A_86 : i32
          %add3A_88 = arith.constant 0 : i32
          %add3A_89 = arith.addi %add3A_88, %mul3A_87 : i32
          %get3A = arith.index_cast %add3A_76 : i32 to index
          %get3A_90 = arith.index_cast %add3A_89 : i32 to index
          %get3A_91 = tpu.vector_load %arg5[%get3A, %get3A_90] {strides = array<i32>} : memref<126x80xi32, #tpu.memory_space<vmem>>, vector<16xi32>,
          %and3A = arith.constant 65535 : i32
          %and3A_92 = vector.broadcast %and3A : i32 to vector<16xi32>
          %and3A_93 = arith.andi %get3A_91, %and3A_92 : vector<16xi32>
          %swap3A = arith.index_cast %add3A_89 : i32 to index
          %swap3A_94 = tpu.vector_load %arg8[%swap3A] {strides = array<i32>} : memref<80xi32, #tpu.memory_space<vmem>>, vector<16xi32>,
          tpu.vector_store %arg8[%swap3A], %and3A_93 {strides = array<i32>} : memref<80xi32, #tpu.memory_space<vmem>>, vector<16xi32>,
          %shift_right_logical3A = arith.constant 16 : i32
          %shift_right_logical3A_95 = vector.broadcast %shift_right_logical3A : i32 to vector<16xi32>
          %shift_right_logical3A_96 = arith.shrui %get3A_91, %shift_right_logical3A_95 : vector<16xi32>
          %swap3A_97 = arith.index_cast %add3A_89 : i32 to index
          %swap3A_98 = tpu.vector_load %arg9[%swap3A_97] {strides = array<i32>} : memref<80xi32, #tpu.memory_space<vmem>>, vector<16xi32>,
          tpu.vector_store %arg9[%swap3A_97], %shift_right_logical3A_96 {strides = array<i32>} : memref<80xi32, #tpu.memory_space<vmem>>, vector<16xi32>,
        }
        %scan3A_81 = arith.constant 5 : i32
        %dma_start3A_82 = arith.constant 0 : i32
        %dma_start3A_83 = arith.constant 0 : i32
        %dma_start3A_84 = tpu.memref_slice %arg2[%dma_start3A_82, %dma_start3A_83] : memref<10240x128xf32, #tpu.memory_space<hbm>> -> memref<10240x128xf32, #tpu.memory_space<hbm>>
        tpu.enqueue_indirect_dma source(%dma_start3A_84 : memref<10240x128xf32, #tpu.memory_space<hbm>>) target(%arg13 : memref<80x128xf32, #tpu.memory_space<vmem>>) offsets(%arg8 : memref<80xi32, #tpu.memory_space<vmem>>) semaphore(%arg17 : memref<!tpu.dma_semaphore, #tpu.memory_space<semaphore_mem>>)
      } else {
      }
      %dma_wait3A_65 = arith.constant 0 : i32
      %dma_wait3A_66 = arith.constant 0 : i32
      %dma_wait3A_67 = tpu.memref_slice %arg2[%dma_wait3A_65, %dma_wait3A_66] : memref<10240x128xf32, #tpu.memory_space<hbm>> -> memref<10240x128xf32, #tpu.memory_space<hbm>>
      tpu.wait_indirect_dma semaphore(%arg18 : memref<!tpu.dma_semaphore, #tpu.memory_space<semaphore_mem>>) src(%dma_wait3A_67 : memref<10240x128xf32, #tpu.memory_space<hbm>>) dst(%arg14 : memref<80x128xf32, #tpu.memory_space<vmem>>)
      "tpu.region"() ({
        %run_scoped3A = tpu.sem_alloc : memref<!tpu.dma_semaphore, #tpu.memory_space<semaphore_mem>>
        %dma_start3A_75 = arith.constant 0 : i32
        %dma_start3A_76 = arith.constant 0 : i32
        %dma_start3A_77 = tpu.memref_slice %arg15[%dma_start3A_75, %dma_start3A_76] : memref<10240x128xf32, #tpu.memory_space<vmem_shared>> -> memref<10240x128xf32, #tpu.memory_space<vmem_shared>>
        tpu.enqueue_indirect_dma source(%arg14 : memref<80x128xf32, #tpu.memory_space<vmem>>) target(%dma_start3A_77 : memref<10240x128xf32, #tpu.memory_space<vmem_shared>>) offsets(%arg11 : memref<80xi32, #tpu.memory_space<vmem>>) semaphore(%run_scoped3A : memref<!tpu.dma_semaphore, #tpu.memory_space<semaphore_mem>>) {add = true}
        %dma_wait3A_78 = arith.constant 0 : i32
        %dma_wait3A_79 = arith.constant 0 : i32
        %dma_wait3A_80 = tpu.memref_slice %arg15[%dma_wait3A_78, %dma_wait3A_79] : memref<10240x128xf32, #tpu.memory_space<vmem_shared>> -> memref<10240x128xf32, #tpu.memory_space<vmem_shared>>
        tpu.wait_indirect_dma semaphore(%run_scoped3A : memref<!tpu.dma_semaphore, #tpu.memory_space<semaphore_mem>>) src(%arg14 : memref<80x128xf32, #tpu.memory_space<vmem>>) dst(%dma_wait3A_80 : memref<10240x128xf32, #tpu.memory_space<vmem_shared>>)
        tpu.yield
      }) : () -> ()
      %add3A_68 = arith.constant 5 : i32
      %add3A_69 = arith.addi %add3A_48, %add3A_68 : i32
      %lt3A_70 = arith.constant 126 : i32
      %lt3A_71 = arith.cmpi slt, %add3A_69, %lt3A_70 : i32
      %convert_element_type3A_72 = arith.extui %lt3A_71 : i1 to i32
      %cond3A_73 = arith.constant 0 : i32
      %cond3A_74 = arith.cmpi ne, %convert_element_type3A_72, %cond3A_73 : i32
      scf.if %cond3A_74 {
        %add3A_75 = arith.constant 5 : i32
        %add3A_76 = arith.addi %add3A_48, %add3A_75 : i32
        %scan3A_77 = arith.constant 0 : i32
        %scan3A_78 = arith.constant 5 : i32
        %scan3A_79 = arith.addi %scan3A_77, %scan3A_78 : i32
        %scan3A_80 = arith.constant 1 : i32
        scf.for %scan3A_85 = %scan3A_77 to %scan3A_79 step %scan3A_80  : i32 {
          %mul3A_86 = arith.constant 16 : i32
          %mul3A_87 = arith.muli %scan3A_85, %mul3A_86 : i32
          %add3A_88 = arith.constant 0 : i32
          %add3A_89 = arith.addi %add3A_88, %mul3A_87 : i32
          %get3A = arith.index_cast %add3A_76 : i32 to index
          %get3A_90 = arith.index_cast %add3A_89 : i32 to index
          %get3A_91 = tpu.vector_load %arg5[%get3A, %get3A_90] {strides = array<i32>} : memref<126x80xi32, #tpu.memory_space<vmem>>, vector<16xi32>,
          %and3A = arith.constant 65535 : i32
          %and3A_92 = vector.broadcast %and3A : i32 to vector<16xi32>
          %and3A_93 = arith.andi %get3A_91, %and3A_92 : vector<16xi32>
          %swap3A = arith.index_cast %add3A_89 : i32 to index
          %swap3A_94 = tpu.vector_load %arg10[%swap3A] {strides = array<i32>} : memref<80xi32, #tpu.memory_space<vmem>>, vector<16xi32>,
          tpu.vector_store %arg10[%swap3A], %and3A_93 {strides = array<i32>} : memref<80xi32, #tpu.memory_space<vmem>>, vector<16xi32>,
          %shift_right_logical3A = arith.constant 16 : i32
          %shift_right_logical3A_95 = vector.broadcast %shift_right_logical3A : i32 to vector<16xi32>
          %shift_right_logical3A_96 = arith.shrui %get3A_91, %shift_right_logical3A_95 : vector<16xi32>
          %swap3A_97 = arith.index_cast %add3A_89 : i32 to index
          %swap3A_98 = tpu.vector_load %arg11[%swap3A_97] {strides = array<i32>} : memref<80xi32, #tpu.memory_space<vmem>>, vector<16xi32>,
          tpu.vector_store %arg11[%swap3A_97], %shift_right_logical3A_96 {strides = array<i32>} : memref<80xi32, #tpu.memory_space<vmem>>, vector<16xi32>,
        }
        %scan3A_81 = arith.constant 5 : i32
        %dma_start3A_82 = arith.constant 0 : i32
        %dma_start3A_83 = arith.constant 0 : i32
        %dma_start3A_84 = tpu.memref_slice %arg2[%dma_start3A_82, %dma_start3A_83] : memref<10240x128xf32, #tpu.memory_space<hbm>> -> memref<10240x128xf32, #tpu.memory_space<hbm>>
        tpu.enqueue_indirect_dma source(%dma_start3A_84 : memref<10240x128xf32, #tpu.memory_space<hbm>>) target(%arg14 : memref<80x128xf32, #tpu.memory_space<vmem>>) offsets(%arg10 : memref<80xi32, #tpu.memory_space<vmem>>) semaphore(%arg18 : memref<!tpu.dma_semaphore, #tpu.memory_space<semaphore_mem>>)
      } else {
      }
    }
    %scan3A_37 = arith.constant 42 : i32
    %barrier3A_38 = arith.constant 0 : index
    tpu.barrier barrier_id(%barrier3A_38)
    %scan3A_39 = arith.constant 0 : i32
    %scan3A_40 = arith.constant 5 : i32
    %scan3A_41 = arith.addi %scan3A_39, %scan3A_40 : i32
    %scan3A_42 = arith.constant 1 : i32
    scf.for %scan3A_44 = %scan3A_39 to %scan3A_41 step %scan3A_42  : i32 {
      %mul3A_45 = arith.constant 128 : i32
      %mul3A_46 = arith.muli %scan3A_44, %mul3A_45 : i32
      %add3A_47 = arith.constant 0 : i32
      %add3A_48 = arith.addi %add3A_47, %mul3A_46 : i32
      %mul3A_49 = arith.constant 640 : i32
      %mul3A_50 = arith.muli %arg1, %mul3A_49 : i32
      %add3A_51 = arith.addi %mul3A_50, %add3A_48 : i32
      "tpu.region"() ({
        %run_scoped3A = tpu.sem_alloc : memref<!tpu.dma_semaphore, #tpu.memory_space<semaphore_mem>>
        %dma_start3A_52 = arith.constant 0 : i32
        %dma_start3A_53 = tpu.memref_slice %arg4[%arg0, %add3A_51, %dma_start3A_52] : memref<2x10240x128xf32, #tpu.memory_space<hbm>> -> memref<1x128x128xf32, #tpu.memory_space<hbm>>
        %dma_start3A_54 = tpu.memref_squeeze %dma_start3A_53 : memref<1x128x128xf32, #tpu.memory_space<hbm>> -> memref<128x128xf32, #tpu.memory_space<hbm>>
        %dma_start3A_55 = arith.constant 0 : i32
        %dma_start3A_56 = tpu.memref_slice %arg15[%add3A_51, %dma_start3A_55] : memref<10240x128xf32, #tpu.memory_space<vmem_shared>> -> memref<128x128xf32, #tpu.memory_space<vmem_shared>>
        tpu.enqueue_dma source(%dma_start3A_56 : memref<128x128xf32, #tpu.memory_space<vmem_shared>>) target(%dma_start3A_54 : memref<128x128xf32, #tpu.memory_space<hbm>>) target_semaphore(%run_scoped3A : memref<!tpu.dma_semaphore, #tpu.memory_space<semaphore_mem>>)
        %dma_wait3A = arith.constant 0 : i32
        %dma_wait3A_57 = tpu.memref_slice %arg4[%arg0, %add3A_51, %dma_wait3A] : memref<2x10240x128xf32, #tpu.memory_space<hbm>> -> memref<1x128x128xf32, #tpu.memory_space<hbm>>
        %dma_wait3A_58 = tpu.memref_squeeze %dma_wait3A_57 : memref<1x128x128xf32, #tpu.memory_space<hbm>> -> memref<128x128xf32, #tpu.memory_space<hbm>>
        %dma_wait3A_59 = arith.constant 0 : i32
        %dma_wait3A_60 = tpu.memref_slice %arg15[%add3A_51, %dma_wait3A_59] : memref<10240x128xf32, #tpu.memory_space<vmem_shared>> -> memref<128x128xf32, #tpu.memory_space<vmem_shared>>
        tpu.wait_dma2 semaphore(%run_scoped3A : memref<!tpu.dma_semaphore, #tpu.memory_space<semaphore_mem>>) src(%dma_wait3A_60 : memref<128x128xf32, #tpu.memory_space<vmem_shared>>) dst(%dma_wait3A_58 : memref<128x128xf32, #tpu.memory_space<hbm>>)
        tpu.yield
      }) : () -> ()
    }
    %scan3A_43 = arith.constant 5 : i32
    return
  }
}

#map = affine_map<(d0, d1) -> (0, 0, 0)>
module attributes {stable_mosaic.version = 14 : i64} {
  func.func @deg_kernel(%arg0: i32, %arg1: i32, %arg2: memref<32x126x80xi32, #tpu.memory_space<hbm>>, %arg3: memref<32x80x128xf32, #tpu.memory_space<hbm>>, %arg4: memref<126x80xi32, #tpu.memory_space<vmem>>, %arg5: memref<80x128xf32, #tpu.memory_space<vmem>>) attributes {dimension_semantics = [#tpu.dimension_semantics<core_parallel>, #tpu.dimension_semantics<subcore_parallel>], iteration_bounds = array<i64: 2, 16>, scalar_prefetch = 0 : i64, scratch_operands = 2 : i64, tpu.core_type = #tpu.core_type<sc_vector_subcore>, window_params = [{transform_indices = #map}, {transform_indices = #map}]} {
    %mul3A = arith.constant 2 : i32
    %mul3A_0 = arith.muli %arg1, %mul3A : i32
    %add3A = arith.addi %mul3A_0, %arg0 : i32
    %scan3A = arith.constant 0 : i32
    %scan3A_1 = arith.constant 80 : i32
    %scan3A_2 = arith.addi %scan3A, %scan3A_1 : i32
    %scan3A_3 = arith.constant 1 : i32
    scf.for %scan3A_11 = %scan3A to %scan3A_2 step %scan3A_3  : i32 {
      %mul3A_12 = arith.constant 1 : i32
      %mul3A_13 = arith.muli %scan3A_11, %mul3A_12 : i32
      %add3A_14 = arith.constant 0 : i32
      %add3A_15 = arith.addi %add3A_14, %mul3A_13 : i32
      %scan3A_16 = arith.constant 0 : i32
      %scan3A_17 = arith.constant 8 : i32
      %scan3A_18 = arith.addi %scan3A_16, %scan3A_17 : i32
      %scan3A_19 = arith.constant 1 : i32
      scf.for %scan3A_21 = %scan3A_16 to %scan3A_18 step %scan3A_19  : i32 {
        %mul3A_22 = arith.constant 16 : i32
        %mul3A_23 = arith.muli %scan3A_21, %mul3A_22 : i32
        %add3A_24 = arith.constant 0 : i32
        %add3A_25 = arith.addi %add3A_24, %mul3A_23 : i32
        %broadcast_in_dim3A_26 = arith.constant 0.000000e+00 : f32
        %broadcast_in_dim3A_27 = vector.broadcast %broadcast_in_dim3A_26 : f32 to vector<16xf32>
        %swap3A = arith.index_cast %add3A_15 : i32 to index
        %swap3A_28 = arith.index_cast %add3A_25 : i32 to index
        %swap3A_29 = tpu.vector_load %arg5[%swap3A, %swap3A_28] {strides = array<i32>} : memref<80x128xf32, #tpu.memory_space<vmem>>, vector<16xf32>,
        tpu.vector_store %arg5[%swap3A, %swap3A_28], %broadcast_in_dim3A_27 {strides = array<i32>} : memref<80x128xf32, #tpu.memory_space<vmem>>, vector<16xf32>,
      }
      %scan3A_20 = arith.constant 8 : i32
    }
    %scan3A_4 = arith.constant 80 : i32
    "tpu.region"() ({
      %run_scoped3A = tpu.sem_alloc : memref<!tpu.dma_semaphore, #tpu.memory_space<semaphore_mem>>
      %dma_start3A = arith.constant 0 : i32
      %dma_start3A_11 = arith.constant 0 : i32
      %dma_start3A_12 = tpu.memref_slice %arg2[%add3A, %dma_start3A, %dma_start3A_11] : memref<32x126x80xi32, #tpu.memory_space<hbm>> -> memref<1x126x80xi32, #tpu.memory_space<hbm>>
      %dma_start3A_13 = tpu.memref_squeeze %dma_start3A_12 : memref<1x126x80xi32, #tpu.memory_space<hbm>> -> memref<126x80xi32, #tpu.memory_space<hbm>>
      %dma_start3A_14 = arith.constant 0 : i32
      %dma_start3A_15 = arith.constant 0 : i32
      %dma_start3A_16 = tpu.memref_slice %arg2[%add3A, %dma_start3A_14, %dma_start3A_15] : memref<32x126x80xi32, #tpu.memory_space<hbm>> -> memref<1x126x80xi32, #tpu.memory_space<hbm>>
      %dma_start3A_17 = tpu.memref_squeeze %dma_start3A_16 : memref<1x126x80xi32, #tpu.memory_space<hbm>> -> memref<126x80xi32, #tpu.memory_space<hbm>>
      tpu.enqueue_dma source(%dma_start3A_17 : memref<126x80xi32, #tpu.memory_space<hbm>>) target(%arg4 : memref<126x80xi32, #tpu.memory_space<vmem>>) target_semaphore(%run_scoped3A : memref<!tpu.dma_semaphore, #tpu.memory_space<semaphore_mem>>)
      %dma_wait3A = arith.constant 0 : i32
      %dma_wait3A_18 = arith.constant 0 : i32
      %dma_wait3A_19 = tpu.memref_slice %arg2[%add3A, %dma_wait3A, %dma_wait3A_18] : memref<32x126x80xi32, #tpu.memory_space<hbm>> -> memref<1x126x80xi32, #tpu.memory_space<hbm>>
      %dma_wait3A_20 = tpu.memref_squeeze %dma_wait3A_19 : memref<1x126x80xi32, #tpu.memory_space<hbm>> -> memref<126x80xi32, #tpu.memory_space<hbm>>
      %dma_wait3A_21 = arith.constant 0 : i32
      %dma_wait3A_22 = arith.constant 0 : i32
      %dma_wait3A_23 = tpu.memref_slice %arg2[%add3A, %dma_wait3A_21, %dma_wait3A_22] : memref<32x126x80xi32, #tpu.memory_space<hbm>> -> memref<1x126x80xi32, #tpu.memory_space<hbm>>
      %dma_wait3A_24 = tpu.memref_squeeze %dma_wait3A_23 : memref<1x126x80xi32, #tpu.memory_space<hbm>> -> memref<126x80xi32, #tpu.memory_space<hbm>>
      tpu.wait_dma2 semaphore(%run_scoped3A : memref<!tpu.dma_semaphore, #tpu.memory_space<semaphore_mem>>) src(%dma_wait3A_24 : memref<126x80xi32, #tpu.memory_space<hbm>>) dst(%arg4 : memref<126x80xi32, #tpu.memory_space<vmem>>)
      tpu.yield
    }) : () -> ()
    %broadcast_in_dim3A = arith.constant 1.000000e+00 : f32
    %broadcast_in_dim3A_5 = vector.broadcast %broadcast_in_dim3A : f32 to vector<16xf32>
    %scan3A_6 = arith.constant 0 : i32
    %scan3A_7 = arith.constant 126 : i32
    %scan3A_8 = arith.addi %scan3A_6, %scan3A_7 : i32
    %scan3A_9 = arith.constant 1 : i32
    scf.for %scan3A_11 = %scan3A_6 to %scan3A_8 step %scan3A_9  : i32 {
      %mul3A_12 = arith.constant 1 : i32
      %mul3A_13 = arith.muli %scan3A_11, %mul3A_12 : i32
      %add3A_14 = arith.constant 0 : i32
      %add3A_15 = arith.addi %add3A_14, %mul3A_13 : i32
      %scan3A_16 = arith.constant 0 : i32
      %scan3A_17 = arith.constant 5 : i32
      %scan3A_18 = arith.addi %scan3A_16, %scan3A_17 : i32
      %scan3A_19 = arith.constant 1 : i32
      scf.for %scan3A_21 = %scan3A_16 to %scan3A_18 step %scan3A_19  : i32 {
        %mul3A_22 = arith.constant 16 : i32
        %mul3A_23 = arith.muli %scan3A_21, %mul3A_22 : i32
        %add3A_24 = arith.constant 0 : i32
        %add3A_25 = arith.addi %add3A_24, %mul3A_23 : i32
        %get3A = arith.index_cast %add3A_15 : i32 to index
        %get3A_26 = arith.index_cast %add3A_25 : i32 to index
        %get3A_27 = tpu.vector_load %arg4[%get3A, %get3A_26] {strides = array<i32>} : memref<126x80xi32, #tpu.memory_space<vmem>>, vector<16xi32>,
        %shift_right_logical3A = arith.constant 16 : i32
        %shift_right_logical3A_28 = vector.broadcast %shift_right_logical3A : i32 to vector<16xi32>
        %shift_right_logical3A_29 = arith.shrui %get3A_27, %shift_right_logical3A_28 : vector<16xi32>
        %shift_right_logical3A_30 = arith.constant 7 : i32
        %shift_right_logical3A_31 = vector.broadcast %shift_right_logical3A_30 : i32 to vector<16xi32>
        %shift_right_logical3A_32 = arith.shrui %shift_right_logical3A_29, %shift_right_logical3A_31 : vector<16xi32>
        %and3A = arith.constant 127 : i32
        %and3A_33 = vector.broadcast %and3A : i32 to vector<16xi32>
        %and3A_34 = arith.andi %shift_right_logical3A_29, %and3A_33 : vector<16xi32>
        tpu.vector_store_idx %arg5[%shift_right_logical3A_32, %and3A_34], %broadcast_in_dim3A_5 {add = true} : memref<80x128xf32, #tpu.memory_space<vmem>>[vector<16xi32>, vector<16xi32>], vector<16xf32>,
      }
      %scan3A_20 = arith.constant 5 : i32
    }
    %scan3A_10 = arith.constant 126 : i32
    "tpu.region"() ({
      %run_scoped3A = tpu.sem_alloc : memref<!tpu.dma_semaphore, #tpu.memory_space<semaphore_mem>>
      %dma_start3A = arith.constant 0 : i32
      %dma_start3A_11 = arith.constant 0 : i32
      %dma_start3A_12 = tpu.memref_slice %arg3[%add3A, %dma_start3A, %dma_start3A_11] : memref<32x80x128xf32, #tpu.memory_space<hbm>> -> memref<1x80x128xf32, #tpu.memory_space<hbm>>
      %dma_start3A_13 = tpu.memref_squeeze %dma_start3A_12 : memref<1x80x128xf32, #tpu.memory_space<hbm>> -> memref<80x128xf32, #tpu.memory_space<hbm>>
      %dma_start3A_14 = arith.constant 0 : i32
      %dma_start3A_15 = arith.constant 0 : i32
      %dma_start3A_16 = tpu.memref_slice %arg3[%add3A, %dma_start3A_14, %dma_start3A_15] : memref<32x80x128xf32, #tpu.memory_space<hbm>> -> memref<1x80x128xf32, #tpu.memory_space<hbm>>
      %dma_start3A_17 = tpu.memref_squeeze %dma_start3A_16 : memref<1x80x128xf32, #tpu.memory_space<hbm>> -> memref<80x128xf32, #tpu.memory_space<hbm>>
      tpu.enqueue_dma source(%arg5 : memref<80x128xf32, #tpu.memory_space<vmem>>) target(%dma_start3A_17 : memref<80x128xf32, #tpu.memory_space<hbm>>) target_semaphore(%run_scoped3A : memref<!tpu.dma_semaphore, #tpu.memory_space<semaphore_mem>>)
      %dma_wait3A = arith.constant 0 : i32
      %dma_wait3A_18 = arith.constant 0 : i32
      %dma_wait3A_19 = tpu.memref_slice %arg3[%add3A, %dma_wait3A, %dma_wait3A_18] : memref<32x80x128xf32, #tpu.memory_space<hbm>> -> memref<1x80x128xf32, #tpu.memory_space<hbm>>
      %dma_wait3A_20 = tpu.memref_squeeze %dma_wait3A_19 : memref<1x80x128xf32, #tpu.memory_space<hbm>> -> memref<80x128xf32, #tpu.memory_space<hbm>>
      %dma_wait3A_21 = arith.constant 0 : i32
      %dma_wait3A_22 = arith.constant 0 : i32
      %dma_wait3A_23 = tpu.memref_slice %arg3[%add3A, %dma_wait3A_21, %dma_wait3A_22] : memref<32x80x128xf32, #tpu.memory_space<hbm>> -> memref<1x80x128xf32, #tpu.memory_space<hbm>>
      %dma_wait3A_24 = tpu.memref_squeeze %dma_wait3A_23 : memref<1x80x128xf32, #tpu.memory_space<hbm>> -> memref<80x128xf32, #tpu.memory_space<hbm>>
      tpu.wait_dma2 semaphore(%run_scoped3A : memref<!tpu.dma_semaphore, #tpu.memory_space<semaphore_mem>>) src(%arg5 : memref<80x128xf32, #tpu.memory_space<vmem>>) dst(%dma_wait3A_24 : memref<80x128xf32, #tpu.memory_space<hbm>>)
      tpu.yield
    }) : () -> ()
    return
  }
}

#map = affine_map<(d0, d1) -> (0, 0)>
#map1 = affine_map<(d0, d1) -> (0, 0, 0)>
module attributes {stable_mosaic.version = 14 : i64} {
  func.func @agg_kernel(%arg0: i32, %arg1: i32, %arg2: memref<10240x128xf32, #tpu.memory_space<hbm>>, %arg3: memref<32x126x80xi32, #tpu.memory_space<hbm>>, %arg4: memref<2x10240x128xf32, #tpu.memory_space<hbm>>, %arg5: memref<126x80xi32, #tpu.memory_space<vmem>>, %arg6: memref<80xi32, #tpu.memory_space<vmem>>, %arg7: memref<80xi32, #tpu.memory_space<vmem>>, %arg8: memref<80xi32, #tpu.memory_space<vmem>>, %arg9: memref<80xi32, #tpu.memory_space<vmem>>, %arg10: memref<80xi32, #tpu.memory_space<vmem>>, %arg11: memref<80xi32, #tpu.memory_space<vmem>>, %arg12: memref<80x128xf32, #tpu.memory_space<vmem>>, %arg13: memref<80x128xf32, #tpu.memory_space<vmem>>, %arg14: memref<80x128xf32, #tpu.memory_space<vmem>>, %arg15: memref<10240x128xf32, #tpu.memory_space<vmem_shared>>, %arg16: memref<!tpu.dma_semaphore, #tpu.memory_space<semaphore_mem>>, %arg17: memref<!tpu.dma_semaphore, #tpu.memory_space<semaphore_mem>>, %arg18: memref<!tpu.dma_semaphore, #tpu.memory_space<semaphore_mem>>) attributes {dimension_semantics = [#tpu.dimension_semantics<core_parallel>, #tpu.dimension_semantics<subcore_parallel>], iteration_bounds = array<i64: 2, 16>, scalar_prefetch = 0 : i64, scratch_operands = 14 : i64, tpu.core_type = #tpu.core_type<sc_vector_subcore>, window_params = [{transform_indices = #map}, {transform_indices = #map1}, {transform_indices = #map1}]} {
    %mul3A = arith.constant 2 : i32
    %mul3A_0 = arith.muli %arg1, %mul3A : i32
    %add3A = arith.addi %mul3A_0, %arg0 : i32
    %scan3A = arith.constant 0 : i32
    %scan3A_1 = arith.constant 80 : i32
    %scan3A_2 = arith.addi %scan3A, %scan3A_1 : i32
    %scan3A_3 = arith.constant 1 : i32
    scf.for %scan3A_44 = %scan3A to %scan3A_2 step %scan3A_3  : i32 {
      %mul3A_45 = arith.constant 1 : i32
      %mul3A_46 = arith.muli %scan3A_44, %mul3A_45 : i32
      %add3A_47 = arith.constant 0 : i32
      %add3A_48 = arith.addi %add3A_47, %mul3A_46 : i32
      %scan3A_49 = arith.constant 0 : i32
      %scan3A_50 = arith.constant 8 : i32
      %scan3A_51 = arith.addi %scan3A_49, %scan3A_50 : i32
      %scan3A_52 = arith.constant 1 : i32
      scf.for %scan3A_54 = %scan3A_49 to %scan3A_51 step %scan3A_52  : i32 {
        %mul3A_55 = arith.constant 16 : i32
        %mul3A_56 = arith.muli %scan3A_54, %mul3A_55 : i32
        %add3A_57 = arith.constant 0 : i32
        %add3A_58 = arith.addi %add3A_57, %mul3A_56 : i32
        %broadcast_in_dim3A = arith.constant 0.000000e+00 : f32
        %broadcast_in_dim3A_59 = vector.broadcast %broadcast_in_dim3A : f32 to vector<16xf32>
        %swap3A = arith.index_cast %add3A_48 : i32 to index
        %swap3A_60 = arith.index_cast %add3A_58 : i32 to index
        %swap3A_61 = tpu.vector_load %arg14[%swap3A, %swap3A_60] {strides = array<i32>} : memref<80x128xf32, #tpu.memory_space<vmem>>, vector<16xf32>,
        tpu.vector_store %arg14[%swap3A, %swap3A_60], %broadcast_in_dim3A_59 {strides = array<i32>} : memref<80x128xf32, #tpu.memory_space<vmem>>, vector<16xf32>,
      }
      %scan3A_53 = arith.constant 8 : i32
    }
    %scan3A_4 = arith.constant 80 : i32
    "tpu.region"() ({
      %run_scoped3A = tpu.sem_alloc : memref<!tpu.dma_semaphore, #tpu.memory_space<semaphore_mem>>
      %dma_start3A_44 = arith.constant 0 : i32
      %dma_start3A_45 = arith.constant 0 : i32
      %dma_start3A_46 = tpu.memref_slice %arg3[%add3A, %dma_start3A_44, %dma_start3A_45] : memref<32x126x80xi32, #tpu.memory_space<hbm>> -> memref<1x126x80xi32, #tpu.memory_space<hbm>>
      %dma_start3A_47 = tpu.memref_squeeze %dma_start3A_46 : memref<1x126x80xi32, #tpu.memory_space<hbm>> -> memref<126x80xi32, #tpu.memory_space<hbm>>
      %dma_start3A_48 = arith.constant 0 : i32
      %dma_start3A_49 = arith.constant 0 : i32
      %dma_start3A_50 = tpu.memref_slice %arg3[%add3A, %dma_start3A_48, %dma_start3A_49] : memref<32x126x80xi32, #tpu.memory_space<hbm>> -> memref<1x126x80xi32, #tpu.memory_space<hbm>>
      %dma_start3A_51 = tpu.memref_squeeze %dma_start3A_50 : memref<1x126x80xi32, #tpu.memory_space<hbm>> -> memref<126x80xi32, #tpu.memory_space<hbm>>
      tpu.enqueue_dma source(%dma_start3A_51 : memref<126x80xi32, #tpu.memory_space<hbm>>) target(%arg5 : memref<126x80xi32, #tpu.memory_space<vmem>>) target_semaphore(%run_scoped3A : memref<!tpu.dma_semaphore, #tpu.memory_space<semaphore_mem>>)
      %dma_wait3A = arith.constant 0 : i32
      %dma_wait3A_52 = arith.constant 0 : i32
      %dma_wait3A_53 = tpu.memref_slice %arg3[%add3A, %dma_wait3A, %dma_wait3A_52] : memref<32x126x80xi32, #tpu.memory_space<hbm>> -> memref<1x126x80xi32, #tpu.memory_space<hbm>>
      %dma_wait3A_54 = tpu.memref_squeeze %dma_wait3A_53 : memref<1x126x80xi32, #tpu.memory_space<hbm>> -> memref<126x80xi32, #tpu.memory_space<hbm>>
      %dma_wait3A_55 = arith.constant 0 : i32
      %dma_wait3A_56 = arith.constant 0 : i32
      %dma_wait3A_57 = tpu.memref_slice %arg3[%add3A, %dma_wait3A_55, %dma_wait3A_56] : memref<32x126x80xi32, #tpu.memory_space<hbm>> -> memref<1x126x80xi32, #tpu.memory_space<hbm>>
      %dma_wait3A_58 = tpu.memref_squeeze %dma_wait3A_57 : memref<1x126x80xi32, #tpu.memory_space<hbm>> -> memref<126x80xi32, #tpu.memory_space<hbm>>
      tpu.wait_dma2 semaphore(%run_scoped3A : memref<!tpu.dma_semaphore, #tpu.memory_space<semaphore_mem>>) src(%dma_wait3A_58 : memref<126x80xi32, #tpu.memory_space<hbm>>) dst(%arg5 : memref<126x80xi32, #tpu.memory_space<vmem>>)
      tpu.yield
    }) : () -> ()
    %scan3A_5 = arith.constant 0 : i32
    %scan3A_6 = arith.constant 5 : i32
    %scan3A_7 = arith.addi %scan3A_5, %scan3A_6 : i32
    %scan3A_8 = arith.constant 1 : i32
    scf.for %scan3A_44 = %scan3A_5 to %scan3A_7 step %scan3A_8  : i32 {
      %mul3A_45 = arith.constant 16 : i32
      %mul3A_46 = arith.muli %scan3A_44, %mul3A_45 : i32
      %add3A_47 = arith.constant 0 : i32
      %add3A_48 = arith.addi %add3A_47, %mul3A_46 : i32
      %get3A = arith.constant 0 : i32
      %get3A_49 = arith.index_cast %get3A : i32 to index
      %get3A_50 = arith.index_cast %add3A_48 : i32 to index
      %get3A_51 = tpu.vector_load %arg5[%get3A_49, %get3A_50] {strides = array<i32>} : memref<126x80xi32, #tpu.memory_space<vmem>>, vector<16xi32>,
      %and3A = arith.constant 65535 : i32
      %and3A_52 = vector.broadcast %and3A : i32 to vector<16xi32>
      %and3A_53 = arith.andi %get3A_51, %and3A_52 : vector<16xi32>
      %swap3A = arith.index_cast %add3A_48 : i32 to index
      %swap3A_54 = tpu.vector_load %arg6[%swap3A] {strides = array<i32>} : memref<80xi32, #tpu.memory_space<vmem>>, vector<16xi32>,
      tpu.vector_store %arg6[%swap3A], %and3A_53 {strides = array<i32>} : memref<80xi32, #tpu.memory_space<vmem>>, vector<16xi32>,
      %shift_right_logical3A = arith.constant 16 : i32
      %shift_right_logical3A_55 = vector.broadcast %shift_right_logical3A : i32 to vector<16xi32>
      %shift_right_logical3A_56 = arith.shrui %get3A_51, %shift_right_logical3A_55 : vector<16xi32>
      %swap3A_57 = arith.index_cast %add3A_48 : i32 to index
      %swap3A_58 = tpu.vector_load %arg7[%swap3A_57] {strides = array<i32>} : memref<80xi32, #tpu.memory_space<vmem>>, vector<16xi32>,
      tpu.vector_store %arg7[%swap3A_57], %shift_right_logical3A_56 {strides = array<i32>} : memref<80xi32, #tpu.memory_space<vmem>>, vector<16xi32>,
    }
    %scan3A_9 = arith.constant 5 : i32
    %dma_start3A = arith.constant 0 : i32
    %dma_start3A_10 = arith.constant 0 : i32
    %dma_start3A_11 = tpu.memref_slice %arg2[%dma_start3A, %dma_start3A_10] : memref<10240x128xf32, #tpu.memory_space<hbm>> -> memref<10240x128xf32, #tpu.memory_space<hbm>>
    tpu.enqueue_indirect_dma source(%dma_start3A_11 : memref<10240x128xf32, #tpu.memory_space<hbm>>) target(%arg12 : memref<80x128xf32, #tpu.memory_space<vmem>>) offsets(%arg6 : memref<80xi32, #tpu.memory_space<vmem>>) semaphore(%arg16 : memref<!tpu.dma_semaphore, #tpu.memory_space<semaphore_mem>>)
    %scan3A_12 = arith.constant 0 : i32
    %scan3A_13 = arith.constant 5 : i32
    %scan3A_14 = arith.addi %scan3A_12, %scan3A_13 : i32
    %scan3A_15 = arith.constant 1 : i32
    scf.for %scan3A_44 = %scan3A_12 to %scan3A_14 step %scan3A_15  : i32 {
      %mul3A_45 = arith.constant 16 : i32
      %mul3A_46 = arith.muli %scan3A_44, %mul3A_45 : i32
      %add3A_47 = arith.constant 0 : i32
      %add3A_48 = arith.addi %add3A_47, %mul3A_46 : i32
      %get3A = arith.constant 1 : i32
      %get3A_49 = arith.index_cast %get3A : i32 to index
      %get3A_50 = arith.index_cast %add3A_48 : i32 to index
      %get3A_51 = tpu.vector_load %arg5[%get3A_49, %get3A_50] {strides = array<i32>} : memref<126x80xi32, #tpu.memory_space<vmem>>, vector<16xi32>,
      %and3A = arith.constant 65535 : i32
      %and3A_52 = vector.broadcast %and3A : i32 to vector<16xi32>
      %and3A_53 = arith.andi %get3A_51, %and3A_52 : vector<16xi32>
      %swap3A = arith.index_cast %add3A_48 : i32 to index
      %swap3A_54 = tpu.vector_load %arg8[%swap3A] {strides = array<i32>} : memref<80xi32, #tpu.memory_space<vmem>>, vector<16xi32>,
      tpu.vector_store %arg8[%swap3A], %and3A_53 {strides = array<i32>} : memref<80xi32, #tpu.memory_space<vmem>>, vector<16xi32>,
      %shift_right_logical3A = arith.constant 16 : i32
      %shift_right_logical3A_55 = vector.broadcast %shift_right_logical3A : i32 to vector<16xi32>
      %shift_right_logical3A_56 = arith.shrui %get3A_51, %shift_right_logical3A_55 : vector<16xi32>
      %swap3A_57 = arith.index_cast %add3A_48 : i32 to index
      %swap3A_58 = tpu.vector_load %arg9[%swap3A_57] {strides = array<i32>} : memref<80xi32, #tpu.memory_space<vmem>>, vector<16xi32>,
      tpu.vector_store %arg9[%swap3A_57], %shift_right_logical3A_56 {strides = array<i32>} : memref<80xi32, #tpu.memory_space<vmem>>, vector<16xi32>,
    }
    %scan3A_16 = arith.constant 5 : i32
    %dma_start3A_17 = arith.constant 0 : i32
    %dma_start3A_18 = arith.constant 0 : i32
    %dma_start3A_19 = tpu.memref_slice %arg2[%dma_start3A_17, %dma_start3A_18] : memref<10240x128xf32, #tpu.memory_space<hbm>> -> memref<10240x128xf32, #tpu.memory_space<hbm>>
    tpu.enqueue_indirect_dma source(%dma_start3A_19 : memref<10240x128xf32, #tpu.memory_space<hbm>>) target(%arg13 : memref<80x128xf32, #tpu.memory_space<vmem>>) offsets(%arg8 : memref<80xi32, #tpu.memory_space<vmem>>) semaphore(%arg17 : memref<!tpu.dma_semaphore, #tpu.memory_space<semaphore_mem>>)
    %scan3A_20 = arith.constant 0 : i32
    %scan3A_21 = arith.constant 8 : i32
    %scan3A_22 = arith.addi %scan3A_20, %scan3A_21 : i32
    %scan3A_23 = arith.constant 1 : i32
    scf.for %scan3A_44 = %scan3A_20 to %scan3A_22 step %scan3A_23  : i32 {
      %mul3A_45 = arith.constant 80 : i32
      %mul3A_46 = arith.muli %scan3A_44, %mul3A_45 : i32
      %add3A_47 = arith.constant 0 : i32
      %add3A_48 = arith.addi %add3A_47, %mul3A_46 : i32
      %mul3A_49 = arith.constant 640 : i32
      %mul3A_50 = arith.muli %arg1, %mul3A_49 : i32
      %add3A_51 = arith.addi %mul3A_50, %add3A_48 : i32
      "tpu.region"() ({
        %run_scoped3A = tpu.sem_alloc : memref<!tpu.dma_semaphore, #tpu.memory_space<semaphore_mem>>
        %dma_start3A_52 = arith.constant 0 : i32
        %dma_start3A_53 = tpu.memref_slice %arg15[%add3A_51, %dma_start3A_52] : memref<10240x128xf32, #tpu.memory_space<vmem_shared>> -> memref<80x128xf32, #tpu.memory_space<vmem_shared>>
        %dma_start3A_54 = arith.constant 0 : i32
        %dma_start3A_55 = tpu.memref_slice %arg15[%add3A_51, %dma_start3A_54] : memref<10240x128xf32, #tpu.memory_space<vmem_shared>> -> memref<80x128xf32, #tpu.memory_space<vmem_shared>>
        tpu.enqueue_dma source(%arg14 : memref<80x128xf32, #tpu.memory_space<vmem>>) target(%dma_start3A_55 : memref<80x128xf32, #tpu.memory_space<vmem_shared>>) target_semaphore(%run_scoped3A : memref<!tpu.dma_semaphore, #tpu.memory_space<semaphore_mem>>)
        %dma_wait3A = arith.constant 0 : i32
        %dma_wait3A_56 = tpu.memref_slice %arg15[%add3A_51, %dma_wait3A] : memref<10240x128xf32, #tpu.memory_space<vmem_shared>> -> memref<80x128xf32, #tpu.memory_space<vmem_shared>>
        %dma_wait3A_57 = arith.constant 0 : i32
        %dma_wait3A_58 = tpu.memref_slice %arg15[%add3A_51, %dma_wait3A_57] : memref<10240x128xf32, #tpu.memory_space<vmem_shared>> -> memref<80x128xf32, #tpu.memory_space<vmem_shared>>
        tpu.wait_dma2 semaphore(%run_scoped3A : memref<!tpu.dma_semaphore, #tpu.memory_space<semaphore_mem>>) src(%arg14 : memref<80x128xf32, #tpu.memory_space<vmem>>) dst(%dma_wait3A_58 : memref<80x128xf32, #tpu.memory_space<vmem_shared>>)
        tpu.yield
      }) : () -> ()
    }
    %scan3A_24 = arith.constant 8 : i32
    %barrier3A = arith.constant 0 : index
    tpu.barrier barrier_id(%barrier3A)
    %scan3A_25 = arith.constant 0 : i32
    %scan3A_26 = arith.constant 5 : i32
    %scan3A_27 = arith.addi %scan3A_25, %scan3A_26 : i32
    %scan3A_28 = arith.constant 1 : i32
    scf.for %scan3A_44 = %scan3A_25 to %scan3A_27 step %scan3A_28  : i32 {
      %mul3A_45 = arith.constant 16 : i32
      %mul3A_46 = arith.muli %scan3A_44, %mul3A_45 : i32
      %add3A_47 = arith.constant 0 : i32
      %add3A_48 = arith.addi %add3A_47, %mul3A_46 : i32
      %get3A = arith.constant 2 : i32
      %get3A_49 = arith.index_cast %get3A : i32 to index
      %get3A_50 = arith.index_cast %add3A_48 : i32 to index
      %get3A_51 = tpu.vector_load %arg5[%get3A_49, %get3A_50] {strides = array<i32>} : memref<126x80xi32, #tpu.memory_space<vmem>>, vector<16xi32>,
      %and3A = arith.constant 65535 : i32
      %and3A_52 = vector.broadcast %and3A : i32 to vector<16xi32>
      %and3A_53 = arith.andi %get3A_51, %and3A_52 : vector<16xi32>
      %swap3A = arith.index_cast %add3A_48 : i32 to index
      %swap3A_54 = tpu.vector_load %arg10[%swap3A] {strides = array<i32>} : memref<80xi32, #tpu.memory_space<vmem>>, vector<16xi32>,
      tpu.vector_store %arg10[%swap3A], %and3A_53 {strides = array<i32>} : memref<80xi32, #tpu.memory_space<vmem>>, vector<16xi32>,
      %shift_right_logical3A = arith.constant 16 : i32
      %shift_right_logical3A_55 = vector.broadcast %shift_right_logical3A : i32 to vector<16xi32>
      %shift_right_logical3A_56 = arith.shrui %get3A_51, %shift_right_logical3A_55 : vector<16xi32>
      %swap3A_57 = arith.index_cast %add3A_48 : i32 to index
      %swap3A_58 = tpu.vector_load %arg11[%swap3A_57] {strides = array<i32>} : memref<80xi32, #tpu.memory_space<vmem>>, vector<16xi32>,
      tpu.vector_store %arg11[%swap3A_57], %shift_right_logical3A_56 {strides = array<i32>} : memref<80xi32, #tpu.memory_space<vmem>>, vector<16xi32>,
    }
    %scan3A_29 = arith.constant 5 : i32
    %dma_start3A_30 = arith.constant 0 : i32
    %dma_start3A_31 = arith.constant 0 : i32
    %dma_start3A_32 = tpu.memref_slice %arg2[%dma_start3A_30, %dma_start3A_31] : memref<10240x128xf32, #tpu.memory_space<hbm>> -> memref<10240x128xf32, #tpu.memory_space<hbm>>
    tpu.enqueue_indirect_dma source(%dma_start3A_32 : memref<10240x128xf32, #tpu.memory_space<hbm>>) target(%arg14 : memref<80x128xf32, #tpu.memory_space<vmem>>) offsets(%arg10 : memref<80xi32, #tpu.memory_space<vmem>>) semaphore(%arg18 : memref<!tpu.dma_semaphore, #tpu.memory_space<semaphore_mem>>)
    %scan3A_33 = arith.constant 0 : i32
    %scan3A_34 = arith.constant 42 : i32
    %scan3A_35 = arith.addi %scan3A_33, %scan3A_34 : i32
    %scan3A_36 = arith.constant 1 : i32
    scf.for %scan3A_44 = %scan3A_33 to %scan3A_35 step %scan3A_36  : i32 {
      %mul3A_45 = arith.constant 3 : i32
      %mul3A_46 = arith.muli %scan3A_44, %mul3A_45 : i32
      %add3A_47 = arith.constant 0 : i32
      %add3A_48 = arith.addi %add3A_47, %mul3A_46 : i32
      %dma_wait3A = arith.constant 0 : i32
      %dma_wait3A_49 = arith.constant 0 : i32
      %dma_wait3A_50 = tpu.memref_slice %arg2[%dma_wait3A, %dma_wait3A_49] : memref<10240x128xf32, #tpu.memory_space<hbm>> -> memref<10240x128xf32, #tpu.memory_space<hbm>>
      tpu.wait_indirect_dma semaphore(%arg16 : memref<!tpu.dma_semaphore, #tpu.memory_space<semaphore_mem>>) src(%dma_wait3A_50 : memref<10240x128xf32, #tpu.memory_space<hbm>>) dst(%arg12 : memref<80x128xf32, #tpu.memory_space<vmem>>)
      "tpu.region"() ({
        %run_scoped3A = tpu.sem_alloc : memref<!tpu.dma_semaphore, #tpu.memory_space<semaphore_mem>>
        %dma_start3A_75 = arith.constant 0 : i32
        %dma_start3A_76 = arith.constant 0 : i32
        %dma_start3A_77 = tpu.memref_slice %arg15[%dma_start3A_75, %dma_start3A_76] : memref<10240x128xf32, #tpu.memory_space<vmem_shared>> -> memref<10240x128xf32, #tpu.memory_space<vmem_shared>>
        tpu.enqueue_indirect_dma source(%arg12 : memref<80x128xf32, #tpu.memory_space<vmem>>) target(%dma_start3A_77 : memref<10240x128xf32, #tpu.memory_space<vmem_shared>>) offsets(%arg7 : memref<80xi32, #tpu.memory_space<vmem>>) semaphore(%run_scoped3A : memref<!tpu.dma_semaphore, #tpu.memory_space<semaphore_mem>>) {add = true}
        %dma_wait3A_78 = arith.constant 0 : i32
        %dma_wait3A_79 = arith.constant 0 : i32
        %dma_wait3A_80 = tpu.memref_slice %arg15[%dma_wait3A_78, %dma_wait3A_79] : memref<10240x128xf32, #tpu.memory_space<vmem_shared>> -> memref<10240x128xf32, #tpu.memory_space<vmem_shared>>
        tpu.wait_indirect_dma semaphore(%run_scoped3A : memref<!tpu.dma_semaphore, #tpu.memory_space<semaphore_mem>>) src(%arg12 : memref<80x128xf32, #tpu.memory_space<vmem>>) dst(%dma_wait3A_80 : memref<10240x128xf32, #tpu.memory_space<vmem_shared>>)
        tpu.yield
      }) : () -> ()
      %add3A_51 = arith.constant 3 : i32
      %add3A_52 = arith.addi %add3A_48, %add3A_51 : i32
      %lt3A = arith.constant 126 : i32
      %lt3A_53 = arith.cmpi slt, %add3A_52, %lt3A : i32
      %convert_element_type3A = arith.extui %lt3A_53 : i1 to i32
      %cond3A = arith.constant 0 : i32
      %cond3A_54 = arith.cmpi ne, %convert_element_type3A, %cond3A : i32
      scf.if %cond3A_54 {
        %add3A_75 = arith.constant 3 : i32
        %add3A_76 = arith.addi %add3A_48, %add3A_75 : i32
        %scan3A_77 = arith.constant 0 : i32
        %scan3A_78 = arith.constant 5 : i32
        %scan3A_79 = arith.addi %scan3A_77, %scan3A_78 : i32
        %scan3A_80 = arith.constant 1 : i32
        scf.for %scan3A_85 = %scan3A_77 to %scan3A_79 step %scan3A_80  : i32 {
          %mul3A_86 = arith.constant 16 : i32
          %mul3A_87 = arith.muli %scan3A_85, %mul3A_86 : i32
          %add3A_88 = arith.constant 0 : i32
          %add3A_89 = arith.addi %add3A_88, %mul3A_87 : i32
          %get3A = arith.index_cast %add3A_76 : i32 to index
          %get3A_90 = arith.index_cast %add3A_89 : i32 to index
          %get3A_91 = tpu.vector_load %arg5[%get3A, %get3A_90] {strides = array<i32>} : memref<126x80xi32, #tpu.memory_space<vmem>>, vector<16xi32>,
          %and3A = arith.constant 65535 : i32
          %and3A_92 = vector.broadcast %and3A : i32 to vector<16xi32>
          %and3A_93 = arith.andi %get3A_91, %and3A_92 : vector<16xi32>
          %swap3A = arith.index_cast %add3A_89 : i32 to index
          %swap3A_94 = tpu.vector_load %arg6[%swap3A] {strides = array<i32>} : memref<80xi32, #tpu.memory_space<vmem>>, vector<16xi32>,
          tpu.vector_store %arg6[%swap3A], %and3A_93 {strides = array<i32>} : memref<80xi32, #tpu.memory_space<vmem>>, vector<16xi32>,
          %shift_right_logical3A = arith.constant 16 : i32
          %shift_right_logical3A_95 = vector.broadcast %shift_right_logical3A : i32 to vector<16xi32>
          %shift_right_logical3A_96 = arith.shrui %get3A_91, %shift_right_logical3A_95 : vector<16xi32>
          %swap3A_97 = arith.index_cast %add3A_89 : i32 to index
          %swap3A_98 = tpu.vector_load %arg7[%swap3A_97] {strides = array<i32>} : memref<80xi32, #tpu.memory_space<vmem>>, vector<16xi32>,
          tpu.vector_store %arg7[%swap3A_97], %shift_right_logical3A_96 {strides = array<i32>} : memref<80xi32, #tpu.memory_space<vmem>>, vector<16xi32>,
        }
        %scan3A_81 = arith.constant 5 : i32
        %dma_start3A_82 = arith.constant 0 : i32
        %dma_start3A_83 = arith.constant 0 : i32
        %dma_start3A_84 = tpu.memref_slice %arg2[%dma_start3A_82, %dma_start3A_83] : memref<10240x128xf32, #tpu.memory_space<hbm>> -> memref<10240x128xf32, #tpu.memory_space<hbm>>
        tpu.enqueue_indirect_dma source(%dma_start3A_84 : memref<10240x128xf32, #tpu.memory_space<hbm>>) target(%arg12 : memref<80x128xf32, #tpu.memory_space<vmem>>) offsets(%arg6 : memref<80xi32, #tpu.memory_space<vmem>>) semaphore(%arg16 : memref<!tpu.dma_semaphore, #tpu.memory_space<semaphore_mem>>)
      } else {
      }
      %dma_wait3A_55 = arith.constant 0 : i32
      %dma_wait3A_56 = arith.constant 0 : i32
      %dma_wait3A_57 = tpu.memref_slice %arg2[%dma_wait3A_55, %dma_wait3A_56] : memref<10240x128xf32, #tpu.memory_space<hbm>> -> memref<10240x128xf32, #tpu.memory_space<hbm>>
      tpu.wait_indirect_dma semaphore(%arg17 : memref<!tpu.dma_semaphore, #tpu.memory_space<semaphore_mem>>) src(%dma_wait3A_57 : memref<10240x128xf32, #tpu.memory_space<hbm>>) dst(%arg13 : memref<80x128xf32, #tpu.memory_space<vmem>>)
      "tpu.region"() ({
        %run_scoped3A = tpu.sem_alloc : memref<!tpu.dma_semaphore, #tpu.memory_space<semaphore_mem>>
        %dma_start3A_75 = arith.constant 0 : i32
        %dma_start3A_76 = arith.constant 0 : i32
        %dma_start3A_77 = tpu.memref_slice %arg15[%dma_start3A_75, %dma_start3A_76] : memref<10240x128xf32, #tpu.memory_space<vmem_shared>> -> memref<10240x128xf32, #tpu.memory_space<vmem_shared>>
        tpu.enqueue_indirect_dma source(%arg13 : memref<80x128xf32, #tpu.memory_space<vmem>>) target(%dma_start3A_77 : memref<10240x128xf32, #tpu.memory_space<vmem_shared>>) offsets(%arg9 : memref<80xi32, #tpu.memory_space<vmem>>) semaphore(%run_scoped3A : memref<!tpu.dma_semaphore, #tpu.memory_space<semaphore_mem>>) {add = true}
        %dma_wait3A_78 = arith.constant 0 : i32
        %dma_wait3A_79 = arith.constant 0 : i32
        %dma_wait3A_80 = tpu.memref_slice %arg15[%dma_wait3A_78, %dma_wait3A_79] : memref<10240x128xf32, #tpu.memory_space<vmem_shared>> -> memref<10240x128xf32, #tpu.memory_space<vmem_shared>>
        tpu.wait_indirect_dma semaphore(%run_scoped3A : memref<!tpu.dma_semaphore, #tpu.memory_space<semaphore_mem>>) src(%arg13 : memref<80x128xf32, #tpu.memory_space<vmem>>) dst(%dma_wait3A_80 : memref<10240x128xf32, #tpu.memory_space<vmem_shared>>)
        tpu.yield
      }) : () -> ()
      %add3A_58 = arith.constant 4 : i32
      %add3A_59 = arith.addi %add3A_48, %add3A_58 : i32
      %lt3A_60 = arith.constant 126 : i32
      %lt3A_61 = arith.cmpi slt, %add3A_59, %lt3A_60 : i32
      %convert_element_type3A_62 = arith.extui %lt3A_61 : i1 to i32
      %cond3A_63 = arith.constant 0 : i32
      %cond3A_64 = arith.cmpi ne, %convert_element_type3A_62, %cond3A_63 : i32
      scf.if %cond3A_64 {
        %add3A_75 = arith.constant 4 : i32
        %add3A_76 = arith.addi %add3A_48, %add3A_75 : i32
        %scan3A_77 = arith.constant 0 : i32
        %scan3A_78 = arith.constant 5 : i32
        %scan3A_79 = arith.addi %scan3A_77, %scan3A_78 : i32
        %scan3A_80 = arith.constant 1 : i32
        scf.for %scan3A_85 = %scan3A_77 to %scan3A_79 step %scan3A_80  : i32 {
          %mul3A_86 = arith.constant 16 : i32
          %mul3A_87 = arith.muli %scan3A_85, %mul3A_86 : i32
          %add3A_88 = arith.constant 0 : i32
          %add3A_89 = arith.addi %add3A_88, %mul3A_87 : i32
          %get3A = arith.index_cast %add3A_76 : i32 to index
          %get3A_90 = arith.index_cast %add3A_89 : i32 to index
          %get3A_91 = tpu.vector_load %arg5[%get3A, %get3A_90] {strides = array<i32>} : memref<126x80xi32, #tpu.memory_space<vmem>>, vector<16xi32>,
          %and3A = arith.constant 65535 : i32
          %and3A_92 = vector.broadcast %and3A : i32 to vector<16xi32>
          %and3A_93 = arith.andi %get3A_91, %and3A_92 : vector<16xi32>
          %swap3A = arith.index_cast %add3A_89 : i32 to index
          %swap3A_94 = tpu.vector_load %arg8[%swap3A] {strides = array<i32>} : memref<80xi32, #tpu.memory_space<vmem>>, vector<16xi32>,
          tpu.vector_store %arg8[%swap3A], %and3A_93 {strides = array<i32>} : memref<80xi32, #tpu.memory_space<vmem>>, vector<16xi32>,
          %shift_right_logical3A = arith.constant 16 : i32
          %shift_right_logical3A_95 = vector.broadcast %shift_right_logical3A : i32 to vector<16xi32>
          %shift_right_logical3A_96 = arith.shrui %get3A_91, %shift_right_logical3A_95 : vector<16xi32>
          %swap3A_97 = arith.index_cast %add3A_89 : i32 to index
          %swap3A_98 = tpu.vector_load %arg9[%swap3A_97] {strides = array<i32>} : memref<80xi32, #tpu.memory_space<vmem>>, vector<16xi32>,
          tpu.vector_store %arg9[%swap3A_97], %shift_right_logical3A_96 {strides = array<i32>} : memref<80xi32, #tpu.memory_space<vmem>>, vector<16xi32>,
        }
        %scan3A_81 = arith.constant 5 : i32
        %dma_start3A_82 = arith.constant 0 : i32
        %dma_start3A_83 = arith.constant 0 : i32
        %dma_start3A_84 = tpu.memref_slice %arg2[%dma_start3A_82, %dma_start3A_83] : memref<10240x128xf32, #tpu.memory_space<hbm>> -> memref<10240x128xf32, #tpu.memory_space<hbm>>
        tpu.enqueue_indirect_dma source(%dma_start3A_84 : memref<10240x128xf32, #tpu.memory_space<hbm>>) target(%arg13 : memref<80x128xf32, #tpu.memory_space<vmem>>) offsets(%arg8 : memref<80xi32, #tpu.memory_space<vmem>>) semaphore(%arg17 : memref<!tpu.dma_semaphore, #tpu.memory_space<semaphore_mem>>)
      } else {
      }
      %dma_wait3A_65 = arith.constant 0 : i32
      %dma_wait3A_66 = arith.constant 0 : i32
      %dma_wait3A_67 = tpu.memref_slice %arg2[%dma_wait3A_65, %dma_wait3A_66] : memref<10240x128xf32, #tpu.memory_space<hbm>> -> memref<10240x128xf32, #tpu.memory_space<hbm>>
      tpu.wait_indirect_dma semaphore(%arg18 : memref<!tpu.dma_semaphore, #tpu.memory_space<semaphore_mem>>) src(%dma_wait3A_67 : memref<10240x128xf32, #tpu.memory_space<hbm>>) dst(%arg14 : memref<80x128xf32, #tpu.memory_space<vmem>>)
      "tpu.region"() ({
        %run_scoped3A = tpu.sem_alloc : memref<!tpu.dma_semaphore, #tpu.memory_space<semaphore_mem>>
        %dma_start3A_75 = arith.constant 0 : i32
        %dma_start3A_76 = arith.constant 0 : i32
        %dma_start3A_77 = tpu.memref_slice %arg15[%dma_start3A_75, %dma_start3A_76] : memref<10240x128xf32, #tpu.memory_space<vmem_shared>> -> memref<10240x128xf32, #tpu.memory_space<vmem_shared>>
        tpu.enqueue_indirect_dma source(%arg14 : memref<80x128xf32, #tpu.memory_space<vmem>>) target(%dma_start3A_77 : memref<10240x128xf32, #tpu.memory_space<vmem_shared>>) offsets(%arg11 : memref<80xi32, #tpu.memory_space<vmem>>) semaphore(%run_scoped3A : memref<!tpu.dma_semaphore, #tpu.memory_space<semaphore_mem>>) {add = true}
        %dma_wait3A_78 = arith.constant 0 : i32
        %dma_wait3A_79 = arith.constant 0 : i32
        %dma_wait3A_80 = tpu.memref_slice %arg15[%dma_wait3A_78, %dma_wait3A_79] : memref<10240x128xf32, #tpu.memory_space<vmem_shared>> -> memref<10240x128xf32, #tpu.memory_space<vmem_shared>>
        tpu.wait_indirect_dma semaphore(%run_scoped3A : memref<!tpu.dma_semaphore, #tpu.memory_space<semaphore_mem>>) src(%arg14 : memref<80x128xf32, #tpu.memory_space<vmem>>) dst(%dma_wait3A_80 : memref<10240x128xf32, #tpu.memory_space<vmem_shared>>)
        tpu.yield
      }) : () -> ()
      %add3A_68 = arith.constant 5 : i32
      %add3A_69 = arith.addi %add3A_48, %add3A_68 : i32
      %lt3A_70 = arith.constant 126 : i32
      %lt3A_71 = arith.cmpi slt, %add3A_69, %lt3A_70 : i32
      %convert_element_type3A_72 = arith.extui %lt3A_71 : i1 to i32
      %cond3A_73 = arith.constant 0 : i32
      %cond3A_74 = arith.cmpi ne, %convert_element_type3A_72, %cond3A_73 : i32
      scf.if %cond3A_74 {
        %add3A_75 = arith.constant 5 : i32
        %add3A_76 = arith.addi %add3A_48, %add3A_75 : i32
        %scan3A_77 = arith.constant 0 : i32
        %scan3A_78 = arith.constant 5 : i32
        %scan3A_79 = arith.addi %scan3A_77, %scan3A_78 : i32
        %scan3A_80 = arith.constant 1 : i32
        scf.for %scan3A_85 = %scan3A_77 to %scan3A_79 step %scan3A_80  : i32 {
          %mul3A_86 = arith.constant 16 : i32
          %mul3A_87 = arith.muli %scan3A_85, %mul3A_86 : i32
          %add3A_88 = arith.constant 0 : i32
          %add3A_89 = arith.addi %add3A_88, %mul3A_87 : i32
          %get3A = arith.index_cast %add3A_76 : i32 to index
          %get3A_90 = arith.index_cast %add3A_89 : i32 to index
          %get3A_91 = tpu.vector_load %arg5[%get3A, %get3A_90] {strides = array<i32>} : memref<126x80xi32, #tpu.memory_space<vmem>>, vector<16xi32>,
          %and3A = arith.constant 65535 : i32
          %and3A_92 = vector.broadcast %and3A : i32 to vector<16xi32>
          %and3A_93 = arith.andi %get3A_91, %and3A_92 : vector<16xi32>
          %swap3A = arith.index_cast %add3A_89 : i32 to index
          %swap3A_94 = tpu.vector_load %arg10[%swap3A] {strides = array<i32>} : memref<80xi32, #tpu.memory_space<vmem>>, vector<16xi32>,
          tpu.vector_store %arg10[%swap3A], %and3A_93 {strides = array<i32>} : memref<80xi32, #tpu.memory_space<vmem>>, vector<16xi32>,
          %shift_right_logical3A = arith.constant 16 : i32
          %shift_right_logical3A_95 = vector.broadcast %shift_right_logical3A : i32 to vector<16xi32>
          %shift_right_logical3A_96 = arith.shrui %get3A_91, %shift_right_logical3A_95 : vector<16xi32>
          %swap3A_97 = arith.index_cast %add3A_89 : i32 to index
          %swap3A_98 = tpu.vector_load %arg11[%swap3A_97] {strides = array<i32>} : memref<80xi32, #tpu.memory_space<vmem>>, vector<16xi32>,
          tpu.vector_store %arg11[%swap3A_97], %shift_right_logical3A_96 {strides = array<i32>} : memref<80xi32, #tpu.memory_space<vmem>>, vector<16xi32>,
        }
        %scan3A_81 = arith.constant 5 : i32
        %dma_start3A_82 = arith.constant 0 : i32
        %dma_start3A_83 = arith.constant 0 : i32
        %dma_start3A_84 = tpu.memref_slice %arg2[%dma_start3A_82, %dma_start3A_83] : memref<10240x128xf32, #tpu.memory_space<hbm>> -> memref<10240x128xf32, #tpu.memory_space<hbm>>
        tpu.enqueue_indirect_dma source(%dma_start3A_84 : memref<10240x128xf32, #tpu.memory_space<hbm>>) target(%arg14 : memref<80x128xf32, #tpu.memory_space<vmem>>) offsets(%arg10 : memref<80xi32, #tpu.memory_space<vmem>>) semaphore(%arg18 : memref<!tpu.dma_semaphore, #tpu.memory_space<semaphore_mem>>)
      } else {
      }
    }
    %scan3A_37 = arith.constant 42 : i32
    %barrier3A_38 = arith.constant 0 : index
    tpu.barrier barrier_id(%barrier3A_38)
    %scan3A_39 = arith.constant 0 : i32
    %scan3A_40 = arith.constant 5 : i32
    %scan3A_41 = arith.addi %scan3A_39, %scan3A_40 : i32
    %scan3A_42 = arith.constant 1 : i32
    scf.for %scan3A_44 = %scan3A_39 to %scan3A_41 step %scan3A_42  : i32 {
      %mul3A_45 = arith.constant 128 : i32
      %mul3A_46 = arith.muli %scan3A_44, %mul3A_45 : i32
      %add3A_47 = arith.constant 0 : i32
      %add3A_48 = arith.addi %add3A_47, %mul3A_46 : i32
      %mul3A_49 = arith.constant 640 : i32
      %mul3A_50 = arith.muli %arg1, %mul3A_49 : i32
      %add3A_51 = arith.addi %mul3A_50, %add3A_48 : i32
      "tpu.region"() ({
        %run_scoped3A = tpu.sem_alloc : memref<!tpu.dma_semaphore, #tpu.memory_space<semaphore_mem>>
        %dma_start3A_52 = arith.constant 0 : i32
        %dma_start3A_53 = tpu.memref_slice %arg4[%arg0, %add3A_51, %dma_start3A_52] : memref<2x10240x128xf32, #tpu.memory_space<hbm>> -> memref<1x128x128xf32, #tpu.memory_space<hbm>>
        %dma_start3A_54 = tpu.memref_squeeze %dma_start3A_53 : memref<1x128x128xf32, #tpu.memory_space<hbm>> -> memref<128x128xf32, #tpu.memory_space<hbm>>
        %dma_start3A_55 = arith.constant 0 : i32
        %dma_start3A_56 = tpu.memref_slice %arg15[%add3A_51, %dma_start3A_55] : memref<10240x128xf32, #tpu.memory_space<vmem_shared>> -> memref<128x128xf32, #tpu.memory_space<vmem_shared>>
        tpu.enqueue_dma source(%dma_start3A_56 : memref<128x128xf32, #tpu.memory_space<vmem_shared>>) target(%dma_start3A_54 : memref<128x128xf32, #tpu.memory_space<hbm>>) target_semaphore(%run_scoped3A : memref<!tpu.dma_semaphore, #tpu.memory_space<semaphore_mem>>)
        %dma_wait3A = arith.constant 0 : i32
        %dma_wait3A_57 = tpu.memref_slice %arg4[%arg0, %add3A_51, %dma_wait3A] : memref<2x10240x128xf32, #tpu.memory_space<hbm>> -> memref<1x128x128xf32, #tpu.memory_space<hbm>>
        %dma_wait3A_58 = tpu.memref_squeeze %dma_wait3A_57 : memref<1x128x128xf32, #tpu.memory_space<hbm>> -> memref<128x128xf32, #tpu.memory_space<hbm>>
        %dma_wait3A_59 = arith.constant 0 : i32
        %dma_wait3A_60 = tpu.memref_slice %arg15[%add3A_51, %dma_wait3A_59] : memref<10240x128xf32, #tpu.memory_space<vmem_shared>> -> memref<128x128xf32, #tpu.memory_space<vmem_shared>>
        tpu.wait_dma2 semaphore(%run_scoped3A : memref<!tpu.dma_semaphore, #tpu.memory_space<semaphore_mem>>) src(%dma_wait3A_60 : memref<128x128xf32, #tpu.memory_space<vmem_shared>>) dst(%dma_wait3A_58 : memref<128x128xf32, #tpu.memory_space<hbm>>)
        tpu.yield
      }) : () -> ()
    }
    %scan3A_43 = arith.constant 5 : i32
    return
  }
}

#map = affine_map<(d0, d1) -> (0, 0)>
#map1 = affine_map<(d0, d1) -> (0, 0, 0)>
module attributes {stable_mosaic.version = 14 : i64} {
  func.func @agg_kernel(%arg0: i32, %arg1: i32, %arg2: memref<10240x128xf32, #tpu.memory_space<hbm>>, %arg3: memref<32x126x80xi32, #tpu.memory_space<hbm>>, %arg4: memref<2x10240x128xf32, #tpu.memory_space<hbm>>, %arg5: memref<126x80xi32, #tpu.memory_space<vmem>>, %arg6: memref<80xi32, #tpu.memory_space<vmem>>, %arg7: memref<80xi32, #tpu.memory_space<vmem>>, %arg8: memref<80xi32, #tpu.memory_space<vmem>>, %arg9: memref<80xi32, #tpu.memory_space<vmem>>, %arg10: memref<80xi32, #tpu.memory_space<vmem>>, %arg11: memref<80xi32, #tpu.memory_space<vmem>>, %arg12: memref<80x128xf32, #tpu.memory_space<vmem>>, %arg13: memref<80x128xf32, #tpu.memory_space<vmem>>, %arg14: memref<80x128xf32, #tpu.memory_space<vmem>>, %arg15: memref<10240x128xf32, #tpu.memory_space<vmem_shared>>, %arg16: memref<!tpu.dma_semaphore, #tpu.memory_space<semaphore_mem>>, %arg17: memref<!tpu.dma_semaphore, #tpu.memory_space<semaphore_mem>>, %arg18: memref<!tpu.dma_semaphore, #tpu.memory_space<semaphore_mem>>) attributes {dimension_semantics = [#tpu.dimension_semantics<core_parallel>, #tpu.dimension_semantics<subcore_parallel>], iteration_bounds = array<i64: 2, 16>, scalar_prefetch = 0 : i64, scratch_operands = 14 : i64, tpu.core_type = #tpu.core_type<sc_vector_subcore>, window_params = [{transform_indices = #map}, {transform_indices = #map1}, {transform_indices = #map1}]} {
    %mul3A = arith.constant 2 : i32
    %mul3A_0 = arith.muli %arg1, %mul3A : i32
    %add3A = arith.addi %mul3A_0, %arg0 : i32
    %scan3A = arith.constant 0 : i32
    %scan3A_1 = arith.constant 80 : i32
    %scan3A_2 = arith.addi %scan3A, %scan3A_1 : i32
    %scan3A_3 = arith.constant 1 : i32
    scf.for %scan3A_44 = %scan3A to %scan3A_2 step %scan3A_3  : i32 {
      %mul3A_45 = arith.constant 1 : i32
      %mul3A_46 = arith.muli %scan3A_44, %mul3A_45 : i32
      %add3A_47 = arith.constant 0 : i32
      %add3A_48 = arith.addi %add3A_47, %mul3A_46 : i32
      %scan3A_49 = arith.constant 0 : i32
      %scan3A_50 = arith.constant 8 : i32
      %scan3A_51 = arith.addi %scan3A_49, %scan3A_50 : i32
      %scan3A_52 = arith.constant 1 : i32
      scf.for %scan3A_54 = %scan3A_49 to %scan3A_51 step %scan3A_52  : i32 {
        %mul3A_55 = arith.constant 16 : i32
        %mul3A_56 = arith.muli %scan3A_54, %mul3A_55 : i32
        %add3A_57 = arith.constant 0 : i32
        %add3A_58 = arith.addi %add3A_57, %mul3A_56 : i32
        %broadcast_in_dim3A = arith.constant 0.000000e+00 : f32
        %broadcast_in_dim3A_59 = vector.broadcast %broadcast_in_dim3A : f32 to vector<16xf32>
        %swap3A = arith.index_cast %add3A_48 : i32 to index
        %swap3A_60 = arith.index_cast %add3A_58 : i32 to index
        %swap3A_61 = tpu.vector_load %arg14[%swap3A, %swap3A_60] {strides = array<i32>} : memref<80x128xf32, #tpu.memory_space<vmem>>, vector<16xf32>,
        tpu.vector_store %arg14[%swap3A, %swap3A_60], %broadcast_in_dim3A_59 {strides = array<i32>} : memref<80x128xf32, #tpu.memory_space<vmem>>, vector<16xf32>,
      }
      %scan3A_53 = arith.constant 8 : i32
    }
    %scan3A_4 = arith.constant 80 : i32
    "tpu.region"() ({
      %run_scoped3A = tpu.sem_alloc : memref<!tpu.dma_semaphore, #tpu.memory_space<semaphore_mem>>
      %dma_start3A_44 = arith.constant 0 : i32
      %dma_start3A_45 = arith.constant 0 : i32
      %dma_start3A_46 = tpu.memref_slice %arg3[%add3A, %dma_start3A_44, %dma_start3A_45] : memref<32x126x80xi32, #tpu.memory_space<hbm>> -> memref<1x126x80xi32, #tpu.memory_space<hbm>>
      %dma_start3A_47 = tpu.memref_squeeze %dma_start3A_46 : memref<1x126x80xi32, #tpu.memory_space<hbm>> -> memref<126x80xi32, #tpu.memory_space<hbm>>
      %dma_start3A_48 = arith.constant 0 : i32
      %dma_start3A_49 = arith.constant 0 : i32
      %dma_start3A_50 = tpu.memref_slice %arg3[%add3A, %dma_start3A_48, %dma_start3A_49] : memref<32x126x80xi32, #tpu.memory_space<hbm>> -> memref<1x126x80xi32, #tpu.memory_space<hbm>>
      %dma_start3A_51 = tpu.memref_squeeze %dma_start3A_50 : memref<1x126x80xi32, #tpu.memory_space<hbm>> -> memref<126x80xi32, #tpu.memory_space<hbm>>
      tpu.enqueue_dma source(%dma_start3A_51 : memref<126x80xi32, #tpu.memory_space<hbm>>) target(%arg5 : memref<126x80xi32, #tpu.memory_space<vmem>>) target_semaphore(%run_scoped3A : memref<!tpu.dma_semaphore, #tpu.memory_space<semaphore_mem>>)
      %dma_wait3A = arith.constant 0 : i32
      %dma_wait3A_52 = arith.constant 0 : i32
      %dma_wait3A_53 = tpu.memref_slice %arg3[%add3A, %dma_wait3A, %dma_wait3A_52] : memref<32x126x80xi32, #tpu.memory_space<hbm>> -> memref<1x126x80xi32, #tpu.memory_space<hbm>>
      %dma_wait3A_54 = tpu.memref_squeeze %dma_wait3A_53 : memref<1x126x80xi32, #tpu.memory_space<hbm>> -> memref<126x80xi32, #tpu.memory_space<hbm>>
      %dma_wait3A_55 = arith.constant 0 : i32
      %dma_wait3A_56 = arith.constant 0 : i32
      %dma_wait3A_57 = tpu.memref_slice %arg3[%add3A, %dma_wait3A_55, %dma_wait3A_56] : memref<32x126x80xi32, #tpu.memory_space<hbm>> -> memref<1x126x80xi32, #tpu.memory_space<hbm>>
      %dma_wait3A_58 = tpu.memref_squeeze %dma_wait3A_57 : memref<1x126x80xi32, #tpu.memory_space<hbm>> -> memref<126x80xi32, #tpu.memory_space<hbm>>
      tpu.wait_dma2 semaphore(%run_scoped3A : memref<!tpu.dma_semaphore, #tpu.memory_space<semaphore_mem>>) src(%dma_wait3A_58 : memref<126x80xi32, #tpu.memory_space<hbm>>) dst(%arg5 : memref<126x80xi32, #tpu.memory_space<vmem>>)
      tpu.yield
    }) : () -> ()
    %scan3A_5 = arith.constant 0 : i32
    %scan3A_6 = arith.constant 5 : i32
    %scan3A_7 = arith.addi %scan3A_5, %scan3A_6 : i32
    %scan3A_8 = arith.constant 1 : i32
    scf.for %scan3A_44 = %scan3A_5 to %scan3A_7 step %scan3A_8  : i32 {
      %mul3A_45 = arith.constant 16 : i32
      %mul3A_46 = arith.muli %scan3A_44, %mul3A_45 : i32
      %add3A_47 = arith.constant 0 : i32
      %add3A_48 = arith.addi %add3A_47, %mul3A_46 : i32
      %get3A = arith.constant 0 : i32
      %get3A_49 = arith.index_cast %get3A : i32 to index
      %get3A_50 = arith.index_cast %add3A_48 : i32 to index
      %get3A_51 = tpu.vector_load %arg5[%get3A_49, %get3A_50] {strides = array<i32>} : memref<126x80xi32, #tpu.memory_space<vmem>>, vector<16xi32>,
      %and3A = arith.constant 65535 : i32
      %and3A_52 = vector.broadcast %and3A : i32 to vector<16xi32>
      %and3A_53 = arith.andi %get3A_51, %and3A_52 : vector<16xi32>
      %swap3A = arith.index_cast %add3A_48 : i32 to index
      %swap3A_54 = tpu.vector_load %arg6[%swap3A] {strides = array<i32>} : memref<80xi32, #tpu.memory_space<vmem>>, vector<16xi32>,
      tpu.vector_store %arg6[%swap3A], %and3A_53 {strides = array<i32>} : memref<80xi32, #tpu.memory_space<vmem>>, vector<16xi32>,
      %shift_right_logical3A = arith.constant 16 : i32
      %shift_right_logical3A_55 = vector.broadcast %shift_right_logical3A : i32 to vector<16xi32>
      %shift_right_logical3A_56 = arith.shrui %get3A_51, %shift_right_logical3A_55 : vector<16xi32>
      %swap3A_57 = arith.index_cast %add3A_48 : i32 to index
      %swap3A_58 = tpu.vector_load %arg7[%swap3A_57] {strides = array<i32>} : memref<80xi32, #tpu.memory_space<vmem>>, vector<16xi32>,
      tpu.vector_store %arg7[%swap3A_57], %shift_right_logical3A_56 {strides = array<i32>} : memref<80xi32, #tpu.memory_space<vmem>>, vector<16xi32>,
    }
    %scan3A_9 = arith.constant 5 : i32
    %dma_start3A = arith.constant 0 : i32
    %dma_start3A_10 = arith.constant 0 : i32
    %dma_start3A_11 = tpu.memref_slice %arg2[%dma_start3A, %dma_start3A_10] : memref<10240x128xf32, #tpu.memory_space<hbm>> -> memref<10240x128xf32, #tpu.memory_space<hbm>>
    tpu.enqueue_indirect_dma source(%dma_start3A_11 : memref<10240x128xf32, #tpu.memory_space<hbm>>) target(%arg12 : memref<80x128xf32, #tpu.memory_space<vmem>>) offsets(%arg6 : memref<80xi32, #tpu.memory_space<vmem>>) semaphore(%arg16 : memref<!tpu.dma_semaphore, #tpu.memory_space<semaphore_mem>>)
    %scan3A_12 = arith.constant 0 : i32
    %scan3A_13 = arith.constant 5 : i32
    %scan3A_14 = arith.addi %scan3A_12, %scan3A_13 : i32
    %scan3A_15 = arith.constant 1 : i32
    scf.for %scan3A_44 = %scan3A_12 to %scan3A_14 step %scan3A_15  : i32 {
      %mul3A_45 = arith.constant 16 : i32
      %mul3A_46 = arith.muli %scan3A_44, %mul3A_45 : i32
      %add3A_47 = arith.constant 0 : i32
      %add3A_48 = arith.addi %add3A_47, %mul3A_46 : i32
      %get3A = arith.constant 1 : i32
      %get3A_49 = arith.index_cast %get3A : i32 to index
      %get3A_50 = arith.index_cast %add3A_48 : i32 to index
      %get3A_51 = tpu.vector_load %arg5[%get3A_49, %get3A_50] {strides = array<i32>} : memref<126x80xi32, #tpu.memory_space<vmem>>, vector<16xi32>,
      %and3A = arith.constant 65535 : i32
      %and3A_52 = vector.broadcast %and3A : i32 to vector<16xi32>
      %and3A_53 = arith.andi %get3A_51, %and3A_52 : vector<16xi32>
      %swap3A = arith.index_cast %add3A_48 : i32 to index
      %swap3A_54 = tpu.vector_load %arg8[%swap3A] {strides = array<i32>} : memref<80xi32, #tpu.memory_space<vmem>>, vector<16xi32>,
      tpu.vector_store %arg8[%swap3A], %and3A_53 {strides = array<i32>} : memref<80xi32, #tpu.memory_space<vmem>>, vector<16xi32>,
      %shift_right_logical3A = arith.constant 16 : i32
      %shift_right_logical3A_55 = vector.broadcast %shift_right_logical3A : i32 to vector<16xi32>
      %shift_right_logical3A_56 = arith.shrui %get3A_51, %shift_right_logical3A_55 : vector<16xi32>
      %swap3A_57 = arith.index_cast %add3A_48 : i32 to index
      %swap3A_58 = tpu.vector_load %arg9[%swap3A_57] {strides = array<i32>} : memref<80xi32, #tpu.memory_space<vmem>>, vector<16xi32>,
      tpu.vector_store %arg9[%swap3A_57], %shift_right_logical3A_56 {strides = array<i32>} : memref<80xi32, #tpu.memory_space<vmem>>, vector<16xi32>,
    }
    %scan3A_16 = arith.constant 5 : i32
    %dma_start3A_17 = arith.constant 0 : i32
    %dma_start3A_18 = arith.constant 0 : i32
    %dma_start3A_19 = tpu.memref_slice %arg2[%dma_start3A_17, %dma_start3A_18] : memref<10240x128xf32, #tpu.memory_space<hbm>> -> memref<10240x128xf32, #tpu.memory_space<hbm>>
    tpu.enqueue_indirect_dma source(%dma_start3A_19 : memref<10240x128xf32, #tpu.memory_space<hbm>>) target(%arg13 : memref<80x128xf32, #tpu.memory_space<vmem>>) offsets(%arg8 : memref<80xi32, #tpu.memory_space<vmem>>) semaphore(%arg17 : memref<!tpu.dma_semaphore, #tpu.memory_space<semaphore_mem>>)
    %scan3A_20 = arith.constant 0 : i32
    %scan3A_21 = arith.constant 8 : i32
    %scan3A_22 = arith.addi %scan3A_20, %scan3A_21 : i32
    %scan3A_23 = arith.constant 1 : i32
    scf.for %scan3A_44 = %scan3A_20 to %scan3A_22 step %scan3A_23  : i32 {
      %mul3A_45 = arith.constant 80 : i32
      %mul3A_46 = arith.muli %scan3A_44, %mul3A_45 : i32
      %add3A_47 = arith.constant 0 : i32
      %add3A_48 = arith.addi %add3A_47, %mul3A_46 : i32
      %mul3A_49 = arith.constant 640 : i32
      %mul3A_50 = arith.muli %arg1, %mul3A_49 : i32
      %add3A_51 = arith.addi %mul3A_50, %add3A_48 : i32
      "tpu.region"() ({
        %run_scoped3A = tpu.sem_alloc : memref<!tpu.dma_semaphore, #tpu.memory_space<semaphore_mem>>
        %dma_start3A_52 = arith.constant 0 : i32
        %dma_start3A_53 = tpu.memref_slice %arg15[%add3A_51, %dma_start3A_52] : memref<10240x128xf32, #tpu.memory_space<vmem_shared>> -> memref<80x128xf32, #tpu.memory_space<vmem_shared>>
        %dma_start3A_54 = arith.constant 0 : i32
        %dma_start3A_55 = tpu.memref_slice %arg15[%add3A_51, %dma_start3A_54] : memref<10240x128xf32, #tpu.memory_space<vmem_shared>> -> memref<80x128xf32, #tpu.memory_space<vmem_shared>>
        tpu.enqueue_dma source(%arg14 : memref<80x128xf32, #tpu.memory_space<vmem>>) target(%dma_start3A_55 : memref<80x128xf32, #tpu.memory_space<vmem_shared>>) target_semaphore(%run_scoped3A : memref<!tpu.dma_semaphore, #tpu.memory_space<semaphore_mem>>)
        %dma_wait3A = arith.constant 0 : i32
        %dma_wait3A_56 = tpu.memref_slice %arg15[%add3A_51, %dma_wait3A] : memref<10240x128xf32, #tpu.memory_space<vmem_shared>> -> memref<80x128xf32, #tpu.memory_space<vmem_shared>>
        %dma_wait3A_57 = arith.constant 0 : i32
        %dma_wait3A_58 = tpu.memref_slice %arg15[%add3A_51, %dma_wait3A_57] : memref<10240x128xf32, #tpu.memory_space<vmem_shared>> -> memref<80x128xf32, #tpu.memory_space<vmem_shared>>
        tpu.wait_dma2 semaphore(%run_scoped3A : memref<!tpu.dma_semaphore, #tpu.memory_space<semaphore_mem>>) src(%arg14 : memref<80x128xf32, #tpu.memory_space<vmem>>) dst(%dma_wait3A_58 : memref<80x128xf32, #tpu.memory_space<vmem_shared>>)
        tpu.yield
      }) : () -> ()
    }
    %scan3A_24 = arith.constant 8 : i32
    %barrier3A = arith.constant 0 : index
    tpu.barrier barrier_id(%barrier3A)
    %scan3A_25 = arith.constant 0 : i32
    %scan3A_26 = arith.constant 5 : i32
    %scan3A_27 = arith.addi %scan3A_25, %scan3A_26 : i32
    %scan3A_28 = arith.constant 1 : i32
    scf.for %scan3A_44 = %scan3A_25 to %scan3A_27 step %scan3A_28  : i32 {
      %mul3A_45 = arith.constant 16 : i32
      %mul3A_46 = arith.muli %scan3A_44, %mul3A_45 : i32
      %add3A_47 = arith.constant 0 : i32
      %add3A_48 = arith.addi %add3A_47, %mul3A_46 : i32
      %get3A = arith.constant 2 : i32
      %get3A_49 = arith.index_cast %get3A : i32 to index
      %get3A_50 = arith.index_cast %add3A_48 : i32 to index
      %get3A_51 = tpu.vector_load %arg5[%get3A_49, %get3A_50] {strides = array<i32>} : memref<126x80xi32, #tpu.memory_space<vmem>>, vector<16xi32>,
      %and3A = arith.constant 65535 : i32
      %and3A_52 = vector.broadcast %and3A : i32 to vector<16xi32>
      %and3A_53 = arith.andi %get3A_51, %and3A_52 : vector<16xi32>
      %swap3A = arith.index_cast %add3A_48 : i32 to index
      %swap3A_54 = tpu.vector_load %arg10[%swap3A] {strides = array<i32>} : memref<80xi32, #tpu.memory_space<vmem>>, vector<16xi32>,
      tpu.vector_store %arg10[%swap3A], %and3A_53 {strides = array<i32>} : memref<80xi32, #tpu.memory_space<vmem>>, vector<16xi32>,
      %shift_right_logical3A = arith.constant 16 : i32
      %shift_right_logical3A_55 = vector.broadcast %shift_right_logical3A : i32 to vector<16xi32>
      %shift_right_logical3A_56 = arith.shrui %get3A_51, %shift_right_logical3A_55 : vector<16xi32>
      %swap3A_57 = arith.index_cast %add3A_48 : i32 to index
      %swap3A_58 = tpu.vector_load %arg11[%swap3A_57] {strides = array<i32>} : memref<80xi32, #tpu.memory_space<vmem>>, vector<16xi32>,
      tpu.vector_store %arg11[%swap3A_57], %shift_right_logical3A_56 {strides = array<i32>} : memref<80xi32, #tpu.memory_space<vmem>>, vector<16xi32>,
    }
    %scan3A_29 = arith.constant 5 : i32
    %dma_start3A_30 = arith.constant 0 : i32
    %dma_start3A_31 = arith.constant 0 : i32
    %dma_start3A_32 = tpu.memref_slice %arg2[%dma_start3A_30, %dma_start3A_31] : memref<10240x128xf32, #tpu.memory_space<hbm>> -> memref<10240x128xf32, #tpu.memory_space<hbm>>
    tpu.enqueue_indirect_dma source(%dma_start3A_32 : memref<10240x128xf32, #tpu.memory_space<hbm>>) target(%arg14 : memref<80x128xf32, #tpu.memory_space<vmem>>) offsets(%arg10 : memref<80xi32, #tpu.memory_space<vmem>>) semaphore(%arg18 : memref<!tpu.dma_semaphore, #tpu.memory_space<semaphore_mem>>)
    %scan3A_33 = arith.constant 0 : i32
    %scan3A_34 = arith.constant 42 : i32
    %scan3A_35 = arith.addi %scan3A_33, %scan3A_34 : i32
    %scan3A_36 = arith.constant 1 : i32
    scf.for %scan3A_44 = %scan3A_33 to %scan3A_35 step %scan3A_36  : i32 {
      %mul3A_45 = arith.constant 3 : i32
      %mul3A_46 = arith.muli %scan3A_44, %mul3A_45 : i32
      %add3A_47 = arith.constant 0 : i32
      %add3A_48 = arith.addi %add3A_47, %mul3A_46 : i32
      %dma_wait3A = arith.constant 0 : i32
      %dma_wait3A_49 = arith.constant 0 : i32
      %dma_wait3A_50 = tpu.memref_slice %arg2[%dma_wait3A, %dma_wait3A_49] : memref<10240x128xf32, #tpu.memory_space<hbm>> -> memref<10240x128xf32, #tpu.memory_space<hbm>>
      tpu.wait_indirect_dma semaphore(%arg16 : memref<!tpu.dma_semaphore, #tpu.memory_space<semaphore_mem>>) src(%dma_wait3A_50 : memref<10240x128xf32, #tpu.memory_space<hbm>>) dst(%arg12 : memref<80x128xf32, #tpu.memory_space<vmem>>)
      "tpu.region"() ({
        %run_scoped3A = tpu.sem_alloc : memref<!tpu.dma_semaphore, #tpu.memory_space<semaphore_mem>>
        %dma_start3A_75 = arith.constant 0 : i32
        %dma_start3A_76 = arith.constant 0 : i32
        %dma_start3A_77 = tpu.memref_slice %arg15[%dma_start3A_75, %dma_start3A_76] : memref<10240x128xf32, #tpu.memory_space<vmem_shared>> -> memref<10240x128xf32, #tpu.memory_space<vmem_shared>>
        tpu.enqueue_indirect_dma source(%arg12 : memref<80x128xf32, #tpu.memory_space<vmem>>) target(%dma_start3A_77 : memref<10240x128xf32, #tpu.memory_space<vmem_shared>>) offsets(%arg7 : memref<80xi32, #tpu.memory_space<vmem>>) semaphore(%run_scoped3A : memref<!tpu.dma_semaphore, #tpu.memory_space<semaphore_mem>>) {add = true}
        %dma_wait3A_78 = arith.constant 0 : i32
        %dma_wait3A_79 = arith.constant 0 : i32
        %dma_wait3A_80 = tpu.memref_slice %arg15[%dma_wait3A_78, %dma_wait3A_79] : memref<10240x128xf32, #tpu.memory_space<vmem_shared>> -> memref<10240x128xf32, #tpu.memory_space<vmem_shared>>
        tpu.wait_indirect_dma semaphore(%run_scoped3A : memref<!tpu.dma_semaphore, #tpu.memory_space<semaphore_mem>>) src(%arg12 : memref<80x128xf32, #tpu.memory_space<vmem>>) dst(%dma_wait3A_80 : memref<10240x128xf32, #tpu.memory_space<vmem_shared>>)
        tpu.yield
      }) : () -> ()
      %add3A_51 = arith.constant 3 : i32
      %add3A_52 = arith.addi %add3A_48, %add3A_51 : i32
      %lt3A = arith.constant 126 : i32
      %lt3A_53 = arith.cmpi slt, %add3A_52, %lt3A : i32
      %convert_element_type3A = arith.extui %lt3A_53 : i1 to i32
      %cond3A = arith.constant 0 : i32
      %cond3A_54 = arith.cmpi ne, %convert_element_type3A, %cond3A : i32
      scf.if %cond3A_54 {
        %add3A_75 = arith.constant 3 : i32
        %add3A_76 = arith.addi %add3A_48, %add3A_75 : i32
        %scan3A_77 = arith.constant 0 : i32
        %scan3A_78 = arith.constant 5 : i32
        %scan3A_79 = arith.addi %scan3A_77, %scan3A_78 : i32
        %scan3A_80 = arith.constant 1 : i32
        scf.for %scan3A_85 = %scan3A_77 to %scan3A_79 step %scan3A_80  : i32 {
          %mul3A_86 = arith.constant 16 : i32
          %mul3A_87 = arith.muli %scan3A_85, %mul3A_86 : i32
          %add3A_88 = arith.constant 0 : i32
          %add3A_89 = arith.addi %add3A_88, %mul3A_87 : i32
          %get3A = arith.index_cast %add3A_76 : i32 to index
          %get3A_90 = arith.index_cast %add3A_89 : i32 to index
          %get3A_91 = tpu.vector_load %arg5[%get3A, %get3A_90] {strides = array<i32>} : memref<126x80xi32, #tpu.memory_space<vmem>>, vector<16xi32>,
          %and3A = arith.constant 65535 : i32
          %and3A_92 = vector.broadcast %and3A : i32 to vector<16xi32>
          %and3A_93 = arith.andi %get3A_91, %and3A_92 : vector<16xi32>
          %swap3A = arith.index_cast %add3A_89 : i32 to index
          %swap3A_94 = tpu.vector_load %arg6[%swap3A] {strides = array<i32>} : memref<80xi32, #tpu.memory_space<vmem>>, vector<16xi32>,
          tpu.vector_store %arg6[%swap3A], %and3A_93 {strides = array<i32>} : memref<80xi32, #tpu.memory_space<vmem>>, vector<16xi32>,
          %shift_right_logical3A = arith.constant 16 : i32
          %shift_right_logical3A_95 = vector.broadcast %shift_right_logical3A : i32 to vector<16xi32>
          %shift_right_logical3A_96 = arith.shrui %get3A_91, %shift_right_logical3A_95 : vector<16xi32>
          %swap3A_97 = arith.index_cast %add3A_89 : i32 to index
          %swap3A_98 = tpu.vector_load %arg7[%swap3A_97] {strides = array<i32>} : memref<80xi32, #tpu.memory_space<vmem>>, vector<16xi32>,
          tpu.vector_store %arg7[%swap3A_97], %shift_right_logical3A_96 {strides = array<i32>} : memref<80xi32, #tpu.memory_space<vmem>>, vector<16xi32>,
        }
        %scan3A_81 = arith.constant 5 : i32
        %dma_start3A_82 = arith.constant 0 : i32
        %dma_start3A_83 = arith.constant 0 : i32
        %dma_start3A_84 = tpu.memref_slice %arg2[%dma_start3A_82, %dma_start3A_83] : memref<10240x128xf32, #tpu.memory_space<hbm>> -> memref<10240x128xf32, #tpu.memory_space<hbm>>
        tpu.enqueue_indirect_dma source(%dma_start3A_84 : memref<10240x128xf32, #tpu.memory_space<hbm>>) target(%arg12 : memref<80x128xf32, #tpu.memory_space<vmem>>) offsets(%arg6 : memref<80xi32, #tpu.memory_space<vmem>>) semaphore(%arg16 : memref<!tpu.dma_semaphore, #tpu.memory_space<semaphore_mem>>)
      } else {
      }
      %dma_wait3A_55 = arith.constant 0 : i32
      %dma_wait3A_56 = arith.constant 0 : i32
      %dma_wait3A_57 = tpu.memref_slice %arg2[%dma_wait3A_55, %dma_wait3A_56] : memref<10240x128xf32, #tpu.memory_space<hbm>> -> memref<10240x128xf32, #tpu.memory_space<hbm>>
      tpu.wait_indirect_dma semaphore(%arg17 : memref<!tpu.dma_semaphore, #tpu.memory_space<semaphore_mem>>) src(%dma_wait3A_57 : memref<10240x128xf32, #tpu.memory_space<hbm>>) dst(%arg13 : memref<80x128xf32, #tpu.memory_space<vmem>>)
      "tpu.region"() ({
        %run_scoped3A = tpu.sem_alloc : memref<!tpu.dma_semaphore, #tpu.memory_space<semaphore_mem>>
        %dma_start3A_75 = arith.constant 0 : i32
        %dma_start3A_76 = arith.constant 0 : i32
        %dma_start3A_77 = tpu.memref_slice %arg15[%dma_start3A_75, %dma_start3A_76] : memref<10240x128xf32, #tpu.memory_space<vmem_shared>> -> memref<10240x128xf32, #tpu.memory_space<vmem_shared>>
        tpu.enqueue_indirect_dma source(%arg13 : memref<80x128xf32, #tpu.memory_space<vmem>>) target(%dma_start3A_77 : memref<10240x128xf32, #tpu.memory_space<vmem_shared>>) offsets(%arg9 : memref<80xi32, #tpu.memory_space<vmem>>) semaphore(%run_scoped3A : memref<!tpu.dma_semaphore, #tpu.memory_space<semaphore_mem>>) {add = true}
        %dma_wait3A_78 = arith.constant 0 : i32
        %dma_wait3A_79 = arith.constant 0 : i32
        %dma_wait3A_80 = tpu.memref_slice %arg15[%dma_wait3A_78, %dma_wait3A_79] : memref<10240x128xf32, #tpu.memory_space<vmem_shared>> -> memref<10240x128xf32, #tpu.memory_space<vmem_shared>>
        tpu.wait_indirect_dma semaphore(%run_scoped3A : memref<!tpu.dma_semaphore, #tpu.memory_space<semaphore_mem>>) src(%arg13 : memref<80x128xf32, #tpu.memory_space<vmem>>) dst(%dma_wait3A_80 : memref<10240x128xf32, #tpu.memory_space<vmem_shared>>)
        tpu.yield
      }) : () -> ()
      %add3A_58 = arith.constant 4 : i32
      %add3A_59 = arith.addi %add3A_48, %add3A_58 : i32
      %lt3A_60 = arith.constant 126 : i32
      %lt3A_61 = arith.cmpi slt, %add3A_59, %lt3A_60 : i32
      %convert_element_type3A_62 = arith.extui %lt3A_61 : i1 to i32
      %cond3A_63 = arith.constant 0 : i32
      %cond3A_64 = arith.cmpi ne, %convert_element_type3A_62, %cond3A_63 : i32
      scf.if %cond3A_64 {
        %add3A_75 = arith.constant 4 : i32
        %add3A_76 = arith.addi %add3A_48, %add3A_75 : i32
        %scan3A_77 = arith.constant 0 : i32
        %scan3A_78 = arith.constant 5 : i32
        %scan3A_79 = arith.addi %scan3A_77, %scan3A_78 : i32
        %scan3A_80 = arith.constant 1 : i32
        scf.for %scan3A_85 = %scan3A_77 to %scan3A_79 step %scan3A_80  : i32 {
          %mul3A_86 = arith.constant 16 : i32
          %mul3A_87 = arith.muli %scan3A_85, %mul3A_86 : i32
          %add3A_88 = arith.constant 0 : i32
          %add3A_89 = arith.addi %add3A_88, %mul3A_87 : i32
          %get3A = arith.index_cast %add3A_76 : i32 to index
          %get3A_90 = arith.index_cast %add3A_89 : i32 to index
          %get3A_91 = tpu.vector_load %arg5[%get3A, %get3A_90] {strides = array<i32>} : memref<126x80xi32, #tpu.memory_space<vmem>>, vector<16xi32>,
          %and3A = arith.constant 65535 : i32
          %and3A_92 = vector.broadcast %and3A : i32 to vector<16xi32>
          %and3A_93 = arith.andi %get3A_91, %and3A_92 : vector<16xi32>
          %swap3A = arith.index_cast %add3A_89 : i32 to index
          %swap3A_94 = tpu.vector_load %arg8[%swap3A] {strides = array<i32>} : memref<80xi32, #tpu.memory_space<vmem>>, vector<16xi32>,
          tpu.vector_store %arg8[%swap3A], %and3A_93 {strides = array<i32>} : memref<80xi32, #tpu.memory_space<vmem>>, vector<16xi32>,
          %shift_right_logical3A = arith.constant 16 : i32
          %shift_right_logical3A_95 = vector.broadcast %shift_right_logical3A : i32 to vector<16xi32>
          %shift_right_logical3A_96 = arith.shrui %get3A_91, %shift_right_logical3A_95 : vector<16xi32>
          %swap3A_97 = arith.index_cast %add3A_89 : i32 to index
          %swap3A_98 = tpu.vector_load %arg9[%swap3A_97] {strides = array<i32>} : memref<80xi32, #tpu.memory_space<vmem>>, vector<16xi32>,
          tpu.vector_store %arg9[%swap3A_97], %shift_right_logical3A_96 {strides = array<i32>} : memref<80xi32, #tpu.memory_space<vmem>>, vector<16xi32>,
        }
        %scan3A_81 = arith.constant 5 : i32
        %dma_start3A_82 = arith.constant 0 : i32
        %dma_start3A_83 = arith.constant 0 : i32
        %dma_start3A_84 = tpu.memref_slice %arg2[%dma_start3A_82, %dma_start3A_83] : memref<10240x128xf32, #tpu.memory_space<hbm>> -> memref<10240x128xf32, #tpu.memory_space<hbm>>
        tpu.enqueue_indirect_dma source(%dma_start3A_84 : memref<10240x128xf32, #tpu.memory_space<hbm>>) target(%arg13 : memref<80x128xf32, #tpu.memory_space<vmem>>) offsets(%arg8 : memref<80xi32, #tpu.memory_space<vmem>>) semaphore(%arg17 : memref<!tpu.dma_semaphore, #tpu.memory_space<semaphore_mem>>)
      } else {
      }
      %dma_wait3A_65 = arith.constant 0 : i32
      %dma_wait3A_66 = arith.constant 0 : i32
      %dma_wait3A_67 = tpu.memref_slice %arg2[%dma_wait3A_65, %dma_wait3A_66] : memref<10240x128xf32, #tpu.memory_space<hbm>> -> memref<10240x128xf32, #tpu.memory_space<hbm>>
      tpu.wait_indirect_dma semaphore(%arg18 : memref<!tpu.dma_semaphore, #tpu.memory_space<semaphore_mem>>) src(%dma_wait3A_67 : memref<10240x128xf32, #tpu.memory_space<hbm>>) dst(%arg14 : memref<80x128xf32, #tpu.memory_space<vmem>>)
      "tpu.region"() ({
        %run_scoped3A = tpu.sem_alloc : memref<!tpu.dma_semaphore, #tpu.memory_space<semaphore_mem>>
        %dma_start3A_75 = arith.constant 0 : i32
        %dma_start3A_76 = arith.constant 0 : i32
        %dma_start3A_77 = tpu.memref_slice %arg15[%dma_start3A_75, %dma_start3A_76] : memref<10240x128xf32, #tpu.memory_space<vmem_shared>> -> memref<10240x128xf32, #tpu.memory_space<vmem_shared>>
        tpu.enqueue_indirect_dma source(%arg14 : memref<80x128xf32, #tpu.memory_space<vmem>>) target(%dma_start3A_77 : memref<10240x128xf32, #tpu.memory_space<vmem_shared>>) offsets(%arg11 : memref<80xi32, #tpu.memory_space<vmem>>) semaphore(%run_scoped3A : memref<!tpu.dma_semaphore, #tpu.memory_space<semaphore_mem>>) {add = true}
        %dma_wait3A_78 = arith.constant 0 : i32
        %dma_wait3A_79 = arith.constant 0 : i32
        %dma_wait3A_80 = tpu.memref_slice %arg15[%dma_wait3A_78, %dma_wait3A_79] : memref<10240x128xf32, #tpu.memory_space<vmem_shared>> -> memref<10240x128xf32, #tpu.memory_space<vmem_shared>>
        tpu.wait_indirect_dma semaphore(%run_scoped3A : memref<!tpu.dma_semaphore, #tpu.memory_space<semaphore_mem>>) src(%arg14 : memref<80x128xf32, #tpu.memory_space<vmem>>) dst(%dma_wait3A_80 : memref<10240x128xf32, #tpu.memory_space<vmem_shared>>)
        tpu.yield
      }) : () -> ()
      %add3A_68 = arith.constant 5 : i32
      %add3A_69 = arith.addi %add3A_48, %add3A_68 : i32
      %lt3A_70 = arith.constant 126 : i32
      %lt3A_71 = arith.cmpi slt, %add3A_69, %lt3A_70 : i32
      %convert_element_type3A_72 = arith.extui %lt3A_71 : i1 to i32
      %cond3A_73 = arith.constant 0 : i32
      %cond3A_74 = arith.cmpi ne, %convert_element_type3A_72, %cond3A_73 : i32
      scf.if %cond3A_74 {
        %add3A_75 = arith.constant 5 : i32
        %add3A_76 = arith.addi %add3A_48, %add3A_75 : i32
        %scan3A_77 = arith.constant 0 : i32
        %scan3A_78 = arith.constant 5 : i32
        %scan3A_79 = arith.addi %scan3A_77, %scan3A_78 : i32
        %scan3A_80 = arith.constant 1 : i32
        scf.for %scan3A_85 = %scan3A_77 to %scan3A_79 step %scan3A_80  : i32 {
          %mul3A_86 = arith.constant 16 : i32
          %mul3A_87 = arith.muli %scan3A_85, %mul3A_86 : i32
          %add3A_88 = arith.constant 0 : i32
          %add3A_89 = arith.addi %add3A_88, %mul3A_87 : i32
          %get3A = arith.index_cast %add3A_76 : i32 to index
          %get3A_90 = arith.index_cast %add3A_89 : i32 to index
          %get3A_91 = tpu.vector_load %arg5[%get3A, %get3A_90] {strides = array<i32>} : memref<126x80xi32, #tpu.memory_space<vmem>>, vector<16xi32>,
          %and3A = arith.constant 65535 : i32
          %and3A_92 = vector.broadcast %and3A : i32 to vector<16xi32>
          %and3A_93 = arith.andi %get3A_91, %and3A_92 : vector<16xi32>
          %swap3A = arith.index_cast %add3A_89 : i32 to index
          %swap3A_94 = tpu.vector_load %arg10[%swap3A] {strides = array<i32>} : memref<80xi32, #tpu.memory_space<vmem>>, vector<16xi32>,
          tpu.vector_store %arg10[%swap3A], %and3A_93 {strides = array<i32>} : memref<80xi32, #tpu.memory_space<vmem>>, vector<16xi32>,
          %shift_right_logical3A = arith.constant 16 : i32
          %shift_right_logical3A_95 = vector.broadcast %shift_right_logical3A : i32 to vector<16xi32>
          %shift_right_logical3A_96 = arith.shrui %get3A_91, %shift_right_logical3A_95 : vector<16xi32>
          %swap3A_97 = arith.index_cast %add3A_89 : i32 to index
          %swap3A_98 = tpu.vector_load %arg11[%swap3A_97] {strides = array<i32>} : memref<80xi32, #tpu.memory_space<vmem>>, vector<16xi32>,
          tpu.vector_store %arg11[%swap3A_97], %shift_right_logical3A_96 {strides = array<i32>} : memref<80xi32, #tpu.memory_space<vmem>>, vector<16xi32>,
        }
        %scan3A_81 = arith.constant 5 : i32
        %dma_start3A_82 = arith.constant 0 : i32
        %dma_start3A_83 = arith.constant 0 : i32
        %dma_start3A_84 = tpu.memref_slice %arg2[%dma_start3A_82, %dma_start3A_83] : memref<10240x128xf32, #tpu.memory_space<hbm>> -> memref<10240x128xf32, #tpu.memory_space<hbm>>
        tpu.enqueue_indirect_dma source(%dma_start3A_84 : memref<10240x128xf32, #tpu.memory_space<hbm>>) target(%arg14 : memref<80x128xf32, #tpu.memory_space<vmem>>) offsets(%arg10 : memref<80xi32, #tpu.memory_space<vmem>>) semaphore(%arg18 : memref<!tpu.dma_semaphore, #tpu.memory_space<semaphore_mem>>)
      } else {
      }
    }
    %scan3A_37 = arith.constant 42 : i32
    %barrier3A_38 = arith.constant 0 : index
    tpu.barrier barrier_id(%barrier3A_38)
    %scan3A_39 = arith.constant 0 : i32
    %scan3A_40 = arith.constant 5 : i32
    %scan3A_41 = arith.addi %scan3A_39, %scan3A_40 : i32
    %scan3A_42 = arith.constant 1 : i32
    scf.for %scan3A_44 = %scan3A_39 to %scan3A_41 step %scan3A_42  : i32 {
      %mul3A_45 = arith.constant 128 : i32
      %mul3A_46 = arith.muli %scan3A_44, %mul3A_45 : i32
      %add3A_47 = arith.constant 0 : i32
      %add3A_48 = arith.addi %add3A_47, %mul3A_46 : i32
      %mul3A_49 = arith.constant 640 : i32
      %mul3A_50 = arith.muli %arg1, %mul3A_49 : i32
      %add3A_51 = arith.addi %mul3A_50, %add3A_48 : i32
      "tpu.region"() ({
        %run_scoped3A = tpu.sem_alloc : memref<!tpu.dma_semaphore, #tpu.memory_space<semaphore_mem>>
        %dma_start3A_52 = arith.constant 0 : i32
        %dma_start3A_53 = tpu.memref_slice %arg4[%arg0, %add3A_51, %dma_start3A_52] : memref<2x10240x128xf32, #tpu.memory_space<hbm>> -> memref<1x128x128xf32, #tpu.memory_space<hbm>>
        %dma_start3A_54 = tpu.memref_squeeze %dma_start3A_53 : memref<1x128x128xf32, #tpu.memory_space<hbm>> -> memref<128x128xf32, #tpu.memory_space<hbm>>
        %dma_start3A_55 = arith.constant 0 : i32
        %dma_start3A_56 = tpu.memref_slice %arg15[%add3A_51, %dma_start3A_55] : memref<10240x128xf32, #tpu.memory_space<vmem_shared>> -> memref<128x128xf32, #tpu.memory_space<vmem_shared>>
        tpu.enqueue_dma source(%dma_start3A_56 : memref<128x128xf32, #tpu.memory_space<vmem_shared>>) target(%dma_start3A_54 : memref<128x128xf32, #tpu.memory_space<hbm>>) target_semaphore(%run_scoped3A : memref<!tpu.dma_semaphore, #tpu.memory_space<semaphore_mem>>)
        %dma_wait3A = arith.constant 0 : i32
        %dma_wait3A_57 = tpu.memref_slice %arg4[%arg0, %add3A_51, %dma_wait3A] : memref<2x10240x128xf32, #tpu.memory_space<hbm>> -> memref<1x128x128xf32, #tpu.memory_space<hbm>>
        %dma_wait3A_58 = tpu.memref_squeeze %dma_wait3A_57 : memref<1x128x128xf32, #tpu.memory_space<hbm>> -> memref<128x128xf32, #tpu.memory_space<hbm>>
        %dma_wait3A_59 = arith.constant 0 : i32
        %dma_wait3A_60 = tpu.memref_slice %arg15[%add3A_51, %dma_wait3A_59] : memref<10240x128xf32, #tpu.memory_space<vmem_shared>> -> memref<128x128xf32, #tpu.memory_space<vmem_shared>>
        tpu.wait_dma2 semaphore(%run_scoped3A : memref<!tpu.dma_semaphore, #tpu.memory_space<semaphore_mem>>) src(%dma_wait3A_60 : memref<128x128xf32, #tpu.memory_space<vmem_shared>>) dst(%dma_wait3A_58 : memref<128x128xf32, #tpu.memory_space<hbm>>)
        tpu.yield
      }) : () -> ()
    }
    %scan3A_43 = arith.constant 5 : i32
    return
  }
}

module attributes {stable_mosaic.version = 14 : i64} {
  func.func @body(%arg0: i32, %arg1: memref<32x2560xf32, #tpu.memory_space<vmem>>, %arg2: memref<2560x128xf32, #tpu.memory_space<vmem>>, %arg3: memref<128x128xf32, #tpu.memory_space<vmem>>, %arg4: memref<2560x128xf32, #tpu.memory_space<vmem>>, %arg5: memref<2560x1xf32, #tpu.memory_space<vmem>>) attributes {dimension_semantics = [#tpu.dimension_semantics<arbitrary>], iteration_bounds = array<i64: 4>, scalar_prefetch = 0 : i64, scratch_operands = 0 : i64, tpu.core_type = #tpu.core_type<tc>, window_params = [{transform_indices = @transform_0, window_bounds = array<i64: 32, 2560>}, {transform_indices = @transform_1, window_bounds = array<i64: 2560, 128>}, {pipeline_mode = #tpu.pipeline_mode<synchronous>, transform_indices = @transform_2, window_bounds = array<i64: 128, 128>}, {transform_indices = @transform_3, window_bounds = array<i64: 2560, 128>}, {transform_indices = @transform_4, window_bounds = array<i64: 2560, 1>}]} {
    %get3A = arith.constant 0 : index
    %get3A_0 = arith.constant 0 : index
    %get3A_1 = vector.load %arg1[%get3A, %get3A_0] : memref<32x2560xf32, #tpu.memory_space<vmem>>, vector<32x2560xf32>
    %broadcast_in_dim3A = arith.constant 1.000000e+00 : f32
    %broadcast_in_dim3A_2 = vector.broadcast %broadcast_in_dim3A : f32 to vector<32x1xf32>
    %dot_general3A = arith.constant dense<0.000000e+00> : vector<2560x1xf32>
    %dot_general3A_3 = tpu.matmul %get3A_1, %broadcast_in_dim3A_2, %dot_general3A {dimension_numbers = #tpu.dot_dimension_numbers<[0], [0], [1], [1], [0, 1, 1, 1], [], []>, transpose_lhs_hint = false} : vector<32x2560xf32>, vector<32x1xf32>, vector<2560x1xf32> -> vector<2560x1xf32>
    %add3A = arith.constant 1.000000e+00 : f32
    %add3A_4 = vector.broadcast %add3A : f32 to vector<2560x1xf32>
    %add3A_5 = arith.addf %dot_general3A_3, %add3A_4 : vector<2560x1xf32>
    %rsqrt3A = math.rsqrt %add3A_5 : vector<2560x1xf32>
    %swap3A = arith.constant 0 : index
    %swap3A_6 = arith.constant 0 : index
    %swap3A_7 = vector.load %arg5[%swap3A, %swap3A_6] : memref<2560x1xf32, #tpu.memory_space<vmem>>, vector<2560x1xf32>
    tpu.vector_store %arg5[%swap3A, %swap3A_6], %rsqrt3A {strides = array<i32>} : memref<2560x1xf32, #tpu.memory_space<vmem>>, vector<2560x1xf32>,
    %get3A_8 = arith.constant 0 : index
    %get3A_9 = arith.constant 0 : index
    %get3A_10 = vector.load %arg2[%get3A_8, %get3A_9] : memref<2560x128xf32, #tpu.memory_space<vmem>>, vector<2560x128xf32>
    %get3A_11 = arith.constant 0 : index
    %get3A_12 = arith.constant 0 : index
    %get3A_13 = vector.load %arg3[%get3A_11, %get3A_12] : memref<128x128xf32, #tpu.memory_space<vmem>>, vector<128x128xf32>
    %dot_general3A_14 = arith.constant dense<0.000000e+00> : vector<2560x128xf32>
    %dot_general3A_15 = tpu.matmul %get3A_10, %get3A_13, %dot_general3A_14 {dimension_numbers = #tpu.dot_dimension_numbers<[1], [0], [0], [1], [0, 0, 1, 1], [], []>, transpose_lhs_hint = false} : vector<2560x128xf32>, vector<128x128xf32>, vector<2560x128xf32> -> vector<2560x128xf32>
    %mul3A = vector.broadcast %rsqrt3A : vector<2560x1xf32> to vector<2560x128xf32>
    %mul3A_16 = arith.mulf %mul3A, %dot_general3A_15 : vector<2560x128xf32>
    %swap3A_17 = arith.constant 0 : index
    %swap3A_18 = arith.constant 0 : index
    %swap3A_19 = vector.load %arg4[%swap3A_17, %swap3A_18] : memref<2560x128xf32, #tpu.memory_space<vmem>>, vector<2560x128xf32>
    tpu.vector_store %arg4[%swap3A_17, %swap3A_18], %mul3A_16 {strides = array<i32>} : memref<2560x128xf32, #tpu.memory_space<vmem>>, vector<2560x128xf32>,
    return
  }
  func.func @transform_0(%arg0: i32) -> (i32, i32) {
    %c0_i32 = arith.constant 0 : i32
    %c0_i32_0 = arith.constant 0 : i32
    return %c0_i32, %arg0 : i32, i32
  }
  func.func @transform_1(%arg0: i32) -> (i32, i32) {
    %c0_i32 = arith.constant 0 : i32
    %c0_i32_0 = arith.constant 0 : i32
    return %arg0, %c0_i32 : i32, i32
  }
  func.func @transform_2(%arg0: i32) -> (i32, i32) {
    %c0_i32 = arith.constant 0 : i32
    %c0_i32_0 = arith.constant 0 : i32
    %c0_i32_1 = arith.constant 0 : i32
    return %c0_i32, %c0_i32_0 : i32, i32
  }
  func.func @transform_3(%arg0: i32) -> (i32, i32) {
    %c0_i32 = arith.constant 0 : i32
    %c0_i32_0 = arith.constant 0 : i32
    return %arg0, %c0_i32 : i32, i32
  }
  func.func @transform_4(%arg0: i32) -> (i32, i32) {
    %c0_i32 = arith.constant 0 : i32
    %c0_i32_0 = arith.constant 0 : i32
    return %arg0, %c0_i32 : i32, i32
  }
}

module attributes {stable_mosaic.version = 14 : i64} {
  func.func @body(%arg0: i32, %arg1: memref<2x2560x128xf32, #tpu.memory_space<vmem>>, %arg2: memref<2560x128xf32, #tpu.memory_space<vmem>>, %arg3: memref<2560x1xf32, #tpu.memory_space<vmem>>, %arg4: memref<1x128xf32, #tpu.memory_space<vmem>>, %arg5: memref<128x128xf32, #tpu.memory_space<vmem>>, %arg6: memref<2560x128xf32, #tpu.memory_space<vmem>>) attributes {dimension_semantics = [#tpu.dimension_semantics<arbitrary>], iteration_bounds = array<i64: 4>, scalar_prefetch = 0 : i64, scratch_operands = 0 : i64, tpu.core_type = #tpu.core_type<tc>, window_params = [{transform_indices = @transform_0, window_bounds = array<i64: 2, 2560, 128>}, {transform_indices = @transform_1, window_bounds = array<i64: 2560, 128>}, {transform_indices = @transform_2, window_bounds = array<i64: 2560, 1>}, {pipeline_mode = #tpu.pipeline_mode<synchronous>, transform_indices = @transform_3, window_bounds = array<i64: 1, 128>}, {pipeline_mode = #tpu.pipeline_mode<synchronous>, transform_indices = @transform_4, window_bounds = array<i64: 128, 128>}, {transform_indices = @transform_5, window_bounds = array<i64: 2560, 128>}]} {
    %get3A = arith.constant 0 : index
    %get3A_0 = arith.constant 0 : index
    %get3A_1 = vector.load %arg3[%get3A, %get3A_0] : memref<2560x1xf32, #tpu.memory_space<vmem>>, vector<2560x1xf32>
    %get3A_2 = arith.constant 0 : index
    %get3A_3 = arith.constant 0 : index
    %get3A_4 = arith.constant 0 : index
    %get3A_5 = vector.load %arg1[%get3A_2, %get3A_3, %get3A_4] : memref<2x2560x128xf32, #tpu.memory_space<vmem>>, vector<1x2560x128xf32>
    %get3A_6 = vector.shape_cast %get3A_5 : vector<1x2560x128xf32> to vector<2560x128xf32>
    %get3A_7 = arith.constant 1 : index
    %get3A_8 = arith.constant 0 : index
    %get3A_9 = arith.constant 0 : index
    %get3A_10 = vector.load %arg1[%get3A_7, %get3A_8, %get3A_9] : memref<2x2560x128xf32, #tpu.memory_space<vmem>>, vector<1x2560x128xf32>
    %get3A_11 = vector.shape_cast %get3A_10 : vector<1x2560x128xf32> to vector<2560x128xf32>
    %add3A = arith.addf %get3A_6, %get3A_11 : vector<2560x128xf32>
    %get3A_12 = arith.constant 0 : index
    %get3A_13 = arith.constant 0 : index
    %get3A_14 = vector.load %arg2[%get3A_12, %get3A_13] : memref<2560x128xf32, #tpu.memory_space<vmem>>, vector<2560x128xf32>
    %add3A_15 = arith.addf %add3A, %get3A_14 : vector<2560x128xf32>
    %mul3A = vector.broadcast %get3A_1 : vector<2560x1xf32> to vector<2560x128xf32>
    %mul3A_16 = arith.mulf %mul3A, %add3A_15 : vector<2560x128xf32>
    %get3A_17 = arith.constant 0 : index
    %get3A_18 = arith.constant 0 : index
    %get3A_19 = vector.load %arg4[%get3A_17, %get3A_18] : memref<1x128xf32, #tpu.memory_space<vmem>>, vector<1x128xf32>
    %add3A_20 = vector.broadcast %get3A_19 : vector<1x128xf32> to vector<2560x128xf32>
    %add3A_21 = arith.addf %mul3A_16, %add3A_20 : vector<2560x128xf32>
    %max3A = arith.constant 0.000000e+00 : f32
    %max3A_22 = vector.broadcast %max3A : f32 to vector<2560x128xf32>
    %max3A_23 = arith.maximumf %add3A_21, %max3A_22 : vector<2560x128xf32>
    %get3A_24 = arith.constant 0 : index
    %get3A_25 = arith.constant 0 : index
    %get3A_26 = vector.load %arg5[%get3A_24, %get3A_25] : memref<128x128xf32, #tpu.memory_space<vmem>>, vector<128x128xf32>
    %dot_general3A = arith.constant dense<0.000000e+00> : vector<2560x128xf32>
    %dot_general3A_27 = tpu.matmul %max3A_23, %get3A_26, %dot_general3A {dimension_numbers = #tpu.dot_dimension_numbers<[1], [0], [0], [1], [0, 0, 1, 1], [], []>, transpose_lhs_hint = false} : vector<2560x128xf32>, vector<128x128xf32>, vector<2560x128xf32> -> vector<2560x128xf32>
    %mul3A_28 = vector.broadcast %get3A_1 : vector<2560x1xf32> to vector<2560x128xf32>
    %mul3A_29 = arith.mulf %mul3A_28, %dot_general3A_27 : vector<2560x128xf32>
    %swap3A = arith.constant 0 : index
    %swap3A_30 = arith.constant 0 : index
    %swap3A_31 = vector.load %arg6[%swap3A, %swap3A_30] : memref<2560x128xf32, #tpu.memory_space<vmem>>, vector<2560x128xf32>
    tpu.vector_store %arg6[%swap3A, %swap3A_30], %mul3A_29 {strides = array<i32>} : memref<2560x128xf32, #tpu.memory_space<vmem>>, vector<2560x128xf32>,
    return
  }
  func.func @transform_0(%arg0: i32) -> (i32, i32, i32) {
    %c0_i32 = arith.constant 0 : i32
    %c0_i32_0 = arith.constant 0 : i32
    %c0_i32_1 = arith.constant 0 : i32
    return %c0_i32, %arg0, %c0_i32_0 : i32, i32, i32
  }
  func.func @transform_1(%arg0: i32) -> (i32, i32) {
    %c0_i32 = arith.constant 0 : i32
    %c0_i32_0 = arith.constant 0 : i32
    return %arg0, %c0_i32 : i32, i32
  }
  func.func @transform_2(%arg0: i32) -> (i32, i32) {
    %c0_i32 = arith.constant 0 : i32
    %c0_i32_0 = arith.constant 0 : i32
    return %arg0, %c0_i32 : i32, i32
  }
  func.func @transform_3(%arg0: i32) -> (i32, i32) {
    %c0_i32 = arith.constant 0 : i32
    %c0_i32_0 = arith.constant 0 : i32
    %c0_i32_1 = arith.constant 0 : i32
    return %c0_i32, %c0_i32_0 : i32, i32
  }
  func.func @transform_4(%arg0: i32) -> (i32, i32) {
    %c0_i32 = arith.constant 0 : i32
    %c0_i32_0 = arith.constant 0 : i32
    %c0_i32_1 = arith.constant 0 : i32
    return %c0_i32, %c0_i32_0 : i32, i32
  }
  func.func @transform_5(%arg0: i32) -> (i32, i32) {
    %c0_i32 = arith.constant 0 : i32
    %c0_i32_0 = arith.constant 0 : i32
    return %arg0, %c0_i32 : i32, i32
  }
}

module attributes {stable_mosaic.version = 14 : i64} {
  func.func @body(%arg0: i32, %arg1: memref<2x2560x128xf32, #tpu.memory_space<vmem>>, %arg2: memref<2560x128xf32, #tpu.memory_space<vmem>>, %arg3: memref<2560x1xf32, #tpu.memory_space<vmem>>, %arg4: memref<1x128xf32, #tpu.memory_space<vmem>>, %arg5: memref<1x1x2560xi32, #tpu.memory_space<vmem>>, %arg6: memref<128x16xf32, #tpu.memory_space<vmem>>, %arg7: memref<1x16xf32, #tpu.memory_space<vmem>>, %arg8: memref<128x16xf32, #tpu.memory_space<vmem>>, %arg9: memref<128x128xf32, #tpu.memory_space<vmem>>, %arg10: memref<128x128xf32, #tpu.memory_space<vmem>>) attributes {dimension_semantics = [#tpu.dimension_semantics<arbitrary>], iteration_bounds = array<i64: 4>, scalar_prefetch = 0 : i64, scratch_operands = 2 : i64, tpu.core_type = #tpu.core_type<tc>, window_params = [{transform_indices = @transform_0, window_bounds = array<i64: 2, 2560, 128>}, {transform_indices = @transform_1, window_bounds = array<i64: 2560, 128>}, {transform_indices = @transform_2, window_bounds = array<i64: 2560, 1>}, {pipeline_mode = #tpu.pipeline_mode<synchronous>, transform_indices = @transform_3, window_bounds = array<i64: 1, 128>}, {transform_indices = @transform_4, window_bounds = array<i64: 1, 1, 2560>}, {pipeline_mode = #tpu.pipeline_mode<synchronous>, transform_indices = @transform_5, window_bounds = array<i64: 128, 16>}, {pipeline_mode = #tpu.pipeline_mode<synchronous>, transform_indices = @transform_6, window_bounds = array<i64: 1, 16>}, {pipeline_mode = #tpu.pipeline_mode<synchronous>, transform_indices = @transform_7, window_bounds = array<i64: 128, 16>}]} {
    %eq3A = arith.constant 0 : i32
    %eq3A_0 = arith.cmpi eq, %arg0, %eq3A : i32
    %convert_element_type3A = arith.extui %eq3A_0 : i1 to i32
    %cond3A = arith.constant 0 : i32
    %cond3A_1 = arith.cmpi ne, %convert_element_type3A, %cond3A : i32
    scf.if %cond3A_1 {
      %broadcast_in_dim3A_57 = arith.constant 0.000000e+00 : f32
      %broadcast_in_dim3A_58 = vector.broadcast %broadcast_in_dim3A_57 : f32 to vector<128x128xf32>
      %swap3A_59 = arith.constant 0 : index
      %swap3A_60 = arith.constant 0 : index
      %swap3A_61 = vector.load %arg9[%swap3A_59, %swap3A_60] : memref<128x128xf32, #tpu.memory_space<vmem>>, vector<128x128xf32>
      tpu.vector_store %arg9[%swap3A_59, %swap3A_60], %broadcast_in_dim3A_58 {strides = array<i32>} : memref<128x128xf32, #tpu.memory_space<vmem>>, vector<128x128xf32>,
      %broadcast_in_dim3A_62 = arith.constant 0.000000e+00 : f32
      %broadcast_in_dim3A_63 = vector.broadcast %broadcast_in_dim3A_62 : f32 to vector<128x128xf32>
      %swap3A_64 = arith.constant 0 : index
      %swap3A_65 = arith.constant 0 : index
      %swap3A_66 = vector.load %arg10[%swap3A_64, %swap3A_65] : memref<128x128xf32, #tpu.memory_space<vmem>>, vector<128x128xf32>
      tpu.vector_store %arg10[%swap3A_64, %swap3A_65], %broadcast_in_dim3A_63 {strides = array<i32>} : memref<128x128xf32, #tpu.memory_space<vmem>>, vector<128x128xf32>,
    } else {
    }
    %get3A = arith.constant 0 : index
    %get3A_2 = arith.constant 0 : index
    %get3A_3 = vector.load %arg3[%get3A, %get3A_2] : memref<2560x1xf32, #tpu.memory_space<vmem>>, vector<2560x1xf32>
    %get3A_4 = arith.constant 0 : index
    %get3A_5 = arith.constant 0 : index
    %get3A_6 = arith.constant 0 : index
    %get3A_7 = vector.load %arg1[%get3A_4, %get3A_5, %get3A_6] : memref<2x2560x128xf32, #tpu.memory_space<vmem>>, vector<1x2560x128xf32>
    %get3A_8 = vector.shape_cast %get3A_7 : vector<1x2560x128xf32> to vector<2560x128xf32>
    %get3A_9 = arith.constant 1 : index
    %get3A_10 = arith.constant 0 : index
    %get3A_11 = arith.constant 0 : index
    %get3A_12 = vector.load %arg1[%get3A_9, %get3A_10, %get3A_11] : memref<2x2560x128xf32, #tpu.memory_space<vmem>>, vector<1x2560x128xf32>
    %get3A_13 = vector.shape_cast %get3A_12 : vector<1x2560x128xf32> to vector<2560x128xf32>
    %add3A = arith.addf %get3A_8, %get3A_13 : vector<2560x128xf32>
    %get3A_14 = arith.constant 0 : index
    %get3A_15 = arith.constant 0 : index
    %get3A_16 = vector.load %arg2[%get3A_14, %get3A_15] : memref<2560x128xf32, #tpu.memory_space<vmem>>, vector<2560x128xf32>
    %add3A_17 = arith.addf %add3A, %get3A_16 : vector<2560x128xf32>
    %mul3A = vector.broadcast %get3A_3 : vector<2560x1xf32> to vector<2560x128xf32>
    %mul3A_18 = arith.mulf %mul3A, %add3A_17 : vector<2560x128xf32>
    %get3A_19 = arith.constant 0 : index
    %get3A_20 = arith.constant 0 : index
    %get3A_21 = vector.load %arg4[%get3A_19, %get3A_20] : memref<1x128xf32, #tpu.memory_space<vmem>>, vector<1x128xf32>
    %add3A_22 = vector.broadcast %get3A_21 : vector<1x128xf32> to vector<2560x128xf32>
    %add3A_23 = arith.addf %mul3A_18, %add3A_22 : vector<2560x128xf32>
    %max3A = arith.constant 0.000000e+00 : f32
    %max3A_24 = vector.broadcast %max3A : f32 to vector<2560x128xf32>
    %max3A_25 = arith.maximumf %add3A_23, %max3A_24 : vector<2560x128xf32>
    %get3A_26 = arith.constant 0 : index
    %get3A_27 = arith.constant 0 : index
    %get3A_28 = arith.constant 0 : index
    %get3A_29 = vector.load %arg5[%get3A_26, %get3A_27, %get3A_28] : memref<1x1x2560xi32, #tpu.memory_space<vmem>>, vector<1x1x2560xi32>
    %get3A_30 = vector.shape_cast %get3A_29 : vector<1x1x2560xi32> to vector<2560xi32>
    %reshape3A = vector.shape_cast %get3A_30 : vector<2560xi32> to vector<2560x1xi32>
    %iota3A = tpu.iota {dimensions = array<i32: 1>} : vector<2560x128xi32>
    %eq3A_31 = vector.broadcast %reshape3A : vector<2560x1xi32> to vector<2560x128xi32>
    %eq3A_32 = arith.cmpi eq, %eq3A_31, %iota3A : vector<2560x128xi32>
    %convert_element_type3A_33 = arith.extui %eq3A_32 : vector<2560x128xi1> to vector<2560x128xi32>
    %convert_element_type3A_34 = arith.sitofp %convert_element_type3A_33 : vector<2560x128xi32> to vector<2560x128xf32>
    %get3A_35 = arith.constant 0 : index
    %get3A_36 = arith.constant 0 : index
    %get3A_37 = vector.load %arg9[%get3A_35, %get3A_36] : memref<128x128xf32, #tpu.memory_space<vmem>>, vector<128x128xf32>
    %dot_general3A = arith.constant dense<0.000000e+00> : vector<128x128xf32>
    %dot_general3A_38 = tpu.matmul %convert_element_type3A_34, %max3A_25, %dot_general3A {dimension_numbers = #tpu.dot_dimension_numbers<[0], [0], [1], [1], [0, 1, 1, 1], [], []>, transpose_lhs_hint = false} : vector<2560x128xf32>, vector<2560x128xf32>, vector<128x128xf32> -> vector<128x128xf32>
    %add3A_39 = arith.addf %get3A_37, %dot_general3A_38 : vector<128x128xf32>
    %swap3A = arith.constant 0 : index
    %swap3A_40 = arith.constant 0 : index
    %swap3A_41 = vector.load %arg9[%swap3A, %swap3A_40] : memref<128x128xf32, #tpu.memory_space<vmem>>, vector<128x128xf32>
    tpu.vector_store %arg9[%swap3A, %swap3A_40], %add3A_39 {strides = array<i32>} : memref<128x128xf32, #tpu.memory_space<vmem>>, vector<128x128xf32>,
    %get3A_42 = arith.constant 0 : index
    %get3A_43 = arith.constant 0 : index
    %get3A_44 = vector.load %arg10[%get3A_42, %get3A_43] : memref<128x128xf32, #tpu.memory_space<vmem>>, vector<128x128xf32>
    %broadcast_in_dim3A = arith.constant 1.000000e+00 : f32
    %broadcast_in_dim3A_45 = vector.broadcast %broadcast_in_dim3A : f32 to vector<2560x128xf32>
    %dot_general3A_46 = arith.constant dense<0.000000e+00> : vector<128x128xf32>
    %dot_general3A_47 = tpu.matmul %convert_element_type3A_34, %broadcast_in_dim3A_45, %dot_general3A_46 {dimension_numbers = #tpu.dot_dimension_numbers<[0], [0], [1], [1], [0, 1, 1, 1], [], []>, transpose_lhs_hint = false} : vector<2560x128xf32>, vector<2560x128xf32>, vector<128x128xf32> -> vector<128x128xf32>
    %add3A_48 = arith.addf %get3A_44, %dot_general3A_47 : vector<128x128xf32>
    %swap3A_49 = arith.constant 0 : index
    %swap3A_50 = arith.constant 0 : index
    %swap3A_51 = vector.load %arg10[%swap3A_49, %swap3A_50] : memref<128x128xf32, #tpu.memory_space<vmem>>, vector<128x128xf32>
    tpu.vector_store %arg10[%swap3A_49, %swap3A_50], %add3A_48 {strides = array<i32>} : memref<128x128xf32, #tpu.memory_space<vmem>>, vector<128x128xf32>,
    %eq3A_52 = arith.constant 3 : i32
    %eq3A_53 = arith.cmpi eq, %arg0, %eq3A_52 : i32
    %convert_element_type3A_54 = arith.extui %eq3A_53 : i1 to i32
    %cond3A_55 = arith.constant 0 : i32
    %cond3A_56 = arith.cmpi ne, %convert_element_type3A_54, %cond3A_55 : i32
    scf.if %cond3A_56 {
      %get3A_57 = arith.constant 0 : index
      %get3A_58 = arith.constant 0 : index
      %get3A_59 = vector.load %arg9[%get3A_57, %get3A_58] : memref<128x128xf32, #tpu.memory_space<vmem>>, vector<128x128xf32>
      %get3A_60 = arith.constant 0 : index
      %get3A_61 = arith.constant 0 : index
      %get3A_62 = vector.load %arg10[%get3A_60, %get3A_61] : memref<128x128xf32, #tpu.memory_space<vmem>>, vector<128x128xf32>
      %max3A_63 = arith.constant 1.000000e+00 : f32
      %max3A_64 = vector.broadcast %max3A_63 : f32 to vector<128x128xf32>
      %max3A_65 = arith.maximumf %get3A_62, %max3A_64 : vector<128x128xf32>
      %div3A = arith.divf %get3A_59, %max3A_65 : vector<128x128xf32>
      %get3A_66 = arith.constant 0 : index
      %get3A_67 = arith.constant 0 : index
      %get3A_68 = vector.load %arg6[%get3A_66, %get3A_67] : memref<128x16xf32, #tpu.memory_space<vmem>>, vector<128x16xf32>
      %dot_general3A_69 = arith.constant dense<0.000000e+00> : vector<128x16xf32>
      %dot_general3A_70 = tpu.matmul %div3A, %get3A_68, %dot_general3A_69 {dimension_numbers = #tpu.dot_dimension_numbers<[1], [0], [0], [1], [0, 0, 1, 1], [], []>, transpose_lhs_hint = false} : vector<128x128xf32>, vector<128x16xf32>, vector<128x16xf32> -> vector<128x16xf32>
      %get3A_71 = arith.constant 0 : index
      %get3A_72 = arith.constant 0 : index
      %get3A_73 = vector.load %arg7[%get3A_71, %get3A_72] : memref<1x16xf32, #tpu.memory_space<vmem>>, vector<1x16xf32>
      %add3A_74 = vector.broadcast %get3A_73 : vector<1x16xf32> to vector<128x16xf32>
      %add3A_75 = arith.addf %dot_general3A_70, %add3A_74 : vector<128x16xf32>
      %reduce_max3A = arith.constant dense<0xFF800000> : vector<128xf32>
      %reduce_max3A_76 = vector.multi_reduction <maximumf>, %add3A_75, %reduce_max3A [1] : vector<128x16xf32> to vector<128xf32>
      %broadcast_in_dim3A_77 = vector.shape_cast %reduce_max3A_76 : vector<128xf32> to vector<128x1xf32>
      %sub3A = vector.broadcast %broadcast_in_dim3A_77 : vector<128x1xf32> to vector<128x16xf32>
      %sub3A_78 = arith.subf %add3A_75, %sub3A : vector<128x16xf32>
      %exp3A = math.exp %sub3A_78 : vector<128x16xf32>
      %reduce_sum3A = arith.constant dense<0.000000e+00> : vector<128xf32>
      %reduce_sum3A_79 = vector.multi_reduction <add>, %exp3A, %reduce_sum3A [1] : vector<128x16xf32> to vector<128xf32>
      %broadcast_in_dim3A_80 = vector.shape_cast %reduce_sum3A_79 : vector<128xf32> to vector<128x1xf32>
      %log3A = math.log %broadcast_in_dim3A_80 : vector<128x1xf32>
      %sub3A_81 = vector.broadcast %log3A : vector<128x1xf32> to vector<128x16xf32>
      %sub3A_82 = arith.subf %sub3A_78, %sub3A_81 : vector<128x16xf32>
      %swap3A_83 = arith.constant 0 : index
      %swap3A_84 = arith.constant 0 : index
      %swap3A_85 = vector.load %arg8[%swap3A_83, %swap3A_84] : memref<128x16xf32, #tpu.memory_space<vmem>>, vector<128x16xf32>
      tpu.vector_store %arg8[%swap3A_83, %swap3A_84], %sub3A_82 {strides = array<i32>} : memref<128x16xf32, #tpu.memory_space<vmem>>, vector<128x16xf32>,
    } else {
    }
    return
  }
  func.func @transform_0(%arg0: i32) -> (i32, i32, i32) {
    %c0_i32 = arith.constant 0 : i32
    %c0_i32_0 = arith.constant 0 : i32
    %c0_i32_1 = arith.constant 0 : i32
    return %c0_i32, %arg0, %c0_i32_0 : i32, i32, i32
  }
  func.func @transform_1(%arg0: i32) -> (i32, i32) {
    %c0_i32 = arith.constant 0 : i32
    %c0_i32_0 = arith.constant 0 : i32
    return %arg0, %c0_i32 : i32, i32
  }
  func.func @transform_2(%arg0: i32) -> (i32, i32) {
    %c0_i32 = arith.constant 0 : i32
    %c0_i32_0 = arith.constant 0 : i32
    return %arg0, %c0_i32 : i32, i32
  }
  func.func @transform_3(%arg0: i32) -> (i32, i32) {
    %c0_i32 = arith.constant 0 : i32
    %c0_i32_0 = arith.constant 0 : i32
    %c0_i32_1 = arith.constant 0 : i32
    return %c0_i32, %c0_i32_0 : i32, i32
  }
  func.func @transform_4(%arg0: i32) -> (i32, i32, i32) {
    %c0_i32 = arith.constant 0 : i32
    %c0_i32_0 = arith.constant 0 : i32
    %c0_i32_1 = arith.constant 0 : i32
    return %arg0, %c0_i32, %c0_i32_0 : i32, i32, i32
  }
  func.func @transform_5(%arg0: i32) -> (i32, i32) {
    %c0_i32 = arith.constant 0 : i32
    %c0_i32_0 = arith.constant 0 : i32
    %c0_i32_1 = arith.constant 0 : i32
    return %c0_i32, %c0_i32_0 : i32, i32
  }
  func.func @transform_6(%arg0: i32) -> (i32, i32) {
    %c0_i32 = arith.constant 0 : i32
    %c0_i32_0 = arith.constant 0 : i32
    %c0_i32_1 = arith.constant 0 : i32
    return %c0_i32, %c0_i32_0 : i32, i32
  }
  func.func @transform_7(%arg0: i32) -> (i32, i32) {
    %c0_i32 = arith.constant 0 : i32
    %c0_i32_0 = arith.constant 0 : i32
    %c0_i32_1 = arith.constant 0 : i32
    return %c0_i32, %c0_i32_0 : i32, i32
  }
}

</mosaic_0001>

<sc_bundles>
// kernel: kernel.10.cloned.1.call-start
scs
__scs_entry_jumppad:
0x0: {  	(pc) =	sbr.rel $0x88, $3  }
0x1: {  	(tag) =	ssettag $0x0;
	lr =	simm.s32 $0x1  }
0x2: {  	[smem:$0x3F96] =	sst lr;
	_ =	strace $0xD0000000  }
0x3: {  	_ = 	snop  }
0x4: {  	_ = 	snop  }
0x5: {  	_ = 	snop  }
0x6: {  	_ = 	snop  }
0x7: {  	_ = 	snop  }
__scs_overlays_trampoline_lowered:
0x8: {  	[smem:$0x3FA5] =	sst s0  }
0x9: {  	[smem:$0x3FA6] =	sst s1  }
0xa: {  	[smem:$0x3FA7] =	sst s2  }
0xb: {  	[smem:$0x3FA8] =	sst s3  }
0xc: {  	[smem:$0x3FA9] =	sst s4  }
0xd: {  	[smem:$0x3FAA] =	sst s5  }
0xe: {  	[smem:$0x3FAB] =	sst s6  }
0xf: {  	[smem:$0x3FAC] =	sst s7  }
0x10: {  	[smem:$0x3FAD] =	sst s8  }
0x11: {  	[smem:$0x3FAE] =	sst s9;
	s0 =	simm.s32 @!p0 $0x0  }
0x12: {  	s1 =	sld [smem:$0x3F94];
	s0 =	simm.s32 @p0 $0x1  }
0x13: {  	[smem:$0x3FAF] =	sst s0;
	s0 =	simm.s32 @!p1 $0x0  }
0x14: {  	s2 =	sld [smem:$0x3F93];
	s0 =	simm.s32 @p1 $0x1  }
0x15: {  	[smem:$0x3FB0] =	sst s0;
	s0 =	simm.s32 @!p2 $0x0  }
0x16: {  	s3 =	sld [smem:$0x3FDB];
	s0 =	simm.s32 @p2 $0x1  }
0x17: {  	s4 =	simm.s32 $0x1BF5;
	[smem:$0x3FB2] =	sst s0  }
0x18: {  	s0 =	sld [smem:$0x3F95];
	_ =	swait.ge [sflag:s4], $0x0  }
0x19: {  	s7 =	sld [smem:$0x3F96]  }
0x1a: {  	s8 =	sadd.s32 $0xFFFFE003, lr  }
0x1b: {  	s9 =	sadd.s32 $0xFFFFFEF7, lr;
	s5 =	simm.s32 $0xFFFFFFFF;
	p2 =	slt.u32 s8, $0xFFFFF086  }
0x1c: {  	p1 =	slt.u32 s9, $0xF7A;
	s5 =	simm.s32 @!p2 $0x0  }
0x1d: {  	s5 =	simm.s32 @p1 $0x1;
	p0 =	seq.s32 s7, s2  }
0x1e: {  	s7 =	smul.u32 @!p0 $0xF7A, s2;
	p2 =	seq.s32 @!p0 s5, $0x0  }
0x1f: {  	s9 =	smul.u32 $0xF7A, s1;
	s8 =	simm.s32 @!p0 $0x1BF5;
	p2 =	por !p2, p0  }
0x20: {  	[sflag:s8] =	ssyncset.s32 @!p0 $0xFFFFF086;
	s6 =	sadd.s32 @!p0 s3, s7;
	s7 =	simm.s32 @!p0 $0x108  }
0x21: {  	s3 =	sadd.s32 s3, s9;
	s6 =	sadd.s32 @!p0 $0x88, s6;
	s7 =	simm.s32 @p2 $0x1082  }
0x22: {  	[simem:s7], [sflag:s8] =	dma.local @!p0 [hbm:s6], $0xF7A  }
0x23: {  	s9 =	sor.u32 $0xD0000000, s2;
	s6 =	simm.s32 $0x108;
	_ =	swait.ge @!p0 [sflag:s8], $0x0  }
0x24: {  	s3 =	sadd.s32 $0x88, s3;
	s6 =	simm.s32 @!p1 $0x1082;
	[sflag:s4] =	ssyncset.s32 $0xFFFFF086  }
0x25: {  	[simem:s6], [sflag:s4] =	dma.local [hbm:s3], $0xF7A  }
0x26: {  	[smem:$0x3F96] =	sst s1;
	(tag) =	ssettag s2;
	_ =	strace s9  }
0x27: {  	s1 =	sld [smem:$0x3FA6]  }
0x28: {  	s2 =	sld [smem:$0x3FA7]  }
0x29: {  	s4 =	sld [smem:$0x3FA9]  }
0x2a: {  	p0 =	seq.s32 s5, $0x0;
	s5 =	sld [smem:$0x3FAA]  }
0x2b: {  	s6 =	sld [smem:$0x3FAB]  }
0x2c: {  	s7 =	sld [smem:$0x3FAC]  }
0x2d: {  	s3 =	simm.s32 $0x108;
	s8 =	sld [smem:$0x3FAD]  }
0x2e: {  	s3 =	simm.s32 @!p0 $0x1082;
	s9 =	sld [smem:$0x3FAE]  }
0x2f: {  	lr =	sadd.s32 s0, s3;
	s0 =	sld [smem:$0x3FA5]  }
0x30: {  	s3 =	sld [smem:$0x3FA8]  }
0x31: {  	[smem:$0x3FB1] =	sst s10  }
0x32: {  	s10 =	sld [smem:$0x3FAF];
	_ =	sdelay $0x3  }
0x33: {  	p0 =	seq.s32 s10, $0x1;
	s10 =	sld [smem:$0x3FB1];
	_ =	sdelay $0x3  }
0x34: {  	[smem:$0x3FB1] =	sst s10  }
0x35: {  	s10 =	sld [smem:$0x3FB0];
	_ =	sdelay $0x3  }
0x36: {  	p1 =	seq.s32 s10, $0x1;
	s10 =	sld [smem:$0x3FB1];
	_ =	sdelay $0x3  }
0x37: {  	[smem:$0x3FB1] =	sst s10  }
0x38: {  	s10 =	sld [smem:$0x3FB2]  }
0x39: {  	_ = 	snop;
	(pc) =	sbr.ind lr, $3  }
0x3a: {  	_ = 	snop  }
0x3b: {  	_ = 	snop  }
0x3c: {  	p2 =	seq.s32 s10, $0x1;
	s10 =	sld [smem:$0x3FB1]  }
0x3d: {  	_ =	shalt  }
0x3e: {  	_ =	shalt  }
0x3f: {  	_ =	shalt  }
0x40: {  	_ =	shalt  }
0x41: {  	_ =	shalt  }
0x42: {  	_ =	shalt  }
0x43: {  	_ =	shalt  }
0x44: {  	_ =	shalt  }
0x45: {  	_ =	shalt  }
0x46: {  	_ =	shalt  }
0x47: {  	_ =	shalt  }
0x48: {  	_ =	shalt  }
0x49: {  	_ =	shalt  }
0x4a: {  	_ =	shalt  }
0x4b: {  	_ =	shalt  }
0x4c: {  	_ =	shalt  }
0x4d: {  	_ =	shalt  }
0x4e: {  	_ =	shalt  }
0x4f: {  	_ =	shalt  }
0x50: {  	_ =	shalt  }
0x51: {  	_ =	shalt  }
0x52: {  	_ =	shalt  }
0x53: {  	_ =	shalt  }
0x54: {  	_ =	shalt  }
0x55: {  	_ =	shalt  }
0x56: {  	_ =	shalt  }
0x57: {  	_ =	shalt  }
0x58: {  	_ =	shalt  }
0x59: {  	_ =	shalt  }
0x5a: {  	_ =	shalt  }
0x5b: {  	_ =	shalt  }
0x5c: {  	_ =	shalt  }
0x5d: {  	_ =	shalt  }
0x5e: {  	_ =	shalt  }
0x5f: {  	_ =	shalt  }
0x60: {  	_ =	shalt  }
0x61: {  	_ =	shalt  }
0x62: {  	_ =	shalt  }
0x63: {  	_ =	shalt  }
0x64: {  	_ =	shalt  }
0x65: {  	_ =	shalt  }
0x66: {  	_ =	shalt  }
0x67: {  	_ =	shalt  }
0x68: {  	_ =	shalt  }
0x69: {  	_ =	shalt  }
0x6a: {  	_ =	shalt  }
0x6b: {  	_ =	shalt  }
0x6c: {  	_ =	shalt  }
0x6d: {  	_ =	shalt  }
0x6e: {  	_ =	shalt  }
0x6f: {  	_ =	shalt  }
0x70: {  	_ =	shalt  }
0x71: {  	_ =	shalt  }
0x72: {  	_ =	shalt  }
0x73: {  	_ =	shalt  }
0x74: {  	_ =	shalt  }
0x75: {  	_ =	shalt  }
0x76: {  	_ =	shalt  }
0x77: {  	_ =	shalt  }
0x78: {  	_ =	shalt  }
0x79: {  	_ =	shalt  }
0x7a: {  	_ =	shalt  }
0x7b: {  	_ =	shalt  }
0x7c: {  	_ =	shalt  }
0x7d: {  	_ =	shalt  }
0x7e: {  	_ =	shalt  }
0x7f: {  	_ =	shalt  }
0x80: {  	_ =	shalt  }
0x81: {  	_ =	shalt  }
0x82: {  	_ =	shalt  }
0x83: {  	_ =	shalt  }
0x84: {  	_ =	shalt  }
0x85: {  	_ =	shalt  }
0x86: {  	_ =	shalt  }
0x87: {  	_ =	shalt  }
.Lfunc_end0:
.L_simem_size_0:
called_computation_lowered:
.L_overlay_start_0:
0x88: {  	s2 =	sld [smem:$0x3FD9]  }
0x89: {  	s3 =	sld [smem:$0x3FFE];
	_ =	sdelay $0x1  }
0x8a: {  	s1 =	srdreg.scid  }
0x8b: {  	s0 =	sand.u32 $0x1, s1  }
0x8c: {  	s16 =	sshll.u32 s0, $0xA;
	s2 =	sadd.s32 s3, s2  }
0x8d: {  	s2 =	sadd.s32 s2, s16  }
0x8e: {  	[smem:$0x3FBD] =	sst s2  }
0x8f: {  	_ = 	snop  }
0x90: {  	(tm) =	ssettm $0x1  }
0x91: {  	s17 =	sld [smem:$0x3FFB];
	_ =	sdelay $0x3  }
0x92: {  	_ =	strace s17  }
0x93: {  	s2 =	sld [smem:$0x3FFC];
	_ =	sdelay $0x3  }
0x94: {  	_ =	strace s2  }
0x95: {  	s2 =	sld [smem:$0x3FFD];
	_ =	sdelay $0x3  }
0x96: {  	_ =	strace s2  }
0x97: {  	_ =	strace $0x8FFFFFFF  }
0x98: {  	s18 =	sld [smem:$0x3FDB];
	_ =	sdelay $0x1  }
0x99: {  	s19 =	simm.s32 $_scs_section_size  }
0x9a: {  	s4 =	simm.s32 $_size__tile_overlayer_lowered;
	s5 =	simm.s32 $_tile_overlayer_lowered  }
0x9b: {  	s22 =	simm.s32 $0x1BFF;
	s21 =	sshll.u32 s5, $0x1;
	s2 =	sadd.s32 s19, s18  }
0x9c: {  	s6 =	simm.s32 $0x0;
	s20 =	sshll.u32 s4, $0x1;
	s4 =	sadd.s32 s21, s2  }
0x9d: {  	[timem:s6], [sflag:s22] =	dma.local [hbm:s4], s20  }
0x9e: {  	_ =	swait.ge [sflag:s22], s20  }
0x9f: {  	s3 =	ssub.s32 $0x0, s20;
	[sflag:s22] =	ssyncset.done $0x0  }
0xa0: {  	[sflag:s22] =	ssyncadd.s32 s3;
	_ =	sdelay $0x1  }
0xa1: {  	s23 =	simm.s32 $0x1B8B  }
0xa2: {  	_ =	swait.ge [sflag:s23], $0x1  }
0xa3: {  	[sflag:s23] =	ssyncset.done $0x0  }
0xa4: {  	s25 =	simm.s32 $0x1B8E;
	s24 =	sld [smem:$0x3FFE];
	[sflag:s23] =	ssyncadd.s32 $0xFFFFFFFF  }
0xa5: {  	s26 =	simm.s32 $execute0_lowered;
	[smem:$0x3FD2] =	sst s25  }
0xa6: {  	s4 =	sshll.u32 s26, $0x1;
	_ =	strace $0x80000046;
	[dreg:$0x1] =	wrdreg $0xFFFFFFFF  }
0xa7: {  	s28 =	simm.s32 $_size_execute0_lowered;
	s2 =	sadd.s32 s2, s4;
	[dreg:$0x0] =	wrdreg $0x0  }
0xa8: {  	s4 =	sshll.u32 s28, $0x1;
	[dreg:$0x2] =	wrdreg s2  }
0xa9: {  	[dreg:$0x3] =	wrdreg s4  }
0xaa: {  	[dreg:$0x4] =	wrdreg $0xC0  }
0xab: {  	_ =	task [dreg:s6], $0x5FFFF  }
0xac: {  	[dreg:$0x1] =	wrdreg $0xFFFFFFFF  }
0xad: {  	[dreg:$0x0] =	wrdreg $0x60  }
0xae: {  	[dreg:$0x2] =	wrdreg s24  }
0xaf: {  	[dreg:$0x3] =	wrdreg $0x9  }
0xb0: {  	_ =	task.clear_ibuf [dreg:s6], $0x4FFFF;
	_ =	strace $0x90000046  }
0xb1: {  	s29 =	simm.s32 $0x9;
	_ =	strace $0x80000048  }
0xb2: {  	_ =	swait.ge [sflag:s29], $0x1  }
0xb3: {  	[sflag:s29] =	ssyncadd.s32 $0xFFFFFFFF  }
0xb4: {  	_ =	strace $0x90000048  }
0xb5: {  	_ =	sfence  }
0xb6: {  	s30 =	sld [smem:$0x0];
	_ =	sdelay $0x2  }
0xb7: {  	s31 =	sshll.u32 s1, $0xD;
	s1 =	sshrl.u32 s1, $0x2  }
0xb8: {  	s3 =	sand.u32 $0x4000, s31;
	s1 =	sadd.s32 s1, s30  }
0xb9: {  	s0 =	sor.u32 s3, s0;
	s1 =	sshll.u32 s1, $0x11  }
0xba: {  	s0 =	sor.u32 s1, s0  }
0xbb: {  	s0 =	sadd.s32 $0x8F2B, s0  }
0xbc: {  	[sflag:s0] =	ssyncadd.remote.s32 $0x1  }
0xbd: {  	_ =	sfence.sel $0xFFFF  }
0xbe: {  	[dreg:$0x0] =	wrdreg $0xFFFFFFFF;
	(pc) =	sbr.abs _section_cstart, $3  }
0xbf: {  	[dreg:$0x1] =	wrdreg $0xFFFFFFFF  }
0xc0: {  	_ =	task.clear_ibuf [dreg:s6], $0x2FFFF;
	_ =	strace $0x9FFFFFFF  }
0xc1: {  	(tm) =	ssettm $0x7FFFFFFF  }
tec
execute0_lowered:
.L_overlay_start_1:
0x0: {  	(tag) =	ssettag $0x1  }
0x1: {  	s1 =	srdreg.scid;
	s0 =	stileid.u32  }
0x2: {  	s3 =	rddreg [dreg:$0x0];
	s2 =	simm.s32 $0x0;
	s8 =	simm.s32 $0x0  }
0x3: {  	s4 =	sand.u32 $0x1, s1;
	s5 =	sshll.u32 s0, $0x1;
	s1 =	rddreg [dreg:$0x1]  }
0x4: {  	[smem:$0x7FF] =	sst s2;
	s5 =	sor.u32 s4, s5;
	s4 =	ssub.s32 $0x2, s4  }
0x5: {  	s6 =	smul.u32 $0x500, s5;
	s5 =	sshll.u32 s5, $0xB;
	s7 =	sshrl.u32 s4, $0x1  }
0x6: {  	_ =	strace $0x80000047;
	s5 =	sadd.s32 s5, s3;
	s7 =	ssub.s32 s4, s7  }
0x7: {  	s6 =	sadd.s32 s6, s3;
	s3 =	sadd.s32 $0x3C00, s5;
	s5 =	smax.u32 s7, $0x1  }
0x8: {  	v0 =	vimm.f32 $0.0e+00;
	v1 =	vimm.f32 $1.000000000e+00;
	s7 =	simm.s32 $0x4000;
	s4 =	sadd.s32 $0x13C00, s6;
	s6 =	simm.s32 $0x1  }
.LBB2_1:
0x9: {  	s9 =	simm.s32 $0x70;
	s10 =	simm.s32 $0x3C0  }
.LBB2_2:
0xa: {  	p0 =	sne.s32 s10, $0x9FC0;
	[tilespmem:s9+$0x4000] =	vst v0  }
0xb: {  	[tilespmem:s9+$0x3F90] =	vst v0  }
0xc: {  	[tilespmem:s9+$0x3FA0] =	vst v0  }
.Ltmp0:
0xd: {  	[tilespmem:s9+$0x3FB0] =	vst v0;
	(pc) =	sbr.rel @p0 .LBB2_2-.Ltmp0, $4  }
0xe: {  	[tilespmem:s9+$0x3FC0] =	vst v0  }
0xf: {  	[tilespmem:s9+$0x3FD0] =	vst v0  }
0x10: {  	[tilespmem:s9+$0x3FE0] =	vst v0  }
0x11: {  	[tilespmem:s9+$0x3FF0] =	vst v0;
	s9 =	sshra.s32 s10, $0x2;
	s10 =	sadd.s32 $0x200, s10  }
0x12: {  	[tilespmem:s9+$0x4000] =	vst v0  }
0x13: {  	[tilespmem:s9+$0x3F90] =	vst v0  }
0x14: {  	[tilespmem:s9+$0x3FA0] =	vst v0  }
0x15: {  	[tilespmem:s9+$0x3FB0] =	vst v0  }
0x16: {  	[tilespmem:s9+$0x3FC0] =	vst v0  }
0x17: {  	[tilespmem:s9+$0x3FD0] =	vst v0  }
0x18: {  	[tilespmem:s9+$0x3FE0] =	vst v0  }
0x19: {  	[tilespmem:s9+$0x3FF0] =	vst v0  }
0x1a: {  	[tilespmem:s2], [sflag:$0x1] =	stream.linear.gather [hbm4b:s3+s2], $0x3F00, $0x38;
	[tilespmem:$0x6800] =	vst v63  }
0x1b: {  	_ =	swait.ge [sflag:s6], $0x3F00  }
0x1c: {  	[sflag:s6] =	ssyncset.done $0x0  }
0x1d: {  	s9 =	simm.s32 $0x100;
	[sflag:s6] =	ssyncadd.s32 $0xFFFFC100  }
.LBB2_4:
0x1e: {  	s10 =	sshra.s32 s9, $0x2  }
0x1f: {  	v2 =	vld [tilespmem:s10+$0xFFFFFFC0];
	_ =	sdelay $0x4  }
0x20: {  	v2 =	vshrl.u32 v2, $0x10;
	_ =	sdelay $0x4  }
0x21: {  	[tilespmem:v2+s7+$0x0] =	vst.idx.add.f32.msk $0xffff, v1  }
0x22: {  	v2 =	vld [tilespmem:s10+$0xFFFFFFD0];
	_ =	sdelay $0x4  }
0x23: {  	v2 =	vshrl.u32 v2, $0x10;
	_ =	sdelay $0x4  }
0x24: {  	[tilespmem:v2+s7+$0x0] =	vst.idx.add.f32.msk $0xffff, v1  }
0x25: {  	v2 =	vld [tilespmem:s10+$0xFFFFFFE0];
	_ =	sdelay $0x4  }
0x26: {  	v2 =	vshrl.u32 v2, $0x10;
	_ =	sdelay $0x4  }
0x27: {  	[tilespmem:v2+s7+$0x0] =	vst.idx.add.f32.msk $0xffff, v1  }
0x28: {  	v2 =	vld [tilespmem:s10+$0xFFFFFFF0];
	_ =	sdelay $0x4  }
0x29: {  	v2 =	vshrl.u32 v2, $0x10;
	_ =	sdelay $0x4  }
0x2a: {  	[tilespmem:v2+s7+$0x0] =	vst.idx.add.f32.msk $0xffff, v1  }
0x2b: {  	v2 =	vld [tilespmem:s10+$0x0];
	_ =	sdelay $0x4  }
0x2c: {  	p0 =	sne.s32 s9, $0xFB00;
	v2 =	vshrl.u32 v2, $0x10  }
.Ltmp1:
0x2d: {  	_ = 	snop;
	(pc) =	sbr.rel @p0 .LBB2_4-.Ltmp1, $2  }
0x2e: {  	_ =	sdelay $0x2  }
0x2f: {  	s9 =	sadd.s32 $0x200, s9;
	[tilespmem:v2+s7+$0x0] =	vst.idx.add.f32.msk $0xffff, v1  }
0x30: {  	s8 =	sadd.s32 $0x1, s8  }
0x31: {  	p0 =	sne.s32 s8, s5  }
.Ltmp2:
0x32: {  	_ = 	snop;
	(pc) =	sbr.rel @p0 .LBB2_1-.Ltmp2, $4  }
0x33: {  	[hbm4b:s4+s2] =	stream.linear.scatter [tilespmem:s7], [sflag:$0x1], $0x2800, $0x38;
	[tilespmem:$0x6800] =	vst v63  }
0x34: {  	_ =	swait.ge [sflag:s6], $0x2800  }
0x35: {  	[sflag:s6] =	ssyncset.done $0x0  }
0x36: {  	[sflag:s6] =	ssyncadd.s32 $0xFFFFD800  }
0x37: {  	_ =	sfence.sel $0x180000  }
0x38: {  	[bflag:$0x0] =	sbarrier.arrive $0xFFFF  }
0x39: {  	p0 =	sne.s32 s0, $0x0;
	_ =	strace $0x90000047  }
0x3a: {  	s0 =	sadd.s32 @!p0 $0x100000, s1;
	[bflag:$0x2] =	sbarrier.arrive $0xFFFF  }
0x3b: {  	[sflag:s0] =	ssyncadd.tile.s32 @!p0 $0x1;
	_ =	shalt  }
.Lfunc_end2:
_tile_overlayer_lowered:
.L_overlay_start_2:
0x3c: {  	(tag) =	ssettag $0x2  }
0x3d: {  	s0 =	rddreg [dreg:$0x0];
	s2 =	stileid.u32  }
0x3e: {  	s1 =	rddreg [dreg:$0x1];
	p0 =	sne.s32 s2, $0x0  }
0x3f: {  	s3 =	rddreg [dreg:$0x2];
	[bflag:$0x3] =	sbarrier.arrive $0xFFFF;
	s2 =	simm.s32 @!p0 $0x1C01  }
0x40: {  	[timem:s3], [sflag:s2] =	dma.local @!p0 [hbm:s0], s1  }
0x41: {  	s0 =	simm.s32 @!p0 $0x1  }
0x42: {  	_ =	swait.ge @!p0 [sflag:s0], s1  }
0x43: {  	s1 =	ssub.s32 @!p0 $0x0, s1;
	[sflag:s0] =	ssyncset.done @!p0 $0x0  }
0x44: {  	[sflag:s0] =	ssyncadd.s32 @!p0 s1  }
0x45: {  	[bflag:$0x3] =	sbarrier.arrive $0xFFFF  }
0x46: {  	_ =	shalt  }

// kernel: kernel.13.cloned.1.call-start
scs
__scs_entry_jumppad:
0x0: {  	(pc) =	sbr.rel $0x88, $3  }
0x1: {  	(tag) =	ssettag $0x0;
	lr =	simm.s32 $0x1  }
0x2: {  	[smem:$0x3F96] =	sst lr;
	_ =	strace $0xD0000000  }
0x3: {  	_ = 	snop  }
0x4: {  	_ = 	snop  }
0x5: {  	_ = 	snop  }
0x6: {  	_ = 	snop  }
0x7: {  	_ = 	snop  }
__scs_overlays_trampoline_lowered:
0x8: {  	[smem:$0x3FA5] =	sst s0  }
0x9: {  	[smem:$0x3FA6] =	sst s1  }
0xa: {  	[smem:$0x3FA7] =	sst s2  }
0xb: {  	[smem:$0x3FA8] =	sst s3  }
0xc: {  	[smem:$0x3FA9] =	sst s4  }
0xd: {  	[smem:$0x3FAA] =	sst s5  }
0xe: {  	[smem:$0x3FAB] =	sst s6  }
0xf: {  	[smem:$0x3FAC] =	sst s7  }
0x10: {  	[smem:$0x3FAD] =	sst s8  }
0x11: {  	[smem:$0x3FAE] =	sst s9;
	s0 =	simm.s32 @!p0 $0x0  }
0x12: {  	s1 =	sld [smem:$0x3F94];
	s0 =	simm.s32 @p0 $0x1  }
0x13: {  	[smem:$0x3FAF] =	sst s0;
	s0 =	simm.s32 @!p1 $0x0  }
0x14: {  	s2 =	sld [smem:$0x3F93];
	s0 =	simm.s32 @p1 $0x1  }
0x15: {  	[smem:$0x3FB0] =	sst s0;
	s0 =	simm.s32 @!p2 $0x0  }
0x16: {  	s3 =	sld [smem:$0x3FDB];
	s0 =	simm.s32 @p2 $0x1  }
0x17: {  	s4 =	simm.s32 $0x1BF5;
	[smem:$0x3FB2] =	sst s0  }
0x18: {  	s0 =	sld [smem:$0x3F95];
	_ =	swait.ge [sflag:s4], $0x0  }
0x19: {  	s7 =	sld [smem:$0x3F96]  }
0x1a: {  	s8 =	sadd.s32 $0xFFFFE003, lr  }
0x1b: {  	s9 =	sadd.s32 $0xFFFFFEF7, lr;
	s5 =	simm.s32 $0xFFFFFFFF;
	p2 =	slt.u32 s8, $0xFFFFF086  }
0x1c: {  	p1 =	slt.u32 s9, $0xF7A;
	s5 =	simm.s32 @!p2 $0x0  }
0x1d: {  	s5 =	simm.s32 @p1 $0x1;
	p0 =	seq.s32 s7, s2  }
0x1e: {  	s7 =	smul.u32 @!p0 $0xF7A, s2;
	p2 =	seq.s32 @!p0 s5, $0x0  }
0x1f: {  	s9 =	smul.u32 $0xF7A, s1;
	s8 =	simm.s32 @!p0 $0x1BF5;
	p2 =	por !p2, p0  }
0x20: {  	[sflag:s8] =	ssyncset.s32 @!p0 $0xFFFFF086;
	s6 =	sadd.s32 @!p0 s3, s7;
	s7 =	simm.s32 @!p0 $0x108  }
0x21: {  	s3 =	sadd.s32 s3, s9;
	s6 =	sadd.s32 @!p0 $0x88, s6;
	s7 =	simm.s32 @p2 $0x1082  }
0x22: {  	[simem:s7], [sflag:s8] =	dma.local @!p0 [hbm:s6], $0xF7A  }
0x23: {  	s9 =	sor.u32 $0xD0000000, s2;
	s6 =	simm.s32 $0x108;
	_ =	swait.ge @!p0 [sflag:s8], $0x0  }
0x24: {  	s3 =	sadd.s32 $0x88, s3;
	s6 =	simm.s32 @!p1 $0x1082;
	[sflag:s4] =	ssyncset.s32 $0xFFFFF086  }
0x25: {  	[simem:s6], [sflag:s4] =	dma.local [hbm:s3], $0xF7A  }
0x26: {  	[smem:$0x3F96] =	sst s1;
	(tag) =	ssettag s2;
	_ =	strace s9  }
0x27: {  	s1 =	sld [smem:$0x3FA6]  }
0x28: {  	s2 =	sld [smem:$0x3FA7]  }
0x29: {  	s4 =	sld [smem:$0x3FA9]  }
0x2a: {  	p0 =	seq.s32 s5, $0x0;
	s5 =	sld [smem:$0x3FAA]  }
0x2b: {  	s6 =	sld [smem:$0x3FAB]  }
0x2c: {  	s7 =	sld [smem:$0x3FAC]  }
0x2d: {  	s3 =	simm.s32 $0x108;
	s8 =	sld [smem:$0x3FAD]  }
0x2e: {  	s3 =	simm.s32 @!p0 $0x1082;
	s9 =	sld [smem:$0x3FAE]  }
0x2f: {  	lr =	sadd.s32 s0, s3;
	s0 =	sld [smem:$0x3FA5]  }
0x30: {  	s3 =	sld [smem:$0x3FA8]  }
0x31: {  	[smem:$0x3FB1] =	sst s10  }
0x32: {  	s10 =	sld [smem:$0x3FAF];
	_ =	sdelay $0x3  }
0x33: {  	p0 =	seq.s32 s10, $0x1;
	s10 =	sld [smem:$0x3FB1];
	_ =	sdelay $0x3  }
0x34: {  	[smem:$0x3FB1] =	sst s10  }
0x35: {  	s10 =	sld [smem:$0x3FB0];
	_ =	sdelay $0x3  }
0x36: {  	p1 =	seq.s32 s10, $0x1;
	s10 =	sld [smem:$0x3FB1];
	_ =	sdelay $0x3  }
0x37: {  	[smem:$0x3FB1] =	sst s10  }
0x38: {  	s10 =	sld [smem:$0x3FB2]  }
0x39: {  	_ = 	snop;
	(pc) =	sbr.ind lr, $3  }
0x3a: {  	_ = 	snop  }
0x3b: {  	_ = 	snop  }
0x3c: {  	p2 =	seq.s32 s10, $0x1;
	s10 =	sld [smem:$0x3FB1]  }
0x3d: {  	_ =	shalt  }
0x3e: {  	_ =	shalt  }
0x3f: {  	_ =	shalt  }
0x40: {  	_ =	shalt  }
0x41: {  	_ =	shalt  }
0x42: {  	_ =	shalt  }
0x43: {  	_ =	shalt  }
0x44: {  	_ =	shalt  }
0x45: {  	_ =	shalt  }
0x46: {  	_ =	shalt  }
0x47: {  	_ =	shalt  }
0x48: {  	_ =	shalt  }
0x49: {  	_ =	shalt  }
0x4a: {  	_ =	shalt  }
0x4b: {  	_ =	shalt  }
0x4c: {  	_ =	shalt  }
0x4d: {  	_ =	shalt  }
0x4e: {  	_ =	shalt  }
0x4f: {  	_ =	shalt  }
0x50: {  	_ =	shalt  }
0x51: {  	_ =	shalt  }
0x52: {  	_ =	shalt  }
0x53: {  	_ =	shalt  }
0x54: {  	_ =	shalt  }
0x55: {  	_ =	shalt  }
0x56: {  	_ =	shalt  }
0x57: {  	_ =	shalt  }
0x58: {  	_ =	shalt  }
0x59: {  	_ =	shalt  }
0x5a: {  	_ =	shalt  }
0x5b: {  	_ =	shalt  }
0x5c: {  	_ =	shalt  }
0x5d: {  	_ =	shalt  }
0x5e: {  	_ =	shalt  }
0x5f: {  	_ =	shalt  }
0x60: {  	_ =	shalt  }
0x61: {  	_ =	shalt  }
0x62: {  	_ =	shalt  }
0x63: {  	_ =	shalt  }
0x64: {  	_ =	shalt  }
0x65: {  	_ =	shalt  }
0x66: {  	_ =	shalt  }
0x67: {  	_ =	shalt  }
0x68: {  	_ =	shalt  }
0x69: {  	_ =	shalt  }
0x6a: {  	_ =	shalt  }
0x6b: {  	_ =	shalt  }
0x6c: {  	_ =	shalt  }
0x6d: {  	_ =	shalt  }
0x6e: {  	_ =	shalt  }
0x6f: {  	_ =	shalt  }
0x70: {  	_ =	shalt  }
0x71: {  	_ =	shalt  }
0x72: {  	_ =	shalt  }
0x73: {  	_ =	shalt  }
0x74: {  	_ =	shalt  }
0x75: {  	_ =	shalt  }
0x76: {  	_ =	shalt  }
0x77: {  	_ =	shalt  }
0x78: {  	_ =	shalt  }
0x79: {  	_ =	shalt  }
0x7a: {  	_ =	shalt  }
0x7b: {  	_ =	shalt  }
0x7c: {  	_ =	shalt  }
0x7d: {  	_ =	shalt  }
0x7e: {  	_ =	shalt  }
0x7f: {  	_ =	shalt  }
0x80: {  	_ =	shalt  }
0x81: {  	_ =	shalt  }
0x82: {  	_ =	shalt  }
0x83: {  	_ =	shalt  }
0x84: {  	_ =	shalt  }
0x85: {  	_ =	shalt  }
0x86: {  	_ =	shalt  }
0x87: {  	_ =	shalt  }
.Lfunc_end0:
.L_simem_size_0:
called_computation.1_lowered:
.L_overlay_start_0:
0x88: {  	s2 =	sld [smem:$0x3FD9]  }
0x89: {  	s3 =	sld [smem:$0x3FFE];
	_ =	sdelay $0x1  }
0x8a: {  	s1 =	srdreg.scid  }
0x8b: {  	s0 =	sand.u32 $0x1, s1  }
0x8c: {  	s16 =	sshll.u32 s0, $0xA;
	s2 =	sadd.s32 s3, s2  }
0x8d: {  	s2 =	sadd.s32 s2, s16  }
0x8e: {  	[smem:$0x3FBD] =	sst s2  }
0x8f: {  	_ = 	snop  }
0x90: {  	(tm) =	ssettm $0x1  }
0x91: {  	s17 =	sld [smem:$0x3FFB];
	_ =	sdelay $0x3  }
0x92: {  	_ =	strace s17  }
0x93: {  	s2 =	sld [smem:$0x3FFC];
	_ =	sdelay $0x3  }
0x94: {  	_ =	strace s2  }
0x95: {  	s2 =	sld [smem:$0x3FFD];
	_ =	sdelay $0x3  }
0x96: {  	_ =	strace s2  }
0x97: {  	_ =	strace $0x8FFFFFFF  }
0x98: {  	s18 =	sld [smem:$0x3FDB];
	_ =	sdelay $0x1  }
0x99: {  	s19 =	simm.s32 $_scs_section_size  }
0x9a: {  	s4 =	simm.s32 $_size__tile_overlayer_lowered;
	s5 =	simm.s32 $_tile_overlayer_lowered  }
0x9b: {  	s22 =	simm.s32 $0x1BFF;
	s21 =	sshll.u32 s5, $0x1;
	s2 =	sadd.s32 s19, s18  }
0x9c: {  	s6 =	simm.s32 $0x0;
	s20 =	sshll.u32 s4, $0x1;
	s4 =	sadd.s32 s21, s2  }
0x9d: {  	[timem:s6], [sflag:s22] =	dma.local [hbm:s4], s20  }
0x9e: {  	_ =	swait.ge [sflag:s22], s20  }
0x9f: {  	s3 =	ssub.s32 $0x0, s20;
	[sflag:s22] =	ssyncset.done $0x0  }
0xa0: {  	[sflag:s22] =	ssyncadd.s32 s3;
	_ =	sdelay $0x1  }
0xa1: {  	s23 =	simm.s32 $0x1B8B  }
0xa2: {  	_ =	swait.ge [sflag:s23], $0x1  }
0xa3: {  	[sflag:s23] =	ssyncset.done $0x0  }
0xa4: {  	s25 =	simm.s32 $0x1B8E;
	s24 =	sld [smem:$0x3FFE];
	[sflag:s23] =	ssyncadd.s32 $0xFFFFFFFF  }
0xa5: {  	s26 =	simm.s32 $execute0_lowered;
	[smem:$0x3FD2] =	sst s25  }
0xa6: {  	s4 =	sshll.u32 s26, $0x1;
	_ =	strace $0x80000049;
	[dreg:$0x1] =	wrdreg $0xFFFFFFFF  }
0xa7: {  	s28 =	simm.s32 $_size_execute0_lowered;
	s2 =	sadd.s32 s2, s4;
	[dreg:$0x0] =	wrdreg $0x0  }
0xa8: {  	s4 =	sshll.u32 s28, $0x1;
	[dreg:$0x2] =	wrdreg s2  }
0xa9: {  	[dreg:$0x3] =	wrdreg s4  }
0xaa: {  	[dreg:$0x4] =	wrdreg $0xC0  }
0xab: {  	_ =	task [dreg:s6], $0x5FFFF  }
0xac: {  	[dreg:$0x1] =	wrdreg $0xFFFFFFFF  }
0xad: {  	[dreg:$0x0] =	wrdreg $0x60  }
0xae: {  	[dreg:$0x2] =	wrdreg s24  }
0xaf: {  	[dreg:$0x3] =	wrdreg $0xBB000  }
0xb0: {  	[dreg:$0x4] =	wrdreg $0x9  }
0xb1: {  	_ =	task.clear_ibuf [dreg:s6], $0x5FFFF;
	_ =	strace $0x90000049  }
0xb2: {  	s29 =	simm.s32 $0x9;
	_ =	strace $0x8000004B  }
0xb3: {  	_ =	swait.ge [sflag:s29], $0x1  }
0xb4: {  	[sflag:s29] =	ssyncadd.s32 $0xFFFFFFFF  }
0xb5: {  	_ =	strace $0x9000004B  }
0xb6: {  	_ =	sfence  }
0xb7: {  	s30 =	sld [smem:$0x0];
	_ =	sdelay $0x2  }
0xb8: {  	s31 =	sshll.u32 s1, $0xD;
	s1 =	sshrl.u32 s1, $0x2  }
0xb9: {  	s3 =	sand.u32 $0x4000, s31;
	s1 =	sadd.s32 s1, s30  }
0xba: {  	s0 =	sor.u32 s3, s0;
	s1 =	sshll.u32 s1, $0x11  }
0xbb: {  	s0 =	sor.u32 s1, s0  }
0xbc: {  	s0 =	sadd.s32 $0x8F2B, s0  }
0xbd: {  	[sflag:s0] =	ssyncadd.remote.s32 $0x1  }
0xbe: {  	_ =	sfence.sel $0xFFFF  }
0xbf: {  	[dreg:$0x0] =	wrdreg $0xFFFFFFFF;
	(pc) =	sbr.abs _section_cstart, $3  }
0xc0: {  	[dreg:$0x1] =	wrdreg $0xFFFFFFFF  }
0xc1: {  	_ =	task.clear_ibuf [dreg:s6], $0x2FFFF;
	_ =	strace $0x9FFFFFFF  }
0xc2: {  	(tm) =	ssettm $0x7FFFFFFF  }
0xc3: {  	_ =	shalt  }
tec
execute0_lowered:
.L_overlay_start_1:
0x0: {  	(tag) =	ssettag $0x1  }
0x1: {  	s0 =	rddreg [dreg:$0x0]  }
0x2: {  	s1 =	rddreg [dreg:$0x1];
	s2 =	simm.s32 $0x0  }
0x3: {  	s3 =	srdreg.scid;
	s10 =	stileid.u32;
	s28 =	simm.s32 $0x4300  }
0x4: {  	s29 =	simm.s32 $0x4100;
	s30 =	simm.s32 $0x6B00;
	s31 =	simm.s32 $0x9300  }
0x5: {  	[smem:$0x7FF] =	sst s2;
	s3 =	sand.u32 $0x1, s3;
	s7 =	smul.u32 $0x14000, s10  }
0x6: {  	s4 =	sadd.s32 $0x13C00, s0;
	s9 =	sshll.u32 s10, $0xC;
	s10 =	smul.u32 $0x50000, s10  }
0x7: {  	_ =	strace $0x8000004A;
	s5 =	sshll.u32 s3, $0xB;
	s6 =	smul.u32 $0x140000, s3  }
0x8: {  	s3 =	ssub.s32 $0x2, s3;
	s5 =	sadd.s32 s5, s0;
	s0 =	sadd.s32 $0x3BC00, s0  }
0x9: {  	s8 =	sshrl.u32 s3, $0x1;
	s10 =	sshrl.u32 s10, $0x2;
	s13 =	sadd.s32 $0x4000, s7  }
0xa: {  	s21 =	sadd.s32 $0x8000, s7;
	s23 =	sadd.s32 $0xC000, s7;
	s3 =	ssub.s32 s3, s8  }
0xb: {  	s5 =	sadd.s32 s9, s5;
	s26 =	sadd.s32 s6, s7;
	s8 =	sadd.s32 s10, s1  }
0xc: {  	s19 =	sadd.s32 s6, s13;
	s22 =	sadd.s32 s6, s21;
	s5 =	sadd.s32 $0x3C00, s5  }
0xd: {  	s7 =	sadd.s32 $0x10000, s7;
	s3 =	smax.u32 s3, $0x1;
	[dreg:$0x3] =	wrdreg s5  }
0xe: {  	s25 =	sadd.s32 s23, s1;
	s11 =	sadd.s32 $0x2800, s8;
	[dreg:$0x5] =	wrdreg s3  }
0xf: {  	s10 =	simm.s32 $0x4280;
	s12 =	sadd.s32 $0x5000, s8;
	[dreg:$0x6] =	wrdreg s11  }
0x10: {  	s9 =	sshrl.u32 s26, $0x3;
	s17 =	sadd.s32 $0x7800, s8;
	[dreg:$0x7] =	wrdreg s12  }
0x11: {  	s18 =	sadd.s32 $0xA000, s8;
	s20 =	sadd.s32 $0xC800, s8;
	[dreg:$0x8] =	wrdreg s17  }
0x12: {  	s14 =	sadd.s32 $0xF000, s8;
	s15 =	sadd.s32 $0x11800, s8;
	[dreg:$0x9] =	wrdreg s18  }
0x13: {  	s26 =	sadd.s32 s7, s1;
	s5 =	sadd.s32 s0, s9;
	[dreg:$0xa] =	wrdreg s20  }
0x14: {  	s3 =	sadd.s32 s13, s1;
	s9 =	sshrl.u32 s22, $0x3;
	s11 =	sadd.s32 s6, s23  }
0x15: {  	s6 =	sadd.s32 s6, s7;
	s20 =	simm.s32 $0x4;
	s7 =	simm.s32 $0x4180  }
0x16: {  	[dreg:$0x4] =	wrdreg s5;
	s5 =	sshrl.u32 s19, $0x3;
	s17 =	sadd.s32 s0, s9  }
0x17: {  	s24 =	sshrl.u32 s11, $0x3;
	s6 =	sshrl.u32 s6, $0x3;
	s22 =	sshrl.u32 s3, $0x3  }
.Ltmp0:
0x18: {  	s3 =	simm.s32 $0x1;
	s9 =	simm.s32 $0x3;
	(pc) =	sbr.rel .LBB2_1-.Ltmp0, $4  }
0x19: {  	s16 =	sadd.s32 s0, s5;
	s5 =	sadd.s32 s21, s1;
	s18 =	sadd.s32 s0, s24  }
0x1a: {  	s19 =	sadd.s32 s0, s6;
	s21 =	simm.s32 $0x50;
	s24 =	sshrl.u32 s25, $0x3  }
0x1b: {  	s25 =	sshrl.u32 s26, $0x3;
	s26 =	simm.s32 $0x4000;
	s0 =	simm.s32 $0x4200  }
0x1c: {  	v0 =	vimm.f32 $0.0e+00;
	s6 =	simm.s32 $0x2;
	s23 =	sshrl.u32 s5, $0x3;
	s5 =	simm.s32 $0x4080  }
.LBB2_9:
0x1d: {  	s11 =	stileid.u32  }
0x1e: {  	[bflag:$0x0] =	sbarrier.arrive $0xFFFF;
	s11 =	sshll.u32 s11, $0x6  }
0x1f: {  	s12 =	sshrl.u32 s8, $0x3;
	s13 =	rddreg [dreg:$0x4];
	s11 =	sor.u32 $0x1C04, s11  }
0x20: {  	[hbm:s13], [sflag:s11] =	dma.local [spmem:s12], $0x800  }
0x21: {  	_ =	swait.ge [sflag:s20], $0x800  }
0x22: {  	[sflag:s20] =	ssyncset.done $0x0  }
0x23: {  	[sflag:s20] =	ssyncadd.s32 $0xFFFFF800  }
0x24: {  	[hbm:s16], [sflag:s11] =	dma.local [spmem:s22], $0x800  }
0x25: {  	_ =	swait.ge [sflag:s20], $0x800  }
0x26: {  	[sflag:s20] =	ssyncset.done $0x0  }
0x27: {  	[sflag:s20] =	ssyncadd.s32 $0xFFFFF800  }
0x28: {  	[hbm:s17], [sflag:s11] =	dma.local [spmem:s23], $0x800  }
0x29: {  	_ =	swait.ge [sflag:s20], $0x800  }
0x2a: {  	[sflag:s20] =	ssyncset.done $0x0  }
0x2b: {  	[sflag:s20] =	ssyncadd.s32 $0xFFFFF800  }
0x2c: {  	[hbm:s18], [sflag:s11] =	dma.local [spmem:s24], $0x800  }
0x2d: {  	_ =	swait.ge [sflag:s20], $0x800  }
0x2e: {  	[sflag:s20] =	ssyncset.done $0x0  }
0x2f: {  	[sflag:s20] =	ssyncadd.s32 $0xFFFFF800  }
0x30: {  	[hbm:s19], [sflag:s11] =	dma.local [spmem:s25], $0x800  }
0x31: {  	_ =	swait.ge [sflag:s20], $0x800  }
0x32: {  	s2 =	sadd.s32 $0x1, s2;
	s13 =	rddreg [dreg:$0x5]  }
0x33: {  	p0 =	sne.s32 s2, s13  }
.Ltmp1:
0x34: {  	_ = 	snop;
	(pc) =	sbr.rel @!p0 .LBB2_10-.Ltmp1, $3  }
0x35: {  	_ =	sdelay $0x1  }
0x36: {  	[sflag:s20] =	ssyncset.done $0x0  }
0x37: {  	[sflag:s20] =	ssyncadd.s32 $0xFFFFF800  }
.LBB2_1:
0x38: {  	s11 =	simm.s32 $0x70;
	s12 =	simm.s32 $0x3C0  }
.LBB2_2:
0x39: {  	p0 =	sne.s32 s12, $0x9FC0;
	[tilespmem:s11+$0x9300] =	vst v0  }
0x3a: {  	[tilespmem:s11+$0x9290] =	vst v0  }
0x3b: {  	[tilespmem:s11+$0x92A0] =	vst v0  }
.Ltmp2:
0x3c: {  	[tilespmem:s11+$0x92B0] =	vst v0;
	(pc) =	sbr.rel @p0 .LBB2_2-.Ltmp2, $4  }
0x3d: {  	[tilespmem:s11+$0x92C0] =	vst v0  }
0x3e: {  	[tilespmem:s11+$0x92D0] =	vst v0  }
0x3f: {  	[tilespmem:s11+$0x92E0] =	vst v0  }
0x40: {  	[tilespmem:s11+$0x92F0] =	vst v0;
	s11 =	sshra.s32 s12, $0x2;
	s12 =	sadd.s32 $0x200, s12  }
0x41: {  	[tilespmem:s11+$0x9300] =	vst v0  }
0x42: {  	[tilespmem:s11+$0x9290] =	vst v0  }
0x43: {  	[tilespmem:s11+$0x92A0] =	vst v0  }
0x44: {  	[tilespmem:s11+$0x92B0] =	vst v0  }
0x45: {  	[tilespmem:s11+$0x92C0] =	vst v0  }
0x46: {  	[tilespmem:s11+$0x92D0] =	vst v0  }
0x47: {  	[tilespmem:s11+$0x92E0] =	vst v0  }
0x48: {  	[tilespmem:s11+$0x92F0] =	vst v0;
	s11 =	simm.s32 $0x0;
	s12 =	rddreg [dreg:$0x3]  }
0x49: {  	[tilespmem:s11], [sflag:$0x4] =	stream.linear.gather [hbm4b:s12+s11], $0x3F00, $0x38;
	[tilespmem:$0x1FB00] =	vst v63  }
0x4a: {  	_ =	swait.ge [sflag:s20], $0x3F00  }
0x4b: {  	[sflag:s20] =	ssyncset.done $0x0  }
0x4c: {  	[sflag:s20] =	ssyncadd.s32 $0xFFFFC100  }
0x4d: {  	v1 =	vld [tilespmem:$0x0];
	_ =	sdelay $0x1  }
0x4e: {  	v2 =	vld [tilespmem:$0x10];
	_ =	sdelay $0x1  }
0x4f: {  	v3 =	vld [tilespmem:$0x20]  }
0x50: {  	v4 =	vand.u32 $0xFFFF, v1  }
0x51: {  	v59 =	vld [tilespmem:$0x30];
	v1 =	vshrl.u32 v1, $0x10;
	[tilespmem:$0x4000] =	vst v4  }
0x52: {  	[tilespmem:$0x4080] =	vst v1;
	v1 =	vand.u32 $0xFFFF, v2  }
0x53: {  	[tilespmem:$0x4010] =	vst v1;
	v1 =	vshrl.u32 v2, $0x10;
	v2 =	vld [tilespmem:$0x40]  }
0x54: {  	[tilespmem:$0x4090] =	vst v1;
	v1 =	vand.u32 $0xFFFF, v3  }
0x55: {  	[tilespmem:$0x4020] =	vst v1;
	v1 =	vshrl.u32 v3, $0x10  }
0x56: {  	[tilespmem:$0x40A0] =	vst v1;
	v1 =	vand.u32 $0xFFFF, v59  }
0x57: {  	[tilespmem:$0x4030] =	vst v1;
	v1 =	vshrl.u32 v59, $0x10  }
0x58: {  	[tilespmem:$0x40B0] =	vst v1;
	v1 =	vand.u32 $0xFFFF, v2  }
0x59: {  	[tilespmem:$0x4040] =	vst v1;
	v1 =	vshrl.u32 v2, $0x10  }
0x5a: {  	[tilespmem:$0x40C0] =	vst v1  }
0x5b: {  	[tilespmem:s28], [sflag:$0x1] =	stream.indirect.gather [hbm4b:s4+s21], $0x80, s26, s21, $0xb8;
	[tilespmem:$0x1FB00] =	vst v63  }
0x5c: {  	v1 =	vld [tilespmem:$0x80];
	_ =	sdelay $0x1  }
0x5d: {  	v2 =	vld [tilespmem:$0x90];
	_ =	sdelay $0x1  }
0x5e: {  	v3 =	vld [tilespmem:$0xA0]  }
0x5f: {  	v60 =	vand.u32 $0xFFFF, v1  }
0x60: {  	v61 =	vld [tilespmem:$0xB0];
	v1 =	vshrl.u32 v1, $0x10;
	[tilespmem:$0x4100] =	vst v60  }
0x61: {  	[tilespmem:$0x4180] =	vst v1;
	v1 =	vand.u32 $0xFFFF, v2  }
0x62: {  	[tilespmem:$0x4110] =	vst v1;
	v1 =	vshrl.u32 v2, $0x10;
	v2 =	vld [tilespmem:$0xC0]  }
0x63: {  	[tilespmem:$0x4190] =	vst v1;
	v1 =	vand.u32 $0xFFFF, v3  }
0x64: {  	[tilespmem:$0x4120] =	vst v1;
	v1 =	vshrl.u32 v3, $0x10  }
0x65: {  	[tilespmem:$0x41A0] =	vst v1;
	v1 =	vand.u32 $0xFFFF, v61  }
0x66: {  	[tilespmem:$0x4130] =	vst v1;
	v1 =	vshrl.u32 v61, $0x10  }
0x67: {  	[tilespmem:$0x41B0] =	vst v1;
	v1 =	vand.u32 $0xFFFF, v2  }
0x68: {  	[tilespmem:$0x4140] =	vst v1;
	v1 =	vshrl.u32 v2, $0x10  }
0x69: {  	[tilespmem:$0x41C0] =	vst v1  }
0x6a: {  	[tilespmem:s30], [sflag:$0x2] =	stream.indirect.gather [hbm4b:s4+s21], $0x80, s29, s21, $0xb8;
	[tilespmem:$0x1FB00] =	vst v63  }
0x6b: {  	_ = 	snop  }
0x6c: {  	[spmem:s8] =	stream.linear.scatter [tilespmem:s31], [sflag:$0x4], $0x2800, $0x38;
	[tilespmem:$0x1FB00] =	vst v63  }
0x6d: {  	_ =	swait.ge [sflag:s20], $0x2800  }
0x6e: {  	[sflag:s20] =	ssyncset.done $0x0  }
0x6f: {  	s13 =	rddreg [dreg:$0x6];
	[sflag:s20] =	ssyncadd.s32 $0xFFFFD800  }
0x70: {  	[spmem:s13] =	stream.linear.scatter [tilespmem:s31], [sflag:$0x4], $0x2800, $0x38;
	[tilespmem:$0x1FB00] =	vst v63  }
0x71: {  	_ =	swait.ge [sflag:s20], $0x2800  }
0x72: {  	[sflag:s20] =	ssyncset.done $0x0  }
0x73: {  	s13 =	rddreg [dreg:$0x7];
	[sflag:s20] =	ssyncadd.s32 $0xFFFFD800  }
0x74: {  	[spmem:s13] =	stream.linear.scatter [tilespmem:s31], [sflag:$0x4], $0x2800, $0x38;
	[tilespmem:$0x1FB00] =	vst v63  }
0x75: {  	_ =	swait.ge [sflag:s20], $0x2800  }
0x76: {  	[sflag:s20] =	ssyncset.done $0x0  }
0x77: {  	s13 =	rddreg [dreg:$0x8];
	[sflag:s20] =	ssyncadd.s32 $0xFFFFD800  }
0x78: {  	[spmem:s13] =	stream.linear.scatter [tilespmem:s31], [sflag:$0x4], $0x2800, $0x38;
	[tilespmem:$0x1FB00] =	vst v63  }
0x79: {  	_ =	swait.ge [sflag:s20], $0x2800  }
0x7a: {  	[sflag:s20] =	ssyncset.done $0x0  }
0x7b: {  	s13 =	rddreg [dreg:$0x9];
	[sflag:s20] =	ssyncadd.s32 $0xFFFFD800  }
0x7c: {  	[spmem:s13] =	stream.linear.scatter [tilespmem:s31], [sflag:$0x4], $0x2800, $0x38;
	[tilespmem:$0x1FB00] =	vst v63  }
0x7d: {  	_ =	swait.ge [sflag:s20], $0x2800  }
0x7e: {  	[sflag:s20] =	ssyncset.done $0x0  }
0x7f: {  	s13 =	rddreg [dreg:$0xa];
	[sflag:s20] =	ssyncadd.s32 $0xFFFFD800  }
0x80: {  	[spmem:s13] =	stream.linear.scatter [tilespmem:s31], [sflag:$0x4], $0x2800, $0x38;
	[tilespmem:$0x1FB00] =	vst v63  }
0x81: {  	_ =	swait.ge [sflag:s20], $0x2800  }
0x82: {  	[sflag:s20] =	ssyncset.done $0x0  }
0x83: {  	[sflag:s20] =	ssyncadd.s32 $0xFFFFD800  }
0x84: {  	[spmem:s14] =	stream.linear.scatter [tilespmem:s31], [sflag:$0x4], $0x2800, $0x38;
	[tilespmem:$0x1FB00] =	vst v63  }
0x85: {  	_ =	swait.ge [sflag:s20], $0x2800  }
0x86: {  	[sflag:s20] =	ssyncset.done $0x0  }
0x87: {  	[sflag:s20] =	ssyncadd.s32 $0xFFFFD800  }
0x88: {  	[spmem:s15] =	stream.linear.scatter [tilespmem:s31], [sflag:$0x4], $0x2800, $0x38;
	[tilespmem:$0x1FB00] =	vst v63  }
0x89: {  	_ =	swait.ge [sflag:s20], $0x2800  }
0x8a: {  	[sflag:s20] =	ssyncset.done $0x0  }
0x8b: {  	[sflag:s20] =	ssyncadd.s32 $0xFFFFD800  }
0x8c: {  	[bflag:$0x0] =	sbarrier.arrive $0xFFFF  }
0x8d: {  	v1 =	vld [tilespmem:$0x100];
	_ =	sdelay $0x1  }
0x8e: {  	v2 =	vld [tilespmem:$0x110];
	_ =	sdelay $0x1  }
0x8f: {  	v3 =	vld [tilespmem:$0x120]  }
0x90: {  	v62 =	vand.u32 $0xFFFF, v1  }
0x91: {  	v63 =	vld [tilespmem:$0x130];
	v1 =	vshrl.u32 v1, $0x10;
	[tilespmem:$0x4200] =	vst v62  }
0x92: {  	[tilespmem:$0x4280] =	vst v1;
	v1 =	vand.u32 $0xFFFF, v2  }
0x93: {  	[tilespmem:$0x4210] =	vst v1;
	v1 =	vshrl.u32 v2, $0x10;
	v2 =	vld [tilespmem:$0x140]  }
0x94: {  	[tilespmem:$0x4290] =	vst v1;
	v1 =	vand.u32 $0xFFFF, v3  }
0x95: {  	[tilespmem:$0x4220] =	vst v1;
	v1 =	vshrl.u32 v3, $0x10  }
0x96: {  	[tilespmem:$0x42A0] =	vst v1;
	v1 =	vand.u32 $0xFFFF, v63  }
0x97: {  	[tilespmem:$0x4230] =	vst v1;
	v1 =	vshrl.u32 v63, $0x10  }
0x98: {  	[tilespmem:$0x42B0] =	vst v1;
	v1 =	vand.u32 $0xFFFF, v2  }
0x99: {  	[tilespmem:$0x4240] =	vst v1;
	v1 =	vshrl.u32 v2, $0x10  }
0x9a: {  	[tilespmem:$0x42C0] =	vst v1  }
0x9b: {  	[tilespmem:s31], [sflag:$0x3] =	stream.indirect.gather [hbm4b:s4+s21], $0x80, s0, s21, $0xb8;
	[tilespmem:$0x1FB00] =	vst v63  }
.LBB2_4:
0x9c: {  	_ =	swait.ge [sflag:s3], $0x2800  }
0x9d: {  	p0 =	seq.s32 s11, $0xF600;
	[sflag:s3] =	ssyncset.done $0x0  }
.Ltmp3:
0x9e: {  	[sflag:s3] =	ssyncadd.s32 $0xFFFFD800;
	(pc) =	sbr.rel @!p0 .LBB2_5-.Ltmp3, $4  }
0x9f: {  	[spmem:s1] =	stream.indirect.scatter.add.f32 [tilespmem:s28], [sflag:$0x4], $0x80, s5, s21, $0xb8;
	[tilespmem:$0x1FB00] =	vst v63  }
0xa0: {  	_ =	swait.ge [sflag:s20], $0x2800  }
0xa1: {  	[sflag:s20] =	ssyncset.done $0x0  }
0xa2: {  	[sflag:s20] =	ssyncadd.s32 $0xFFFFD800  }
0xa3: {  	_ =	swait.ge [sflag:s6], $0x2800  }
0xa4: {  	[sflag:s6] =	ssyncset.done $0x0  }
.Ltmp4:
0xa5: {  	[sflag:s6] =	ssyncadd.s32 $0xFFFFD800;
	(pc) =	sbr.rel .LBB2_7-.Ltmp4, $4  }
0xa6: {  	[spmem:s1] =	stream.indirect.scatter.add.f32 [tilespmem:s30], [sflag:$0x4], $0x80, s7, s21, $0xb8;
	[tilespmem:$0x1FB00] =	vst v63  }
0xa7: {  	_ =	swait.ge [sflag:s20], $0x2800  }
0xa8: {  	[sflag:s20] =	ssyncset.done $0x0  }
0xa9: {  	[sflag:s20] =	ssyncadd.s32 $0xFFFFD800  }
.LBB2_5:
0xaa: {  	s12 =	sshra.s32 s11, $0x2  }
0xab: {  	v1 =	vld [tilespmem:s12+$0x180];
	_ =	sdelay $0x4  }
0xac: {  	v2 =	vand.u32 $0xFFFF, v1  }
0xad: {  	v1 =	vshrl.u32 v1, $0x10;
	[tilespmem:$0x4000] =	vst v2  }
0xae: {  	[tilespmem:$0x4080] =	vst v1  }
0xaf: {  	v1 =	vld [tilespmem:s12+$0x190];
	_ =	sdelay $0x4  }
0xb0: {  	v2 =	vand.u32 $0xFFFF, v1  }
0xb1: {  	v1 =	vshrl.u32 v1, $0x10;
	[tilespmem:$0x4010] =	vst v2  }
0xb2: {  	[tilespmem:$0x4090] =	vst v1  }
0xb3: {  	v1 =	vld [tilespmem:s12+$0x1A0];
	_ =	sdelay $0x4  }
0xb4: {  	v2 =	vand.u32 $0xFFFF, v1  }
0xb5: {  	v1 =	vshrl.u32 v1, $0x10;
	[tilespmem:$0x4020] =	vst v2  }
0xb6: {  	[tilespmem:$0x40A0] =	vst v1  }
0xb7: {  	v1 =	vld [tilespmem:s12+$0x1B0];
	_ =	sdelay $0x4  }
0xb8: {  	v2 =	vand.u32 $0xFFFF, v1  }
0xb9: {  	v1 =	vshrl.u32 v1, $0x10;
	[tilespmem:$0x4030] =	vst v2  }
0xba: {  	[tilespmem:$0x40B0] =	vst v1  }
0xbb: {  	v1 =	vld [tilespmem:s12+$0x1C0];
	_ =	sdelay $0x4  }
0xbc: {  	v2 =	vand.u32 $0xFFFF, v1  }
0xbd: {  	v1 =	vshrl.u32 v1, $0x10;
	[tilespmem:$0x4040] =	vst v2  }
0xbe: {  	[tilespmem:$0x40C0] =	vst v1  }
0xbf: {  	[tilespmem:s28], [sflag:$0x1] =	stream.indirect.gather [hbm4b:s4+s21], $0x80, s26, s21, $0xb8;
	[tilespmem:$0x1FB00] =	vst v63  }
0xc0: {  	_ =	swait.ge [sflag:s6], $0x2800  }
0xc1: {  	[sflag:s6] =	ssyncset.done $0x0  }
0xc2: {  	[sflag:s6] =	ssyncadd.s32 $0xFFFFD800  }
0xc3: {  	[spmem:s1] =	stream.indirect.scatter.add.f32 [tilespmem:s30], [sflag:$0x4], $0x80, s7, s21, $0xb8;
	[tilespmem:$0x1FB00] =	vst v63  }
0xc4: {  	_ =	swait.ge [sflag:s20], $0x2800  }
0xc5: {  	[sflag:s20] =	ssyncset.done $0x0  }
0xc6: {  	[sflag:s20] =	ssyncadd.s32 $0xFFFFD800  }
0xc7: {  	v1 =	vld [tilespmem:s12+$0x200];
	_ =	sdelay $0x4  }
0xc8: {  	v2 =	vand.u32 $0xFFFF, v1  }
0xc9: {  	v1 =	vshrl.u32 v1, $0x10;
	[tilespmem:$0x4100] =	vst v2  }
0xca: {  	[tilespmem:$0x4180] =	vst v1  }
0xcb: {  	v1 =	vld [tilespmem:s12+$0x210];
	_ =	sdelay $0x4  }
0xcc: {  	v2 =	vand.u32 $0xFFFF, v1  }
0xcd: {  	v1 =	vshrl.u32 v1, $0x10;
	[tilespmem:$0x4110] =	vst v2  }
0xce: {  	[tilespmem:$0x4190] =	vst v1  }
0xcf: {  	v1 =	vld [tilespmem:s12+$0x220];
	_ =	sdelay $0x4  }
0xd0: {  	v2 =	vand.u32 $0xFFFF, v1  }
0xd1: {  	v1 =	vshrl.u32 v1, $0x10;
	[tilespmem:$0x4120] =	vst v2  }
0xd2: {  	[tilespmem:$0x41A0] =	vst v1  }
0xd3: {  	v1 =	vld [tilespmem:s12+$0x230];
	_ =	sdelay $0x4  }
0xd4: {  	v2 =	vand.u32 $0xFFFF, v1  }
0xd5: {  	v1 =	vshrl.u32 v1, $0x10;
	[tilespmem:$0x4130] =	vst v2  }
0xd6: {  	[tilespmem:$0x41B0] =	vst v1  }
0xd7: {  	v1 =	vld [tilespmem:s12+$0x240];
	_ =	sdelay $0x4  }
0xd8: {  	v2 =	vand.u32 $0xFFFF, v1  }
0xd9: {  	v1 =	vshrl.u32 v1, $0x10;
	[tilespmem:$0x4140] =	vst v2  }
0xda: {  	[tilespmem:$0x41C0] =	vst v1  }
0xdb: {  	[tilespmem:s30], [sflag:$0x2] =	stream.indirect.gather [hbm4b:s4+s21], $0x80, s29, s21, $0xb8;
	[tilespmem:$0x1FB00] =	vst v63  }
.LBB2_7:
0xdc: {  	_ =	swait.ge [sflag:s9], $0x2800  }
0xdd: {  	[sflag:s9] =	ssyncset.done $0x0  }
.Ltmp5:
0xde: {  	[sflag:s9] =	ssyncadd.s32 $0xFFFFD800;
	(pc) =	sbr.rel @p0 .LBB2_9-.Ltmp5, $4  }
0xdf: {  	[spmem:s1] =	stream.indirect.scatter.add.f32 [tilespmem:s31], [sflag:$0x4], $0x80, s10, s21, $0xb8;
	[tilespmem:$0x1FB00] =	vst v63  }
0xe0: {  	_ =	swait.ge [sflag:s20], $0x2800  }
0xe1: {  	[sflag:s20] =	ssyncset.done $0x0  }
0xe2: {  	[sflag:s20] =	ssyncadd.s32 $0xFFFFD800  }
0xe3: {  	s12 =	sshra.s32 s11, $0x2  }
0xe4: {  	v1 =	vld [tilespmem:s12+$0x280];
	_ =	sdelay $0x4  }
0xe5: {  	v2 =	vand.u32 $0xFFFF, v1  }
0xe6: {  	v1 =	vshrl.u32 v1, $0x10;
	[tilespmem:$0x4200] =	vst v2  }
0xe7: {  	[tilespmem:$0x4280] =	vst v1  }
0xe8: {  	v1 =	vld [tilespmem:s12+$0x290];
	_ =	sdelay $0x4  }
0xe9: {  	v2 =	vand.u32 $0xFFFF, v1  }
0xea: {  	v1 =	vshrl.u32 v1, $0x10;
	[tilespmem:$0x4210] =	vst v2  }
0xeb: {  	[tilespmem:$0x4290] =	vst v1  }
0xec: {  	v1 =	vld [tilespmem:s12+$0x2A0];
	_ =	sdelay $0x4  }
0xed: {  	v2 =	vand.u32 $0xFFFF, v1  }
0xee: {  	v1 =	vshrl.u32 v1, $0x10;
	[tilespmem:$0x4220] =	vst v2  }
0xef: {  	[tilespmem:$0x42A0] =	vst v1  }
0xf0: {  	v1 =	vld [tilespmem:s12+$0x2B0];
	_ =	sdelay $0x4  }
0xf1: {  	v2 =	vand.u32 $0xFFFF, v1  }
0xf2: {  	v1 =	vshrl.u32 v1, $0x10;
	[tilespmem:$0x4230] =	vst v2  }
0xf3: {  	[tilespmem:$0x42B0] =	vst v1  }
0xf4: {  	v1 =	vld [tilespmem:s12+$0x2C0];
	_ =	sdelay $0x3  }
.Ltmp6:
0xf5: {  	_ = 	snop;
	(pc) =	sbr.rel .LBB2_4-.Ltmp6, $4  }
0xf6: {  	v2 =	vand.u32 $0xFFFF, v1  }
0xf7: {  	v1 =	vshrl.u32 v1, $0x10;
	[tilespmem:$0x4240] =	vst v2  }
0xf8: {  	s11 =	sadd.s32 $0x600, s11;
	[tilespmem:$0x42C0] =	vst v1  }
0xf9: {  	[tilespmem:s31], [sflag:$0x3] =	stream.indirect.gather [hbm4b:s4+s21], $0x80, s0, s21, $0xb8;
	[tilespmem:$0x1FB00] =	vst v63  }
.LBB2_10:
0xfa: {  	_ =	sfence.sel $0x180000  }
0xfb: {  	[bflag:$0x0] =	sbarrier.arrive $0xFFFF  }
0xfc: {  	_ =	strace $0x9000004A  }
0xfd: {  	s0 =	stileid.u32;
	[bflag:$0x2] =	sbarrier.arrive $0xFFFF  }
0xfe: {  	p0 =	sne.s32 s0, $0x0;
	s0 =	rddreg [dreg:$0x2]  }
0xff: {  	s0 =	sadd.s32 @!p0 $0x100000, s0  }
0x100: {  	[sflag:s0] =	ssyncadd.tile.s32 @!p0 $0x1;
	_ =	shalt  }
.Lfunc_end2:
_tile_overlayer_lowered:
.L_overlay_start_2:
0x101: {  	(tag) =	ssettag $0x2  }
0x102: {  	s0 =	rddreg [dreg:$0x0];
	s2 =	stileid.u32  }
0x103: {  	s1 =	rddreg [dreg:$0x1];
	p0 =	sne.s32 s2, $0x0  }
0x104: {  	s3 =	rddreg [dreg:$0x2];
	[bflag:$0x3] =	sbarrier.arrive $0xFFFF;
	s2 =	simm.s32 @!p0 $0x1C04  }
0x105: {  	[timem:s3], [sflag:s2] =	dma.local @!p0 [hbm:s0], s1  }
0x106: {  	s0 =	simm.s32 @!p0 $0x4  }
0x107: {  	_ =	swait.ge @!p0 [sflag:s0], s1  }
0x108: {  	s1 =	ssub.s32 @!p0 $0x0, s1;
	[sflag:s0] =	ssyncset.done @!p0 $0x0  }
0x109: {  	[sflag:s0] =	ssyncadd.s32 @!p0 s1  }
0x10a: {  	[bflag:$0x3] =	sbarrier.arrive $0xFFFF  }
0x10b: {  	_ =	shalt  }

// kernel: kernel.16.cloned.1.call-start
scs
__scs_entry_jumppad:
0x0: {  	(pc) =	sbr.rel $0x88, $3  }
0x1: {  	(tag) =	ssettag $0x0;
	lr =	simm.s32 $0x1  }
0x2: {  	[smem:$0x3F96] =	sst lr;
	_ =	strace $0xD0000000  }
0x3: {  	_ = 	snop  }
0x4: {  	_ = 	snop  }
0x5: {  	_ = 	snop  }
0x6: {  	_ = 	snop  }
0x7: {  	_ = 	snop  }
__scs_overlays_trampoline_lowered:
0x8: {  	[smem:$0x3FA5] =	sst s0  }
0x9: {  	[smem:$0x3FA6] =	sst s1  }
0xa: {  	[smem:$0x3FA7] =	sst s2  }
0xb: {  	[smem:$0x3FA8] =	sst s3  }
0xc: {  	[smem:$0x3FA9] =	sst s4  }
0xd: {  	[smem:$0x3FAA] =	sst s5  }
0xe: {  	[smem:$0x3FAB] =	sst s6  }
0xf: {  	[smem:$0x3FAC] =	sst s7  }
0x10: {  	[smem:$0x3FAD] =	sst s8  }
0x11: {  	[smem:$0x3FAE] =	sst s9;
	s0 =	simm.s32 @!p0 $0x0  }
0x12: {  	s1 =	sld [smem:$0x3F94];
	s0 =	simm.s32 @p0 $0x1  }
0x13: {  	[smem:$0x3FAF] =	sst s0;
	s0 =	simm.s32 @!p1 $0x0  }
0x14: {  	s2 =	sld [smem:$0x3F93];
	s0 =	simm.s32 @p1 $0x1  }
0x15: {  	[smem:$0x3FB0] =	sst s0;
	s0 =	simm.s32 @!p2 $0x0  }
0x16: {  	s3 =	sld [smem:$0x3FDB];
	s0 =	simm.s32 @p2 $0x1  }
0x17: {  	s4 =	simm.s32 $0x1BF5;
	[smem:$0x3FB2] =	sst s0  }
0x18: {  	s0 =	sld [smem:$0x3F95];
	_ =	swait.ge [sflag:s4], $0x0  }
0x19: {  	s7 =	sld [smem:$0x3F96]  }
0x1a: {  	s8 =	sadd.s32 $0xFFFFE003, lr  }
0x1b: {  	s9 =	sadd.s32 $0xFFFFFEF7, lr;
	s5 =	simm.s32 $0xFFFFFFFF;
	p2 =	slt.u32 s8, $0xFFFFF086  }
0x1c: {  	p1 =	slt.u32 s9, $0xF7A;
	s5 =	simm.s32 @!p2 $0x0  }
0x1d: {  	s5 =	simm.s32 @p1 $0x1;
	p0 =	seq.s32 s7, s2  }
0x1e: {  	s7 =	smul.u32 @!p0 $0xF7A, s2;
	p2 =	seq.s32 @!p0 s5, $0x0  }
0x1f: {  	s9 =	smul.u32 $0xF7A, s1;
	s8 =	simm.s32 @!p0 $0x1BF5;
	p2 =	por !p2, p0  }
0x20: {  	[sflag:s8] =	ssyncset.s32 @!p0 $0xFFFFF086;
	s6 =	sadd.s32 @!p0 s3, s7;
	s7 =	simm.s32 @!p0 $0x108  }
0x21: {  	s3 =	sadd.s32 s3, s9;
	s6 =	sadd.s32 @!p0 $0x88, s6;
	s7 =	simm.s32 @p2 $0x1082  }
0x22: {  	[simem:s7], [sflag:s8] =	dma.local @!p0 [hbm:s6], $0xF7A  }
0x23: {  	s9 =	sor.u32 $0xD0000000, s2;
	s6 =	simm.s32 $0x108;
	_ =	swait.ge @!p0 [sflag:s8], $0x0  }
0x24: {  	s3 =	sadd.s32 $0x88, s3;
	s6 =	simm.s32 @!p1 $0x1082;
	[sflag:s4] =	ssyncset.s32 $0xFFFFF086  }
0x25: {  	[simem:s6], [sflag:s4] =	dma.local [hbm:s3], $0xF7A  }
0x26: {  	[smem:$0x3F96] =	sst s1;
	(tag) =	ssettag s2;
	_ =	strace s9  }
0x27: {  	s1 =	sld [smem:$0x3FA6]  }
0x28: {  	s2 =	sld [smem:$0x3FA7]  }
0x29: {  	s4 =	sld [smem:$0x3FA9]  }
0x2a: {  	p0 =	seq.s32 s5, $0x0;
	s5 =	sld [smem:$0x3FAA]  }
0x2b: {  	s6 =	sld [smem:$0x3FAB]  }
0x2c: {  	s7 =	sld [smem:$0x3FAC]  }
0x2d: {  	s3 =	simm.s32 $0x108;
	s8 =	sld [smem:$0x3FAD]  }
0x2e: {  	s3 =	simm.s32 @!p0 $0x1082;
	s9 =	sld [smem:$0x3FAE]  }
0x2f: {  	lr =	sadd.s32 s0, s3;
	s0 =	sld [smem:$0x3FA5]  }
0x30: {  	s3 =	sld [smem:$0x3FA8]  }
0x31: {  	[smem:$0x3FB1] =	sst s10  }
0x32: {  	s10 =	sld [smem:$0x3FAF];
	_ =	sdelay $0x3  }
0x33: {  	p0 =	seq.s32 s10, $0x1;
	s10 =	sld [smem:$0x3FB1];
	_ =	sdelay $0x3  }
0x34: {  	[smem:$0x3FB1] =	sst s10  }
0x35: {  	s10 =	sld [smem:$0x3FB0];
	_ =	sdelay $0x3  }
0x36: {  	p1 =	seq.s32 s10, $0x1;
	s10 =	sld [smem:$0x3FB1];
	_ =	sdelay $0x3  }
0x37: {  	[smem:$0x3FB1] =	sst s10  }
0x38: {  	s10 =	sld [smem:$0x3FB2]  }
0x39: {  	_ = 	snop;
	(pc) =	sbr.ind lr, $3  }
0x3a: {  	_ = 	snop  }
0x3b: {  	_ = 	snop  }
0x3c: {  	p2 =	seq.s32 s10, $0x1;
	s10 =	sld [smem:$0x3FB1]  }
0x3d: {  	_ =	shalt  }
0x3e: {  	_ =	shalt  }
0x3f: {  	_ =	shalt  }
0x40: {  	_ =	shalt  }
0x41: {  	_ =	shalt  }
0x42: {  	_ =	shalt  }
0x43: {  	_ =	shalt  }
0x44: {  	_ =	shalt  }
0x45: {  	_ =	shalt  }
0x46: {  	_ =	shalt  }
0x47: {  	_ =	shalt  }
0x48: {  	_ =	shalt  }
0x49: {  	_ =	shalt  }
0x4a: {  	_ =	shalt  }
0x4b: {  	_ =	shalt  }
0x4c: {  	_ =	shalt  }
0x4d: {  	_ =	shalt  }
0x4e: {  	_ =	shalt  }
0x4f: {  	_ =	shalt  }
0x50: {  	_ =	shalt  }
0x51: {  	_ =	shalt  }
0x52: {  	_ =	shalt  }
0x53: {  	_ =	shalt  }
0x54: {  	_ =	shalt  }
0x55: {  	_ =	shalt  }
0x56: {  	_ =	shalt  }
0x57: {  	_ =	shalt  }
0x58: {  	_ =	shalt  }
0x59: {  	_ =	shalt  }
0x5a: {  	_ =	shalt  }
0x5b: {  	_ =	shalt  }
0x5c: {  	_ =	shalt  }
0x5d: {  	_ =	shalt  }
0x5e: {  	_ =	shalt  }
0x5f: {  	_ =	shalt  }
0x60: {  	_ =	shalt  }
0x61: {  	_ =	shalt  }
0x62: {  	_ =	shalt  }
0x63: {  	_ =	shalt  }
0x64: {  	_ =	shalt  }
0x65: {  	_ =	shalt  }
0x66: {  	_ =	shalt  }
0x67: {  	_ =	shalt  }
0x68: {  	_ =	shalt  }
0x69: {  	_ =	shalt  }
0x6a: {  	_ =	shalt  }
0x6b: {  	_ =	shalt  }
0x6c: {  	_ =	shalt  }
0x6d: {  	_ =	shalt  }
0x6e: {  	_ =	shalt  }
0x6f: {  	_ =	shalt  }
0x70: {  	_ =	shalt  }
0x71: {  	_ =	shalt  }
0x72: {  	_ =	shalt  }
0x73: {  	_ =	shalt  }
0x74: {  	_ =	shalt  }
0x75: {  	_ =	shalt  }
0x76: {  	_ =	shalt  }
0x77: {  	_ =	shalt  }
0x78: {  	_ =	shalt  }
0x79: {  	_ =	shalt  }
0x7a: {  	_ =	shalt  }
0x7b: {  	_ =	shalt  }
0x7c: {  	_ =	shalt  }
0x7d: {  	_ =	shalt  }
0x7e: {  	_ =	shalt  }
0x7f: {  	_ =	shalt  }
0x80: {  	_ =	shalt  }
0x81: {  	_ =	shalt  }
0x82: {  	_ =	shalt  }
0x83: {  	_ =	shalt  }
0x84: {  	_ =	shalt  }
0x85: {  	_ =	shalt  }
0x86: {  	_ =	shalt  }
0x87: {  	_ =	shalt  }
.Lfunc_end0:
.L_simem_size_0:
called_computation.2_lowered:
.L_overlay_start_0:
0x88: {  	s2 =	sld [smem:$0x3FD9]  }
0x89: {  	s3 =	sld [smem:$0x3FFE];
	_ =	sdelay $0x1  }
0x8a: {  	s1 =	srdreg.scid  }
0x8b: {  	s0 =	sand.u32 $0x1, s1  }
0x8c: {  	s16 =	sshll.u32 s0, $0xA;
	s2 =	sadd.s32 s3, s2  }
0x8d: {  	s2 =	sadd.s32 s2, s16  }
0x8e: {  	[smem:$0x3FBD] =	sst s2  }
0x8f: {  	_ = 	snop  }
0x90: {  	(tm) =	ssettm $0x1  }
0x91: {  	s17 =	sld [smem:$0x3FFB];
	_ =	sdelay $0x3  }
0x92: {  	_ =	strace s17  }
0x93: {  	s2 =	sld [smem:$0x3FFC];
	_ =	sdelay $0x3  }
0x94: {  	_ =	strace s2  }
0x95: {  	s2 =	sld [smem:$0x3FFD];
	_ =	sdelay $0x3  }
0x96: {  	_ =	strace s2  }
0x97: {  	_ =	strace $0x8FFFFFFF  }
0x98: {  	s18 =	sld [smem:$0x3FDB];
	_ =	sdelay $0x1  }
0x99: {  	s19 =	simm.s32 $_scs_section_size  }
0x9a: {  	s4 =	simm.s32 $_size__tile_overlayer_lowered;
	s5 =	simm.s32 $_tile_overlayer_lowered  }
0x9b: {  	s22 =	simm.s32 $0x1BFF;
	s21 =	sshll.u32 s5, $0x1;
	s2 =	sadd.s32 s19, s18  }
0x9c: {  	s6 =	simm.s32 $0x0;
	s20 =	sshll.u32 s4, $0x1;
	s4 =	sadd.s32 s21, s2  }
0x9d: {  	[timem:s6], [sflag:s22] =	dma.local [hbm:s4], s20  }
0x9e: {  	_ =	swait.ge [sflag:s22], s20  }
0x9f: {  	s3 =	ssub.s32 $0x0, s20;
	[sflag:s22] =	ssyncset.done $0x0  }
0xa0: {  	[sflag:s22] =	ssyncadd.s32 s3;
	_ =	sdelay $0x1  }
0xa1: {  	s23 =	simm.s32 $0x1B8B  }
0xa2: {  	_ =	swait.ge [sflag:s23], $0x1  }
0xa3: {  	[sflag:s23] =	ssyncset.done $0x0  }
0xa4: {  	s25 =	simm.s32 $0x1B8E;
	s24 =	sld [smem:$0x3FFE];
	[sflag:s23] =	ssyncadd.s32 $0xFFFFFFFF  }
0xa5: {  	s26 =	simm.s32 $execute0_lowered;
	[smem:$0x3FD2] =	sst s25  }
0xa6: {  	s4 =	sshll.u32 s26, $0x1;
	_ =	strace $0x8000004C;
	[dreg:$0x1] =	wrdreg $0xFFFFFFFF  }
0xa7: {  	s28 =	simm.s32 $_size_execute0_lowered;
	s2 =	sadd.s32 s2, s4;
	[dreg:$0x0] =	wrdreg $0x0  }
0xa8: {  	s4 =	sshll.u32 s28, $0x1;
	[dreg:$0x2] =	wrdreg s2  }
0xa9: {  	[dreg:$0x3] =	wrdreg s4  }
0xaa: {  	[dreg:$0x4] =	wrdreg $0xC0  }
0xab: {  	_ =	task [dreg:s6], $0x5FFFF  }
0xac: {  	[dreg:$0x1] =	wrdreg $0xFFFFFFFF  }
0xad: {  	[dreg:$0x0] =	wrdreg $0x60  }
0xae: {  	[dreg:$0x2] =	wrdreg s24  }
0xaf: {  	[dreg:$0x3] =	wrdreg $0xBB000  }
0xb0: {  	[dreg:$0x4] =	wrdreg $0x9  }
0xb1: {  	_ =	task.clear_ibuf [dreg:s6], $0x5FFFF;
	_ =	strace $0x9000004C  }
0xb2: {  	s29 =	simm.s32 $0x9;
	_ =	strace $0x8000004E  }
0xb3: {  	_ =	swait.ge [sflag:s29], $0x1  }
0xb4: {  	[sflag:s29] =	ssyncadd.s32 $0xFFFFFFFF  }
0xb5: {  	_ =	strace $0x9000004E  }
0xb6: {  	_ =	sfence  }
0xb7: {  	s30 =	sld [smem:$0x0];
	_ =	sdelay $0x2  }
0xb8: {  	s31 =	sshll.u32 s1, $0xD;
	s1 =	sshrl.u32 s1, $0x2  }
0xb9: {  	s3 =	sand.u32 $0x4000, s31;
	s1 =	sadd.s32 s1, s30  }
0xba: {  	s0 =	sor.u32 s3, s0;
	s1 =	sshll.u32 s1, $0x11  }
0xbb: {  	s0 =	sor.u32 s1, s0  }
0xbc: {  	s0 =	sadd.s32 $0x8F2B, s0  }
0xbd: {  	[sflag:s0] =	ssyncadd.remote.s32 $0x1  }
0xbe: {  	_ =	sfence.sel $0xFFFF  }
0xbf: {  	[dreg:$0x0] =	wrdreg $0xFFFFFFFF;
	(pc) =	sbr.abs _section_cstart, $3  }
0xc0: {  	[dreg:$0x1] =	wrdreg $0xFFFFFFFF  }
0xc1: {  	_ =	task.clear_ibuf [dreg:s6], $0x2FFFF;
	_ =	strace $0x9FFFFFFF  }
0xc2: {  	(tm) =	ssettm $0x7FFFFFFF  }
0xc3: {  	_ =	shalt  }
tec
execute0_lowered:
.L_overlay_start_1:
0x0: {  	(tag) =	ssettag $0x1  }
0x1: {  	s0 =	rddreg [dreg:$0x0]  }
0x2: {  	s1 =	rddreg [dreg:$0x1];
	s2 =	simm.s32 $0x0  }
0x3: {  	s3 =	srdreg.scid;
	s10 =	stileid.u32;
	s28 =	simm.s32 $0x4300  }
0x4: {  	s29 =	simm.s32 $0x4100;
	s30 =	simm.s32 $0x6B00;
	s31 =	simm.s32 $0x9300  }
0x5: {  	[smem:$0x7FF] =	sst s2;
	s3 =	sand.u32 $0x1, s3;
	s7 =	smul.u32 $0x14000, s10  }
0x6: {  	s4 =	sadd.s32 $0x13C00, s0;
	s9 =	sshll.u32 s10, $0xC;
	s10 =	smul.u32 $0x50000, s10  }
0x7: {  	_ =	strace $0x8000004D;
	s5 =	sshll.u32 s3, $0xB;
	s6 =	smul.u32 $0x140000, s3  }
0x8: {  	s3 =	ssub.s32 $0x2, s3;
	s5 =	sadd.s32 s5, s0;
	s0 =	sadd.s32 $0x3BC00, s0  }
0x9: {  	s8 =	sshrl.u32 s3, $0x1;
	s10 =	sshrl.u32 s10, $0x2;
	s13 =	sadd.s32 $0x4000, s7  }
0xa: {  	s21 =	sadd.s32 $0x8000, s7;
	s23 =	sadd.s32 $0xC000, s7;
	s3 =	ssub.s32 s3, s8  }
0xb: {  	s5 =	sadd.s32 s9, s5;
	s26 =	sadd.s32 s6, s7;
	s8 =	sadd.s32 s10, s1  }
0xc: {  	s19 =	sadd.s32 s6, s13;
	s22 =	sadd.s32 s6, s21;
	s5 =	sadd.s32 $0x3C00, s5  }
0xd: {  	s7 =	sadd.s32 $0x10000, s7;
	s3 =	smax.u32 s3, $0x1;
	[dreg:$0x3] =	wrdreg s5  }
0xe: {  	s25 =	sadd.s32 s23, s1;
	s11 =	sadd.s32 $0x2800, s8;
	[dreg:$0x5] =	wrdreg s3  }
0xf: {  	s10 =	simm.s32 $0x4280;
	s12 =	sadd.s32 $0x5000, s8;
	[dreg:$0x6] =	wrdreg s11  }
0x10: {  	s9 =	sshrl.u32 s26, $0x3;
	s17 =	sadd.s32 $0x7800, s8;
	[dreg:$0x7] =	wrdreg s12  }
0x11: {  	s18 =	sadd.s32 $0xA000, s8;
	s20 =	sadd.s32 $0xC800, s8;
	[dreg:$0x8] =	wrdreg s17  }
0x12: {  	s14 =	sadd.s32 $0xF000, s8;
	s15 =	sadd.s32 $0x11800, s8;
	[dreg:$0x9] =	wrdreg s18  }
0x13: {  	s26 =	sadd.s32 s7, s1;
	s5 =	sadd.s32 s0, s9;
	[dreg:$0xa] =	wrdreg s20  }
0x14: {  	s3 =	sadd.s32 s13, s1;
	s9 =	sshrl.u32 s22, $0x3;
	s11 =	sadd.s32 s6, s23  }
0x15: {  	s6 =	sadd.s32 s6, s7;
	s20 =	simm.s32 $0x4;
	s7 =	simm.s32 $0x4180  }
0x16: {  	[dreg:$0x4] =	wrdreg s5;
	s5 =	sshrl.u32 s19, $0x3;
	s17 =	sadd.s32 s0, s9  }
0x17: {  	s24 =	sshrl.u32 s11, $0x3;
	s6 =	sshrl.u32 s6, $0x3;
	s22 =	sshrl.u32 s3, $0x3  }
.Ltmp0:
0x18: {  	s3 =	simm.s32 $0x1;
	s9 =	simm.s32 $0x3;
	(pc) =	sbr.rel .LBB2_1-.Ltmp0, $4  }
0x19: {  	s16 =	sadd.s32 s0, s5;
	s5 =	sadd.s32 s21, s1;
	s18 =	sadd.s32 s0, s24  }
0x1a: {  	s19 =	sadd.s32 s0, s6;
	s21 =	simm.s32 $0x50;
	s24 =	sshrl.u32 s25, $0x3  }
0x1b: {  	s25 =	sshrl.u32 s26, $0x3;
	s26 =	simm.s32 $0x4000;
	s0 =	simm.s32 $0x4200  }
0x1c: {  	v0 =	vimm.f32 $0.0e+00;
	s6 =	simm.s32 $0x2;
	s23 =	sshrl.u32 s5, $0x3;
	s5 =	simm.s32 $0x4080  }
.LBB2_9:
0x1d: {  	s11 =	stileid.u32  }
0x1e: {  	[bflag:$0x0] =	sbarrier.arrive $0xFFFF;
	s11 =	sshll.u32 s11, $0x6  }
0x1f: {  	s12 =	sshrl.u32 s8, $0x3;
	s13 =	rddreg [dreg:$0x4];
	s11 =	sor.u32 $0x1C04, s11  }
0x20: {  	[hbm:s13], [sflag:s11] =	dma.local [spmem:s12], $0x800  }
0x21: {  	_ =	swait.ge [sflag:s20], $0x800  }
0x22: {  	[sflag:s20] =	ssyncset.done $0x0  }
0x23: {  	[sflag:s20] =	ssyncadd.s32 $0xFFFFF800  }
0x24: {  	[hbm:s16], [sflag:s11] =	dma.local [spmem:s22], $0x800  }
0x25: {  	_ =	swait.ge [sflag:s20], $0x800  }
0x26: {  	[sflag:s20] =	ssyncset.done $0x0  }
0x27: {  	[sflag:s20] =	ssyncadd.s32 $0xFFFFF800  }
0x28: {  	[hbm:s17], [sflag:s11] =	dma.local [spmem:s23], $0x800  }
0x29: {  	_ =	swait.ge [sflag:s20], $0x800  }
0x2a: {  	[sflag:s20] =	ssyncset.done $0x0  }
0x2b: {  	[sflag:s20] =	ssyncadd.s32 $0xFFFFF800  }
0x2c: {  	[hbm:s18], [sflag:s11] =	dma.local [spmem:s24], $0x800  }
0x2d: {  	_ =	swait.ge [sflag:s20], $0x800  }
0x2e: {  	[sflag:s20] =	ssyncset.done $0x0  }
0x2f: {  	[sflag:s20] =	ssyncadd.s32 $0xFFFFF800  }
0x30: {  	[hbm:s19], [sflag:s11] =	dma.local [spmem:s25], $0x800  }
0x31: {  	_ =	swait.ge [sflag:s20], $0x800  }
0x32: {  	s2 =	sadd.s32 $0x1, s2;
	s13 =	rddreg [dreg:$0x5]  }
0x33: {  	p0 =	sne.s32 s2, s13  }
.Ltmp1:
0x34: {  	_ = 	snop;
	(pc) =	sbr.rel @!p0 .LBB2_10-.Ltmp1, $3  }
0x35: {  	_ =	sdelay $0x1  }
0x36: {  	[sflag:s20] =	ssyncset.done $0x0  }
0x37: {  	[sflag:s20] =	ssyncadd.s32 $0xFFFFF800  }
.LBB2_1:
0x38: {  	s11 =	simm.s32 $0x70;
	s12 =	simm.s32 $0x3C0  }
.LBB2_2:
0x39: {  	p0 =	sne.s32 s12, $0x9FC0;
	[tilespmem:s11+$0x9300] =	vst v0  }
0x3a: {  	[tilespmem:s11+$0x9290] =	vst v0  }
0x3b: {  	[tilespmem:s11+$0x92A0] =	vst v0  }
.Ltmp2:
0x3c: {  	[tilespmem:s11+$0x92B0] =	vst v0;
	(pc) =	sbr.rel @p0 .LBB2_2-.Ltmp2, $4  }
0x3d: {  	[tilespmem:s11+$0x92C0] =	vst v0  }
0x3e: {  	[tilespmem:s11+$0x92D0] =	vst v0  }
0x3f: {  	[tilespmem:s11+$0x92E0] =	vst v0  }
0x40: {  	[tilespmem:s11+$0x92F0] =	vst v0;
	s11 =	sshra.s32 s12, $0x2;
	s12 =	sadd.s32 $0x200, s12  }
0x41: {  	[tilespmem:s11+$0x9300] =	vst v0  }
0x42: {  	[tilespmem:s11+$0x9290] =	vst v0  }
0x43: {  	[tilespmem:s11+$0x92A0] =	vst v0  }
0x44: {  	[tilespmem:s11+$0x92B0] =	vst v0  }
0x45: {  	[tilespmem:s11+$0x92C0] =	vst v0  }
0x46: {  	[tilespmem:s11+$0x92D0] =	vst v0  }
0x47: {  	[tilespmem:s11+$0x92E0] =	vst v0  }
0x48: {  	[tilespmem:s11+$0x92F0] =	vst v0;
	s11 =	simm.s32 $0x0;
	s12 =	rddreg [dreg:$0x3]  }
0x49: {  	[tilespmem:s11], [sflag:$0x4] =	stream.linear.gather [hbm4b:s12+s11], $0x3F00, $0x38;
	[tilespmem:$0x1FB00] =	vst v63  }
0x4a: {  	_ =	swait.ge [sflag:s20], $0x3F00  }
0x4b: {  	[sflag:s20] =	ssyncset.done $0x0  }
0x4c: {  	[sflag:s20] =	ssyncadd.s32 $0xFFFFC100  }
0x4d: {  	v1 =	vld [tilespmem:$0x0];
	_ =	sdelay $0x1  }
0x4e: {  	v2 =	vld [tilespmem:$0x10];
	_ =	sdelay $0x1  }
0x4f: {  	v3 =	vld [tilespmem:$0x20]  }
0x50: {  	v4 =	vand.u32 $0xFFFF, v1  }
0x51: {  	v59 =	vld [tilespmem:$0x30];
	v1 =	vshrl.u32 v1, $0x10;
	[tilespmem:$0x4000] =	vst v4  }
0x52: {  	[tilespmem:$0x4080] =	vst v1;
	v1 =	vand.u32 $0xFFFF, v2  }
0x53: {  	[tilespmem:$0x4010] =	vst v1;
	v1 =	vshrl.u32 v2, $0x10;
	v2 =	vld [tilespmem:$0x40]  }
0x54: {  	[tilespmem:$0x4090] =	vst v1;
	v1 =	vand.u32 $0xFFFF, v3  }
0x55: {  	[tilespmem:$0x4020] =	vst v1;
	v1 =	vshrl.u32 v3, $0x10  }
0x56: {  	[tilespmem:$0x40A0] =	vst v1;
	v1 =	vand.u32 $0xFFFF, v59  }
0x57: {  	[tilespmem:$0x4030] =	vst v1;
	v1 =	vshrl.u32 v59, $0x10  }
0x58: {  	[tilespmem:$0x40B0] =	vst v1;
	v1 =	vand.u32 $0xFFFF, v2  }
0x59: {  	[tilespmem:$0x4040] =	vst v1;
	v1 =	vshrl.u32 v2, $0x10  }
0x5a: {  	[tilespmem:$0x40C0] =	vst v1  }
0x5b: {  	[tilespmem:s28], [sflag:$0x1] =	stream.indirect.gather [hbm4b:s4+s21], $0x80, s26, s21, $0xb8;
	[tilespmem:$0x1FB00] =	vst v63  }
0x5c: {  	v1 =	vld [tilespmem:$0x80];
	_ =	sdelay $0x1  }
0x5d: {  	v2 =	vld [tilespmem:$0x90];
	_ =	sdelay $0x1  }
0x5e: {  	v3 =	vld [tilespmem:$0xA0]  }
0x5f: {  	v60 =	vand.u32 $0xFFFF, v1  }
0x60: {  	v61 =	vld [tilespmem:$0xB0];
	v1 =	vshrl.u32 v1, $0x10;
	[tilespmem:$0x4100] =	vst v60  }
0x61: {  	[tilespmem:$0x4180] =	vst v1;
	v1 =	vand.u32 $0xFFFF, v2  }
0x62: {  	[tilespmem:$0x4110] =	vst v1;
	v1 =	vshrl.u32 v2, $0x10;
	v2 =	vld [tilespmem:$0xC0]  }
0x63: {  	[tilespmem:$0x4190] =	vst v1;
	v1 =	vand.u32 $0xFFFF, v3  }
0x64: {  	[tilespmem:$0x4120] =	vst v1;
	v1 =	vshrl.u32 v3, $0x10  }
0x65: {  	[tilespmem:$0x41A0] =	vst v1;
	v1 =	vand.u32 $0xFFFF, v61  }
0x66: {  	[tilespmem:$0x4130] =	vst v1;
	v1 =	vshrl.u32 v61, $0x10  }
0x67: {  	[tilespmem:$0x41B0] =	vst v1;
	v1 =	vand.u32 $0xFFFF, v2  }
0x68: {  	[tilespmem:$0x4140] =	vst v1;
	v1 =	vshrl.u32 v2, $0x10  }
0x69: {  	[tilespmem:$0x41C0] =	vst v1  }
0x6a: {  	[tilespmem:s30], [sflag:$0x2] =	stream.indirect.gather [hbm4b:s4+s21], $0x80, s29, s21, $0xb8;
	[tilespmem:$0x1FB00] =	vst v63  }
0x6b: {  	_ = 	snop  }
0x6c: {  	[spmem:s8] =	stream.linear.scatter [tilespmem:s31], [sflag:$0x4], $0x2800, $0x38;
	[tilespmem:$0x1FB00] =	vst v63  }
0x6d: {  	_ =	swait.ge [sflag:s20], $0x2800  }
0x6e: {  	[sflag:s20] =	ssyncset.done $0x0  }
0x6f: {  	s13 =	rddreg [dreg:$0x6];
	[sflag:s20] =	ssyncadd.s32 $0xFFFFD800  }
0x70: {  	[spmem:s13] =	stream.linear.scatter [tilespmem:s31], [sflag:$0x4], $0x2800, $0x38;
	[tilespmem:$0x1FB00] =	vst v63  }
0x71: {  	_ =	swait.ge [sflag:s20], $0x2800  }
0x72: {  	[sflag:s20] =	ssyncset.done $0x0  }
0x73: {  	s13 =	rddreg [dreg:$0x7];
	[sflag:s20] =	ssyncadd.s32 $0xFFFFD800  }
0x74: {  	[spmem:s13] =	stream.linear.scatter [tilespmem:s31], [sflag:$0x4], $0x2800, $0x38;
	[tilespmem:$0x1FB00] =	vst v63  }
0x75: {  	_ =	swait.ge [sflag:s20], $0x2800  }
0x76: {  	[sflag:s20] =	ssyncset.done $0x0  }
0x77: {  	s13 =	rddreg [dreg:$0x8];
	[sflag:s20] =	ssyncadd.s32 $0xFFFFD800  }
0x78: {  	[spmem:s13] =	stream.linear.scatter [tilespmem:s31], [sflag:$0x4], $0x2800, $0x38;
	[tilespmem:$0x1FB00] =	vst v63  }
0x79: {  	_ =	swait.ge [sflag:s20], $0x2800  }
0x7a: {  	[sflag:s20] =	ssyncset.done $0x0  }
0x7b: {  	s13 =	rddreg [dreg:$0x9];
	[sflag:s20] =	ssyncadd.s32 $0xFFFFD800  }
0x7c: {  	[spmem:s13] =	stream.linear.scatter [tilespmem:s31], [sflag:$0x4], $0x2800, $0x38;
	[tilespmem:$0x1FB00] =	vst v63  }
0x7d: {  	_ =	swait.ge [sflag:s20], $0x2800  }
0x7e: {  	[sflag:s20] =	ssyncset.done $0x0  }
0x7f: {  	s13 =	rddreg [dreg:$0xa];
	[sflag:s20] =	ssyncadd.s32 $0xFFFFD800  }
0x80: {  	[spmem:s13] =	stream.linear.scatter [tilespmem:s31], [sflag:$0x4], $0x2800, $0x38;
	[tilespmem:$0x1FB00] =	vst v63  }
0x81: {  	_ =	swait.ge [sflag:s20], $0x2800  }
0x82: {  	[sflag:s20] =	ssyncset.done $0x0  }
0x83: {  	[sflag:s20] =	ssyncadd.s32 $0xFFFFD800  }
0x84: {  	[spmem:s14] =	stream.linear.scatter [tilespmem:s31], [sflag:$0x4], $0x2800, $0x38;
	[tilespmem:$0x1FB00] =	vst v63  }
0x85: {  	_ =	swait.ge [sflag:s20], $0x2800  }
0x86: {  	[sflag:s20] =	ssyncset.done $0x0  }
0x87: {  	[sflag:s20] =	ssyncadd.s32 $0xFFFFD800  }
0x88: {  	[spmem:s15] =	stream.linear.scatter [tilespmem:s31], [sflag:$0x4], $0x2800, $0x38;
	[tilespmem:$0x1FB00] =	vst v63  }
0x89: {  	_ =	swait.ge [sflag:s20], $0x2800  }
0x8a: {  	[sflag:s20] =	ssyncset.done $0x0  }
0x8b: {  	[sflag:s20] =	ssyncadd.s32 $0xFFFFD800  }
0x8c: {  	[bflag:$0x0] =	sbarrier.arrive $0xFFFF  }
0x8d: {  	v1 =	vld [tilespmem:$0x100];
	_ =	sdelay $0x1  }
0x8e: {  	v2 =	vld [tilespmem:$0x110];
	_ =	sdelay $0x1  }
0x8f: {  	v3 =	vld [tilespmem:$0x120]  }
0x90: {  	v62 =	vand.u32 $0xFFFF, v1  }
0x91: {  	v63 =	vld [tilespmem:$0x130];
	v1 =	vshrl.u32 v1, $0x10;
	[tilespmem:$0x4200] =	vst v62  }
0x92: {  	[tilespmem:$0x4280] =	vst v1;
	v1 =	vand.u32 $0xFFFF, v2  }
0x93: {  	[tilespmem:$0x4210] =	vst v1;
	v1 =	vshrl.u32 v2, $0x10;
	v2 =	vld [tilespmem:$0x140]  }
0x94: {  	[tilespmem:$0x4290] =	vst v1;
	v1 =	vand.u32 $0xFFFF, v3  }
0x95: {  	[tilespmem:$0x4220] =	vst v1;
	v1 =	vshrl.u32 v3, $0x10  }
0x96: {  	[tilespmem:$0x42A0] =	vst v1;
	v1 =	vand.u32 $0xFFFF, v63  }
0x97: {  	[tilespmem:$0x4230] =	vst v1;
	v1 =	vshrl.u32 v63, $0x10  }
0x98: {  	[tilespmem:$0x42B0] =	vst v1;
	v1 =	vand.u32 $0xFFFF, v2  }
0x99: {  	[tilespmem:$0x4240] =	vst v1;
	v1 =	vshrl.u32 v2, $0x10  }
0x9a: {  	[tilespmem:$0x42C0] =	vst v1  }
0x9b: {  	[tilespmem:s31], [sflag:$0x3] =	stream.indirect.gather [hbm4b:s4+s21], $0x80, s0, s21, $0xb8;
	[tilespmem:$0x1FB00] =	vst v63  }
.LBB2_4:
0x9c: {  	_ =	swait.ge [sflag:s3], $0x2800  }
0x9d: {  	p0 =	seq.s32 s11, $0xF600;
	[sflag:s3] =	ssyncset.done $0x0  }
.Ltmp3:
0x9e: {  	[sflag:s3] =	ssyncadd.s32 $0xFFFFD800;
	(pc) =	sbr.rel @!p0 .LBB2_5-.Ltmp3, $4  }
0x9f: {  	[spmem:s1] =	stream.indirect.scatter.add.f32 [tilespmem:s28], [sflag:$0x4], $0x80, s5, s21, $0xb8;
	[tilespmem:$0x1FB00] =	vst v63  }
0xa0: {  	_ =	swait.ge [sflag:s20], $0x2800  }
0xa1: {  	[sflag:s20] =	ssyncset.done $0x0  }
0xa2: {  	[sflag:s20] =	ssyncadd.s32 $0xFFFFD800  }
0xa3: {  	_ =	swait.ge [sflag:s6], $0x2800  }
0xa4: {  	[sflag:s6] =	ssyncset.done $0x0  }
.Ltmp4:
0xa5: {  	[sflag:s6] =	ssyncadd.s32 $0xFFFFD800;
	(pc) =	sbr.rel .LBB2_7-.Ltmp4, $4  }
0xa6: {  	[spmem:s1] =	stream.indirect.scatter.add.f32 [tilespmem:s30], [sflag:$0x4], $0x80, s7, s21, $0xb8;
	[tilespmem:$0x1FB00] =	vst v63  }
0xa7: {  	_ =	swait.ge [sflag:s20], $0x2800  }
0xa8: {  	[sflag:s20] =	ssyncset.done $0x0  }
0xa9: {  	[sflag:s20] =	ssyncadd.s32 $0xFFFFD800  }
.LBB2_5:
0xaa: {  	s12 =	sshra.s32 s11, $0x2  }
0xab: {  	v1 =	vld [tilespmem:s12+$0x180];
	_ =	sdelay $0x4  }
0xac: {  	v2 =	vand.u32 $0xFFFF, v1  }
0xad: {  	v1 =	vshrl.u32 v1, $0x10;
	[tilespmem:$0x4000] =	vst v2  }
0xae: {  	[tilespmem:$0x4080] =	vst v1  }
0xaf: {  	v1 =	vld [tilespmem:s12+$0x190];
	_ =	sdelay $0x4  }
0xb0: {  	v2 =	vand.u32 $0xFFFF, v1  }
0xb1: {  	v1 =	vshrl.u32 v1, $0x10;
	[tilespmem:$0x4010] =	vst v2  }
0xb2: {  	[tilespmem:$0x4090] =	vst v1  }
0xb3: {  	v1 =	vld [tilespmem:s12+$0x1A0];
	_ =	sdelay $0x4  }
0xb4: {  	v2 =	vand.u32 $0xFFFF, v1  }
0xb5: {  	v1 =	vshrl.u32 v1, $0x10;
	[tilespmem:$0x4020] =	vst v2  }
0xb6: {  	[tilespmem:$0x40A0] =	vst v1  }
0xb7: {  	v1 =	vld [tilespmem:s12+$0x1B0];
	_ =	sdelay $0x4  }
0xb8: {  	v2 =	vand.u32 $0xFFFF, v1  }
0xb9: {  	v1 =	vshrl.u32 v1, $0x10;
	[tilespmem:$0x4030] =	vst v2  }
0xba: {  	[tilespmem:$0x40B0] =	vst v1  }
0xbb: {  	v1 =	vld [tilespmem:s12+$0x1C0];
	_ =	sdelay $0x4  }
0xbc: {  	v2 =	vand.u32 $0xFFFF, v1  }
0xbd: {  	v1 =	vshrl.u32 v1, $0x10;
	[tilespmem:$0x4040] =	vst v2  }
0xbe: {  	[tilespmem:$0x40C0] =	vst v1  }
0xbf: {  	[tilespmem:s28], [sflag:$0x1] =	stream.indirect.gather [hbm4b:s4+s21], $0x80, s26, s21, $0xb8;
	[tilespmem:$0x1FB00] =	vst v63  }
0xc0: {  	_ =	swait.ge [sflag:s6], $0x2800  }
0xc1: {  	[sflag:s6] =	ssyncset.done $0x0  }
0xc2: {  	[sflag:s6] =	ssyncadd.s32 $0xFFFFD800  }
0xc3: {  	[spmem:s1] =	stream.indirect.scatter.add.f32 [tilespmem:s30], [sflag:$0x4], $0x80, s7, s21, $0xb8;
	[tilespmem:$0x1FB00] =	vst v63  }
0xc4: {  	_ =	swait.ge [sflag:s20], $0x2800  }
0xc5: {  	[sflag:s20] =	ssyncset.done $0x0  }
0xc6: {  	[sflag:s20] =	ssyncadd.s32 $0xFFFFD800  }
0xc7: {  	v1 =	vld [tilespmem:s12+$0x200];
	_ =	sdelay $0x4  }
0xc8: {  	v2 =	vand.u32 $0xFFFF, v1  }
0xc9: {  	v1 =	vshrl.u32 v1, $0x10;
	[tilespmem:$0x4100] =	vst v2  }
0xca: {  	[tilespmem:$0x4180] =	vst v1  }
0xcb: {  	v1 =	vld [tilespmem:s12+$0x210];
	_ =	sdelay $0x4  }
0xcc: {  	v2 =	vand.u32 $0xFFFF, v1  }
0xcd: {  	v1 =	vshrl.u32 v1, $0x10;
	[tilespmem:$0x4110] =	vst v2  }
0xce: {  	[tilespmem:$0x4190] =	vst v1  }
0xcf: {  	v1 =	vld [tilespmem:s12+$0x220];
	_ =	sdelay $0x4  }
0xd0: {  	v2 =	vand.u32 $0xFFFF, v1  }
0xd1: {  	v1 =	vshrl.u32 v1, $0x10;
	[tilespmem:$0x4120] =	vst v2  }
0xd2: {  	[tilespmem:$0x41A0] =	vst v1  }
0xd3: {  	v1 =	vld [tilespmem:s12+$0x230];
	_ =	sdelay $0x4  }
0xd4: {  	v2 =	vand.u32 $0xFFFF, v1  }
0xd5: {  	v1 =	vshrl.u32 v1, $0x10;
	[tilespmem:$0x4130] =	vst v2  }
0xd6: {  	[tilespmem:$0x41B0] =	vst v1  }
0xd7: {  	v1 =	vld [tilespmem:s12+$0x240];
	_ =	sdelay $0x4  }
0xd8: {  	v2 =	vand.u32 $0xFFFF, v1  }
0xd9: {  	v1 =	vshrl.u32 v1, $0x10;
	[tilespmem:$0x4140] =	vst v2  }
0xda: {  	[tilespmem:$0x41C0] =	vst v1  }
0xdb: {  	[tilespmem:s30], [sflag:$0x2] =	stream.indirect.gather [hbm4b:s4+s21], $0x80, s29, s21, $0xb8;
	[tilespmem:$0x1FB00] =	vst v63  }
.LBB2_7:
0xdc: {  	_ =	swait.ge [sflag:s9], $0x2800  }
0xdd: {  	[sflag:s9] =	ssyncset.done $0x0  }
.Ltmp5:
0xde: {  	[sflag:s9] =	ssyncadd.s32 $0xFFFFD800;
	(pc) =	sbr.rel @p0 .LBB2_9-.Ltmp5, $4  }
0xdf: {  	[spmem:s1] =	stream.indirect.scatter.add.f32 [tilespmem:s31], [sflag:$0x4], $0x80, s10, s21, $0xb8;
	[tilespmem:$0x1FB00] =	vst v63  }
0xe0: {  	_ =	swait.ge [sflag:s20], $0x2800  }
0xe1: {  	[sflag:s20] =	ssyncset.done $0x0  }
0xe2: {  	[sflag:s20] =	ssyncadd.s32 $0xFFFFD800  }
0xe3: {  	s12 =	sshra.s32 s11, $0x2  }
0xe4: {  	v1 =	vld [tilespmem:s12+$0x280];
	_ =	sdelay $0x4  }
0xe5: {  	v2 =	vand.u32 $0xFFFF, v1  }
0xe6: {  	v1 =	vshrl.u32 v1, $0x10;
	[tilespmem:$0x4200] =	vst v2  }
0xe7: {  	[tilespmem:$0x4280] =	vst v1  }
0xe8: {  	v1 =	vld [tilespmem:s12+$0x290];
	_ =	sdelay $0x4  }
0xe9: {  	v2 =	vand.u32 $0xFFFF, v1  }
0xea: {  	v1 =	vshrl.u32 v1, $0x10;
	[tilespmem:$0x4210] =	vst v2  }
0xeb: {  	[tilespmem:$0x4290] =	vst v1  }
0xec: {  	v1 =	vld [tilespmem:s12+$0x2A0];
	_ =	sdelay $0x4  }
0xed: {  	v2 =	vand.u32 $0xFFFF, v1  }
0xee: {  	v1 =	vshrl.u32 v1, $0x10;
	[tilespmem:$0x4220] =	vst v2  }
0xef: {  	[tilespmem:$0x42A0] =	vst v1  }
0xf0: {  	v1 =	vld [tilespmem:s12+$0x2B0];
	_ =	sdelay $0x4  }
0xf1: {  	v2 =	vand.u32 $0xFFFF, v1  }
0xf2: {  	v1 =	vshrl.u32 v1, $0x10;
	[tilespmem:$0x4230] =	vst v2  }
0xf3: {  	[tilespmem:$0x42B0] =	vst v1  }
0xf4: {  	v1 =	vld [tilespmem:s12+$0x2C0];
	_ =	sdelay $0x3  }
.Ltmp6:
0xf5: {  	_ = 	snop;
	(pc) =	sbr.rel .LBB2_4-.Ltmp6, $4  }
0xf6: {  	v2 =	vand.u32 $0xFFFF, v1  }
0xf7: {  	v1 =	vshrl.u32 v1, $0x10;
	[tilespmem:$0x4240] =	vst v2  }
0xf8: {  	s11 =	sadd.s32 $0x600, s11;
	[tilespmem:$0x42C0] =	vst v1  }
0xf9: {  	[tilespmem:s31], [sflag:$0x3] =	stream.indirect.gather [hbm4b:s4+s21], $0x80, s0, s21, $0xb8;
	[tilespmem:$0x1FB00] =	vst v63  }
.LBB2_10:
0xfa: {  	_ =	sfence.sel $0x180000  }
0xfb: {  	[bflag:$0x0] =	sbarrier.arrive $0xFFFF  }
0xfc: {  	_ =	strace $0x9000004D  }
0xfd: {  	s0 =	stileid.u32;
	[bflag:$0x2] =	sbarrier.arrive $0xFFFF  }
0xfe: {  	p0 =	sne.s32 s0, $0x0;
	s0 =	rddreg [dreg:$0x2]  }
0xff: {  	s0 =	sadd.s32 @!p0 $0x100000, s0  }
0x100: {  	[sflag:s0] =	ssyncadd.tile.s32 @!p0 $0x1;
	_ =	shalt  }
.Lfunc_end2:
_tile_overlayer_lowered:
.L_overlay_start_2:
0x101: {  	(tag) =	ssettag $0x2  }
0x102: {  	s0 =	rddreg [dreg:$0x0];
	s2 =	stileid.u32  }
0x103: {  	s1 =	rddreg [dreg:$0x1];
	p0 =	sne.s32 s2, $0x0  }
0x104: {  	s3 =	rddreg [dreg:$0x2];
	[bflag:$0x3] =	sbarrier.arrive $0xFFFF;
	s2 =	simm.s32 @!p0 $0x1C04  }
0x105: {  	[timem:s3], [sflag:s2] =	dma.local @!p0 [hbm:s0], s1  }
0x106: {  	s0 =	simm.s32 @!p0 $0x4  }
0x107: {  	_ =	swait.ge @!p0 [sflag:s0], s1  }
0x108: {  	s1 =	ssub.s32 @!p0 $0x0, s1;
	[sflag:s0] =	ssyncset.done @!p0 $0x0  }
0x109: {  	[sflag:s0] =	ssyncadd.s32 @!p0 s1  }
0x10a: {  	[bflag:$0x3] =	sbarrier.arrive $0xFFFF  }
0x10b: {  	_ =	shalt  }

// kernel: kernel.19.cloned.1.call-start
scs
__scs_entry_jumppad:
0x0: {  	(pc) =	sbr.rel $0x88, $3  }
0x1: {  	(tag) =	ssettag $0x0;
	lr =	simm.s32 $0x1  }
0x2: {  	[smem:$0x3F96] =	sst lr;
	_ =	strace $0xD0000000  }
0x3: {  	_ = 	snop  }
0x4: {  	_ = 	snop  }
0x5: {  	_ = 	snop  }
0x6: {  	_ = 	snop  }
0x7: {  	_ = 	snop  }
__scs_overlays_trampoline_lowered:
0x8: {  	[smem:$0x3FA5] =	sst s0  }
0x9: {  	[smem:$0x3FA6] =	sst s1  }
0xa: {  	[smem:$0x3FA7] =	sst s2  }
0xb: {  	[smem:$0x3FA8] =	sst s3  }
0xc: {  	[smem:$0x3FA9] =	sst s4  }
0xd: {  	[smem:$0x3FAA] =	sst s5  }
0xe: {  	[smem:$0x3FAB] =	sst s6  }
0xf: {  	[smem:$0x3FAC] =	sst s7  }
0x10: {  	[smem:$0x3FAD] =	sst s8  }
0x11: {  	[smem:$0x3FAE] =	sst s9;
	s0 =	simm.s32 @!p0 $0x0  }
0x12: {  	s1 =	sld [smem:$0x3F94];
	s0 =	simm.s32 @p0 $0x1  }
0x13: {  	[smem:$0x3FAF] =	sst s0;
	s0 =	simm.s32 @!p1 $0x0  }
0x14: {  	s2 =	sld [smem:$0x3F93];
	s0 =	simm.s32 @p1 $0x1  }
0x15: {  	[smem:$0x3FB0] =	sst s0;
	s0 =	simm.s32 @!p2 $0x0  }
0x16: {  	s3 =	sld [smem:$0x3FDB];
	s0 =	simm.s32 @p2 $0x1  }
0x17: {  	s4 =	simm.s32 $0x1BF5;
	[smem:$0x3FB2] =	sst s0  }
0x18: {  	s0 =	sld [smem:$0x3F95];
	_ =	swait.ge [sflag:s4], $0x0  }
0x19: {  	s7 =	sld [smem:$0x3F96]  }
0x1a: {  	s8 =	sadd.s32 $0xFFFFE003, lr  }
0x1b: {  	s9 =	sadd.s32 $0xFFFFFEF7, lr;
	s5 =	simm.s32 $0xFFFFFFFF;
	p2 =	slt.u32 s8, $0xFFFFF086  }
0x1c: {  	p1 =	slt.u32 s9, $0xF7A;
	s5 =	simm.s32 @!p2 $0x0  }
0x1d: {  	s5 =	simm.s32 @p1 $0x1;
	p0 =	seq.s32 s7, s2  }
0x1e: {  	s7 =	smul.u32 @!p0 $0xF7A, s2;
	p2 =	seq.s32 @!p0 s5, $0x0  }
0x1f: {  	s9 =	smul.u32 $0xF7A, s1;
	s8 =	simm.s32 @!p0 $0x1BF5;
	p2 =	por !p2, p0  }
0x20: {  	[sflag:s8] =	ssyncset.s32 @!p0 $0xFFFFF086;
	s6 =	sadd.s32 @!p0 s3, s7;
	s7 =	simm.s32 @!p0 $0x108  }
0x21: {  	s3 =	sadd.s32 s3, s9;
	s6 =	sadd.s32 @!p0 $0x88, s6;
	s7 =	simm.s32 @p2 $0x1082  }
0x22: {  	[simem:s7], [sflag:s8] =	dma.local @!p0 [hbm:s6], $0xF7A  }
0x23: {  	s9 =	sor.u32 $0xD0000000, s2;
	s6 =	simm.s32 $0x108;
	_ =	swait.ge @!p0 [sflag:s8], $0x0  }
0x24: {  	s3 =	sadd.s32 $0x88, s3;
	s6 =	simm.s32 @!p1 $0x1082;
	[sflag:s4] =	ssyncset.s32 $0xFFFFF086  }
0x25: {  	[simem:s6], [sflag:s4] =	dma.local [hbm:s3], $0xF7A  }
0x26: {  	[smem:$0x3F96] =	sst s1;
	(tag) =	ssettag s2;
	_ =	strace s9  }
0x27: {  	s1 =	sld [smem:$0x3FA6]  }
0x28: {  	s2 =	sld [smem:$0x3FA7]  }
0x29: {  	s4 =	sld [smem:$0x3FA9]  }
0x2a: {  	p0 =	seq.s32 s5, $0x0;
	s5 =	sld [smem:$0x3FAA]  }
0x2b: {  	s6 =	sld [smem:$0x3FAB]  }
0x2c: {  	s7 =	sld [smem:$0x3FAC]  }
0x2d: {  	s3 =	simm.s32 $0x108;
	s8 =	sld [smem:$0x3FAD]  }
0x2e: {  	s3 =	simm.s32 @!p0 $0x1082;
	s9 =	sld [smem:$0x3FAE]  }
0x2f: {  	lr =	sadd.s32 s0, s3;
	s0 =	sld [smem:$0x3FA5]  }
0x30: {  	s3 =	sld [smem:$0x3FA8]  }
0x31: {  	[smem:$0x3FB1] =	sst s10  }
0x32: {  	s10 =	sld [smem:$0x3FAF];
	_ =	sdelay $0x3  }
0x33: {  	p0 =	seq.s32 s10, $0x1;
	s10 =	sld [smem:$0x3FB1];
	_ =	sdelay $0x3  }
0x34: {  	[smem:$0x3FB1] =	sst s10  }
0x35: {  	s10 =	sld [smem:$0x3FB0];
	_ =	sdelay $0x3  }
0x36: {  	p1 =	seq.s32 s10, $0x1;
	s10 =	sld [smem:$0x3FB1];
	_ =	sdelay $0x3  }
0x37: {  	[smem:$0x3FB1] =	sst s10  }
0x38: {  	s10 =	sld [smem:$0x3FB2]  }
0x39: {  	_ = 	snop;
	(pc) =	sbr.ind lr, $3  }
0x3a: {  	_ = 	snop  }
0x3b: {  	_ = 	snop  }
0x3c: {  	p2 =	seq.s32 s10, $0x1;
	s10 =	sld [smem:$0x3FB1]  }
0x3d: {  	_ =	shalt  }
0x3e: {  	_ =	shalt  }
0x3f: {  	_ =	shalt  }
0x40: {  	_ =	shalt  }
0x41: {  	_ =	shalt  }
0x42: {  	_ =	shalt  }
0x43: {  	_ =	shalt  }
0x44: {  	_ =	shalt  }
0x45: {  	_ =	shalt  }
0x46: {  	_ =	shalt  }
0x47: {  	_ =	shalt  }
0x48: {  	_ =	shalt  }
0x49: {  	_ =	shalt  }
0x4a: {  	_ =	shalt  }
0x4b: {  	_ =	shalt  }
0x4c: {  	_ =	shalt  }
0x4d: {  	_ =	shalt  }
0x4e: {  	_ =	shalt  }
0x4f: {  	_ =	shalt  }
0x50: {  	_ =	shalt  }
0x51: {  	_ =	shalt  }
0x52: {  	_ =	shalt  }
0x53: {  	_ =	shalt  }
0x54: {  	_ =	shalt  }
0x55: {  	_ =	shalt  }
0x56: {  	_ =	shalt  }
0x57: {  	_ =	shalt  }
0x58: {  	_ =	shalt  }
0x59: {  	_ =	shalt  }
0x5a: {  	_ =	shalt  }
0x5b: {  	_ =	shalt  }
0x5c: {  	_ =	shalt  }
0x5d: {  	_ =	shalt  }
0x5e: {  	_ =	shalt  }
0x5f: {  	_ =	shalt  }
0x60: {  	_ =	shalt  }
0x61: {  	_ =	shalt  }
0x62: {  	_ =	shalt  }
0x63: {  	_ =	shalt  }
0x64: {  	_ =	shalt  }
0x65: {  	_ =	shalt  }
0x66: {  	_ =	shalt  }
0x67: {  	_ =	shalt  }
0x68: {  	_ =	shalt  }
0x69: {  	_ =	shalt  }
0x6a: {  	_ =	shalt  }
0x6b: {  	_ =	shalt  }
0x6c: {  	_ =	shalt  }
0x6d: {  	_ =	shalt  }
0x6e: {  	_ =	shalt  }
0x6f: {  	_ =	shalt  }
0x70: {  	_ =	shalt  }
0x71: {  	_ =	shalt  }
0x72: {  	_ =	shalt  }
0x73: {  	_ =	shalt  }
0x74: {  	_ =	shalt  }
0x75: {  	_ =	shalt  }
0x76: {  	_ =	shalt  }
0x77: {  	_ =	shalt  }
0x78: {  	_ =	shalt  }
0x79: {  	_ =	shalt  }
0x7a: {  	_ =	shalt  }
0x7b: {  	_ =	shalt  }
0x7c: {  	_ =	shalt  }
0x7d: {  	_ =	shalt  }
0x7e: {  	_ =	shalt  }
0x7f: {  	_ =	shalt  }
0x80: {  	_ =	shalt  }
0x81: {  	_ =	shalt  }
0x82: {  	_ =	shalt  }
0x83: {  	_ =	shalt  }
0x84: {  	_ =	shalt  }
0x85: {  	_ =	shalt  }
0x86: {  	_ =	shalt  }
0x87: {  	_ =	shalt  }
.Lfunc_end0:
.L_simem_size_0:
called_computation.3_lowered:
.L_overlay_start_0:
0x88: {  	s2 =	sld [smem:$0x3FD9]  }
0x89: {  	s3 =	sld [smem:$0x3FFE];
	_ =	sdelay $0x1  }
0x8a: {  	s1 =	srdreg.scid  }
0x8b: {  	s0 =	sand.u32 $0x1, s1  }
0x8c: {  	s16 =	sshll.u32 s0, $0xA;
	s2 =	sadd.s32 s3, s2  }
0x8d: {  	s2 =	sadd.s32 s2, s16  }
0x8e: {  	[smem:$0x3FBD] =	sst s2  }
0x8f: {  	_ = 	snop  }
0x90: {  	(tm) =	ssettm $0x1  }
0x91: {  	s17 =	sld [smem:$0x3FFB];
	_ =	sdelay $0x3  }
0x92: {  	_ =	strace s17  }
0x93: {  	s2 =	sld [smem:$0x3FFC];
	_ =	sdelay $0x3  }
0x94: {  	_ =	strace s2  }
0x95: {  	s2 =	sld [smem:$0x3FFD];
	_ =	sdelay $0x3  }
0x96: {  	_ =	strace s2  }
0x97: {  	_ =	strace $0x8FFFFFFF  }
0x98: {  	s18 =	sld [smem:$0x3FDB];
	_ =	sdelay $0x1  }
0x99: {  	s19 =	simm.s32 $_scs_section_size  }
0x9a: {  	s4 =	simm.s32 $_size__tile_overlayer_lowered;
	s5 =	simm.s32 $_tile_overlayer_lowered  }
0x9b: {  	s22 =	simm.s32 $0x1BFF;
	s21 =	sshll.u32 s5, $0x1;
	s2 =	sadd.s32 s19, s18  }
0x9c: {  	s6 =	simm.s32 $0x0;
	s20 =	sshll.u32 s4, $0x1;
	s4 =	sadd.s32 s21, s2  }
0x9d: {  	[timem:s6], [sflag:s22] =	dma.local [hbm:s4], s20  }
0x9e: {  	_ =	swait.ge [sflag:s22], s20  }
0x9f: {  	s3 =	ssub.s32 $0x0, s20;
	[sflag:s22] =	ssyncset.done $0x0  }
0xa0: {  	[sflag:s22] =	ssyncadd.s32 s3;
	_ =	sdelay $0x1  }
0xa1: {  	s23 =	simm.s32 $0x1B8B  }
0xa2: {  	_ =	swait.ge [sflag:s23], $0x1  }
0xa3: {  	[sflag:s23] =	ssyncset.done $0x0  }
0xa4: {  	s25 =	simm.s32 $0x1B8E;
	s24 =	sld [smem:$0x3FFE];
	[sflag:s23] =	ssyncadd.s32 $0xFFFFFFFF  }
0xa5: {  	s26 =	simm.s32 $execute0_lowered;
	[smem:$0x3FD2] =	sst s25  }
0xa6: {  	s4 =	sshll.u32 s26, $0x1;
	_ =	strace $0x8000004F;
	[dreg:$0x1] =	wrdreg $0xFFFFFFFF  }
0xa7: {  	s28 =	simm.s32 $_size_execute0_lowered;
	s2 =	sadd.s32 s2, s4;
	[dreg:$0x0] =	wrdreg $0x0  }
0xa8: {  	s4 =	sshll.u32 s28, $0x1;
	[dreg:$0x2] =	wrdreg s2  }
0xa9: {  	[dreg:$0x3] =	wrdreg s4  }
0xaa: {  	[dreg:$0x4] =	wrdreg $0xC0  }
0xab: {  	_ =	task [dreg:s6], $0x5FFFF  }
0xac: {  	[dreg:$0x1] =	wrdreg $0xFFFFFFFF  }
0xad: {  	[dreg:$0x0] =	wrdreg $0x60  }
0xae: {  	[dreg:$0x2] =	wrdreg s24  }
0xaf: {  	[dreg:$0x3] =	wrdreg $0xBB000  }
0xb0: {  	[dreg:$0x4] =	wrdreg $0x9  }
0xb1: {  	_ =	task.clear_ibuf [dreg:s6], $0x5FFFF;
	_ =	strace $0x9000004F  }
0xb2: {  	s29 =	simm.s32 $0x9;
	_ =	strace $0x80000051  }
0xb3: {  	_ =	swait.ge [sflag:s29], $0x1  }
0xb4: {  	[sflag:s29] =	ssyncadd.s32 $0xFFFFFFFF  }
0xb5: {  	_ =	strace $0x90000051  }
0xb6: {  	_ =	sfence  }
0xb7: {  	s30 =	sld [smem:$0x0];
	_ =	sdelay $0x2  }
0xb8: {  	s31 =	sshll.u32 s1, $0xD;
	s1 =	sshrl.u32 s1, $0x2  }
0xb9: {  	s3 =	sand.u32 $0x4000, s31;
	s1 =	sadd.s32 s1, s30  }
0xba: {  	s0 =	sor.u32 s3, s0;
	s1 =	sshll.u32 s1, $0x11  }
0xbb: {  	s0 =	sor.u32 s1, s0  }
0xbc: {  	s0 =	sadd.s32 $0x8F2B, s0  }
0xbd: {  	[sflag:s0] =	ssyncadd.remote.s32 $0x1  }
0xbe: {  	_ =	sfence.sel $0xFFFF  }
0xbf: {  	[dreg:$0x0] =	wrdreg $0xFFFFFFFF;
	(pc) =	sbr.abs _section_cstart, $3  }
0xc0: {  	[dreg:$0x1] =	wrdreg $0xFFFFFFFF  }
0xc1: {  	_ =	task.clear_ibuf [dreg:s6], $0x2FFFF;
	_ =	strace $0x9FFFFFFF  }
0xc2: {  	(tm) =	ssettm $0x7FFFFFFF  }
0xc3: {  	_ =	shalt  }
tec
execute0_lowered:
.L_overlay_start_1:
0x0: {  	(tag) =	ssettag $0x1  }
0x1: {  	s0 =	rddreg [dreg:$0x0]  }
0x2: {  	s1 =	rddreg [dreg:$0x1];
	s2 =	simm.s32 $0x0  }
0x3: {  	s3 =	srdreg.scid;
	s10 =	stileid.u32;
	s28 =	simm.s32 $0x4300  }
0x4: {  	s29 =	simm.s32 $0x4100;
	s30 =	simm.s32 $0x6B00;
	s31 =	simm.s32 $0x9300  }
0x5: {  	[smem:$0x7FF] =	sst s2;
	s3 =	sand.u32 $0x1, s3;
	s7 =	smul.u32 $0x14000, s10  }
0x6: {  	s4 =	sadd.s32 $0x13C00, s0;
	s9 =	sshll.u32 s10, $0xC;
	s10 =	smul.u32 $0x50000, s10  }
0x7: {  	_ =	strace $0x80000050;
	s5 =	sshll.u32 s3, $0xB;
	s6 =	smul.u32 $0x140000, s3  }
0x8: {  	s3 =	ssub.s32 $0x2, s3;
	s5 =	sadd.s32 s5, s0;
	s0 =	sadd.s32 $0x3BC00, s0  }
0x9: {  	s8 =	sshrl.u32 s3, $0x1;
	s10 =	sshrl.u32 s10, $0x2;
	s13 =	sadd.s32 $0x4000, s7  }
0xa: {  	s21 =	sadd.s32 $0x8000, s7;
	s23 =	sadd.s32 $0xC000, s7;
	s3 =	ssub.s32 s3, s8  }
0xb: {  	s5 =	sadd.s32 s9, s5;
	s26 =	sadd.s32 s6, s7;
	s8 =	sadd.s32 s10, s1  }
0xc: {  	s19 =	sadd.s32 s6, s13;
	s22 =	sadd.s32 s6, s21;
	s5 =	sadd.s32 $0x3C00, s5  }
0xd: {  	s7 =	sadd.s32 $0x10000, s7;
	s3 =	smax.u32 s3, $0x1;
	[dreg:$0x3] =	wrdreg s5  }
0xe: {  	s25 =	sadd.s32 s23, s1;
	s11 =	sadd.s32 $0x2800, s8;
	[dreg:$0x5] =	wrdreg s3  }
0xf: {  	s10 =	simm.s32 $0x4280;
	s12 =	sadd.s32 $0x5000, s8;
	[dreg:$0x6] =	wrdreg s11  }
0x10: {  	s9 =	sshrl.u32 s26, $0x3;
	s17 =	sadd.s32 $0x7800, s8;
	[dreg:$0x7] =	wrdreg s12  }
0x11: {  	s18 =	sadd.s32 $0xA000, s8;
	s20 =	sadd.s32 $0xC800, s8;
	[dreg:$0x8] =	wrdreg s17  }
0x12: {  	s14 =	sadd.s32 $0xF000, s8;
	s15 =	sadd.s32 $0x11800, s8;
	[dreg:$0x9] =	wrdreg s18  }
0x13: {  	s26 =	sadd.s32 s7, s1;
	s5 =	sadd.s32 s0, s9;
	[dreg:$0xa] =	wrdreg s20  }
0x14: {  	s3 =	sadd.s32 s13, s1;
	s9 =	sshrl.u32 s22, $0x3;
	s11 =	sadd.s32 s6, s23  }
0x15: {  	s6 =	sadd.s32 s6, s7;
	s20 =	simm.s32 $0x4;
	s7 =	simm.s32 $0x4180  }
0x16: {  	[dreg:$0x4] =	wrdreg s5;
	s5 =	sshrl.u32 s19, $0x3;
	s17 =	sadd.s32 s0, s9  }
0x17: {  	s24 =	sshrl.u32 s11, $0x3;
	s6 =	sshrl.u32 s6, $0x3;
	s22 =	sshrl.u32 s3, $0x3  }
.Ltmp0:
0x18: {  	s3 =	simm.s32 $0x1;
	s9 =	simm.s32 $0x3;
	(pc) =	sbr.rel .LBB2_1-.Ltmp0, $4  }
0x19: {  	s16 =	sadd.s32 s0, s5;
	s5 =	sadd.s32 s21, s1;
	s18 =	sadd.s32 s0, s24  }
0x1a: {  	s19 =	sadd.s32 s0, s6;
	s21 =	simm.s32 $0x50;
	s24 =	sshrl.u32 s25, $0x3  }
0x1b: {  	s25 =	sshrl.u32 s26, $0x3;
	s26 =	simm.s32 $0x4000;
	s0 =	simm.s32 $0x4200  }
0x1c: {  	v0 =	vimm.f32 $0.0e+00;
	s6 =	simm.s32 $0x2;
	s23 =	sshrl.u32 s5, $0x3;
	s5 =	simm.s32 $0x4080  }
.LBB2_9:
0x1d: {  	s11 =	stileid.u32  }
0x1e: {  	[bflag:$0x0] =	sbarrier.arrive $0xFFFF;
	s11 =	sshll.u32 s11, $0x6  }
0x1f: {  	s12 =	sshrl.u32 s8, $0x3;
	s13 =	rddreg [dreg:$0x4];
	s11 =	sor.u32 $0x1C04, s11  }
0x20: {  	[hbm:s13], [sflag:s11] =	dma.local [spmem:s12], $0x800  }
0x21: {  	_ =	swait.ge [sflag:s20], $0x800  }
0x22: {  	[sflag:s20] =	ssyncset.done $0x0  }
0x23: {  	[sflag:s20] =	ssyncadd.s32 $0xFFFFF800  }
0x24: {  	[hbm:s16], [sflag:s11] =	dma.local [spmem:s22], $0x800  }
0x25: {  	_ =	swait.ge [sflag:s20], $0x800  }
0x26: {  	[sflag:s20] =	ssyncset.done $0x0  }
0x27: {  	[sflag:s20] =	ssyncadd.s32 $0xFFFFF800  }
0x28: {  	[hbm:s17], [sflag:s11] =	dma.local [spmem:s23], $0x800  }
0x29: {  	_ =	swait.ge [sflag:s20], $0x800  }
0x2a: {  	[sflag:s20] =	ssyncset.done $0x0  }
0x2b: {  	[sflag:s20] =	ssyncadd.s32 $0xFFFFF800  }
0x2c: {  	[hbm:s18], [sflag:s11] =	dma.local [spmem:s24], $0x800  }
0x2d: {  	_ =	swait.ge [sflag:s20], $0x800  }
0x2e: {  	[sflag:s20] =	ssyncset.done $0x0  }
0x2f: {  	[sflag:s20] =	ssyncadd.s32 $0xFFFFF800  }
0x30: {  	[hbm:s19], [sflag:s11] =	dma.local [spmem:s25], $0x800  }
0x31: {  	_ =	swait.ge [sflag:s20], $0x800  }
0x32: {  	s2 =	sadd.s32 $0x1, s2;
	s13 =	rddreg [dreg:$0x5]  }
0x33: {  	p0 =	sne.s32 s2, s13  }
.Ltmp1:
0x34: {  	_ = 	snop;
	(pc) =	sbr.rel @!p0 .LBB2_10-.Ltmp1, $3  }
0x35: {  	_ =	sdelay $0x1  }
0x36: {  	[sflag:s20] =	ssyncset.done $0x0  }
0x37: {  	[sflag:s20] =	ssyncadd.s32 $0xFFFFF800  }
.LBB2_1:
0x38: {  	s11 =	simm.s32 $0x70;
	s12 =	simm.s32 $0x3C0  }
.LBB2_2:
0x39: {  	p0 =	sne.s32 s12, $0x9FC0;
	[tilespmem:s11+$0x9300] =	vst v0  }
0x3a: {  	[tilespmem:s11+$0x9290] =	vst v0  }
0x3b: {  	[tilespmem:s11+$0x92A0] =	vst v0  }
.Ltmp2:
0x3c: {  	[tilespmem:s11+$0x92B0] =	vst v0;
	(pc) =	sbr.rel @p0 .LBB2_2-.Ltmp2, $4  }
0x3d: {  	[tilespmem:s11+$0x92C0] =	vst v0  }
0x3e: {  	[tilespmem:s11+$0x92D0] =	vst v0  }
0x3f: {  	[tilespmem:s11+$0x92E0] =	vst v0  }
0x40: {  	[tilespmem:s11+$0x92F0] =	vst v0;
	s11 =	sshra.s32 s12, $0x2;
	s12 =	sadd.s32 $0x200, s12  }
0x41: {  	[tilespmem:s11+$0x9300] =	vst v0  }
0x42: {  	[tilespmem:s11+$0x9290] =	vst v0  }
0x43: {  	[tilespmem:s11+$0x92A0] =	vst v0  }
0x44: {  	[tilespmem:s11+$0x92B0] =	vst v0  }
0x45: {  	[tilespmem:s11+$0x92C0] =	vst v0  }
0x46: {  	[tilespmem:s11+$0x92D0] =	vst v0  }
0x47: {  	[tilespmem:s11+$0x92E0] =	vst v0  }
0x48: {  	[tilespmem:s11+$0x92F0] =	vst v0;
	s11 =	simm.s32 $0x0;
	s12 =	rddreg [dreg:$0x3]  }
0x49: {  	[tilespmem:s11], [sflag:$0x4] =	stream.linear.gather [hbm4b:s12+s11], $0x3F00, $0x38;
	[tilespmem:$0x1FB00] =	vst v63  }
0x4a: {  	_ =	swait.ge [sflag:s20], $0x3F00  }
0x4b: {  	[sflag:s20] =	ssyncset.done $0x0  }
0x4c: {  	[sflag:s20] =	ssyncadd.s32 $0xFFFFC100  }
0x4d: {  	v1 =	vld [tilespmem:$0x0];
	_ =	sdelay $0x1  }
0x4e: {  	v2 =	vld [tilespmem:$0x10];
	_ =	sdelay $0x1  }
0x4f: {  	v3 =	vld [tilespmem:$0x20]  }
0x50: {  	v4 =	vand.u32 $0xFFFF, v1  }
0x51: {  	v59 =	vld [tilespmem:$0x30];
	v1 =	vshrl.u32 v1, $0x10;
	[tilespmem:$0x4000] =	vst v4  }
0x52: {  	[tilespmem:$0x4080] =	vst v1;
	v1 =	vand.u32 $0xFFFF, v2  }
0x53: {  	[tilespmem:$0x4010] =	vst v1;
	v1 =	vshrl.u32 v2, $0x10;
	v2 =	vld [tilespmem:$0x40]  }
0x54: {  	[tilespmem:$0x4090] =	vst v1;
	v1 =	vand.u32 $0xFFFF, v3  }
0x55: {  	[tilespmem:$0x4020] =	vst v1;
	v1 =	vshrl.u32 v3, $0x10  }
0x56: {  	[tilespmem:$0x40A0] =	vst v1;
	v1 =	vand.u32 $0xFFFF, v59  }
0x57: {  	[tilespmem:$0x4030] =	vst v1;
	v1 =	vshrl.u32 v59, $0x10  }
0x58: {  	[tilespmem:$0x40B0] =	vst v1;
	v1 =	vand.u32 $0xFFFF, v2  }
0x59: {  	[tilespmem:$0x4040] =	vst v1;
	v1 =	vshrl.u32 v2, $0x10  }
0x5a: {  	[tilespmem:$0x40C0] =	vst v1  }
0x5b: {  	[tilespmem:s28], [sflag:$0x1] =	stream.indirect.gather [hbm4b:s4+s21], $0x80, s26, s21, $0xb8;
	[tilespmem:$0x1FB00] =	vst v63  }
0x5c: {  	v1 =	vld [tilespmem:$0x80];
	_ =	sdelay $0x1  }
0x5d: {  	v2 =	vld [tilespmem:$0x90];
	_ =	sdelay $0x1  }
0x5e: {  	v3 =	vld [tilespmem:$0xA0]  }
0x5f: {  	v60 =	vand.u32 $0xFFFF, v1  }
0x60: {  	v61 =	vld [tilespmem:$0xB0];
	v1 =	vshrl.u32 v1, $0x10;
	[tilespmem:$0x4100] =	vst v60  }
0x61: {  	[tilespmem:$0x4180] =	vst v1;
	v1 =	vand.u32 $0xFFFF, v2  }
0x62: {  	[tilespmem:$0x4110] =	vst v1;
	v1 =	vshrl.u32 v2, $0x10;
	v2 =	vld [tilespmem:$0xC0]  }
0x63: {  	[tilespmem:$0x4190] =	vst v1;
	v1 =	vand.u32 $0xFFFF, v3  }
0x64: {  	[tilespmem:$0x4120] =	vst v1;
	v1 =	vshrl.u32 v3, $0x10  }
0x65: {  	[tilespmem:$0x41A0] =	vst v1;
	v1 =	vand.u32 $0xFFFF, v61  }
0x66: {  	[tilespmem:$0x4130] =	vst v1;
	v1 =	vshrl.u32 v61, $0x10  }
0x67: {  	[tilespmem:$0x41B0] =	vst v1;
	v1 =	vand.u32 $0xFFFF, v2  }
0x68: {  	[tilespmem:$0x4140] =	vst v1;
	v1 =	vshrl.u32 v2, $0x10  }
0x69: {  	[tilespmem:$0x41C0] =	vst v1  }
0x6a: {  	[tilespmem:s30], [sflag:$0x2] =	stream.indirect.gather [hbm4b:s4+s21], $0x80, s29, s21, $0xb8;
	[tilespmem:$0x1FB00] =	vst v63  }
0x6b: {  	_ = 	snop  }
0x6c: {  	[spmem:s8] =	stream.linear.scatter [tilespmem:s31], [sflag:$0x4], $0x2800, $0x38;
	[tilespmem:$0x1FB00] =	vst v63  }
0x6d: {  	_ =	swait.ge [sflag:s20], $0x2800  }
0x6e: {  	[sflag:s20] =	ssyncset.done $0x0  }
0x6f: {  	s13 =	rddreg [dreg:$0x6];
	[sflag:s20] =	ssyncadd.s32 $0xFFFFD800  }
0x70: {  	[spmem:s13] =	stream.linear.scatter [tilespmem:s31], [sflag:$0x4], $0x2800, $0x38;
	[tilespmem:$0x1FB00] =	vst v63  }
0x71: {  	_ =	swait.ge [sflag:s20], $0x2800  }
0x72: {  	[sflag:s20] =	ssyncset.done $0x0  }
0x73: {  	s13 =	rddreg [dreg:$0x7];
	[sflag:s20] =	ssyncadd.s32 $0xFFFFD800  }
0x74: {  	[spmem:s13] =	stream.linear.scatter [tilespmem:s31], [sflag:$0x4], $0x2800, $0x38;
	[tilespmem:$0x1FB00] =	vst v63  }
0x75: {  	_ =	swait.ge [sflag:s20], $0x2800  }
0x76: {  	[sflag:s20] =	ssyncset.done $0x0  }
0x77: {  	s13 =	rddreg [dreg:$0x8];
	[sflag:s20] =	ssyncadd.s32 $0xFFFFD800  }
0x78: {  	[spmem:s13] =	stream.linear.scatter [tilespmem:s31], [sflag:$0x4], $0x2800, $0x38;
	[tilespmem:$0x1FB00] =	vst v63  }
0x79: {  	_ =	swait.ge [sflag:s20], $0x2800  }
0x7a: {  	[sflag:s20] =	ssyncset.done $0x0  }
0x7b: {  	s13 =	rddreg [dreg:$0x9];
	[sflag:s20] =	ssyncadd.s32 $0xFFFFD800  }
0x7c: {  	[spmem:s13] =	stream.linear.scatter [tilespmem:s31], [sflag:$0x4], $0x2800, $0x38;
	[tilespmem:$0x1FB00] =	vst v63  }
0x7d: {  	_ =	swait.ge [sflag:s20], $0x2800  }
0x7e: {  	[sflag:s20] =	ssyncset.done $0x0  }
0x7f: {  	s13 =	rddreg [dreg:$0xa];
	[sflag:s20] =	ssyncadd.s32 $0xFFFFD800  }
0x80: {  	[spmem:s13] =	stream.linear.scatter [tilespmem:s31], [sflag:$0x4], $0x2800, $0x38;
	[tilespmem:$0x1FB00] =	vst v63  }
0x81: {  	_ =	swait.ge [sflag:s20], $0x2800  }
0x82: {  	[sflag:s20] =	ssyncset.done $0x0  }
0x83: {  	[sflag:s20] =	ssyncadd.s32 $0xFFFFD800  }
0x84: {  	[spmem:s14] =	stream.linear.scatter [tilespmem:s31], [sflag:$0x4], $0x2800, $0x38;
	[tilespmem:$0x1FB00] =	vst v63  }
0x85: {  	_ =	swait.ge [sflag:s20], $0x2800  }
0x86: {  	[sflag:s20] =	ssyncset.done $0x0  }
0x87: {  	[sflag:s20] =	ssyncadd.s32 $0xFFFFD800  }
0x88: {  	[spmem:s15] =	stream.linear.scatter [tilespmem:s31], [sflag:$0x4], $0x2800, $0x38;
	[tilespmem:$0x1FB00] =	vst v63  }
0x89: {  	_ =	swait.ge [sflag:s20], $0x2800  }
0x8a: {  	[sflag:s20] =	ssyncset.done $0x0  }
0x8b: {  	[sflag:s20] =	ssyncadd.s32 $0xFFFFD800  }
0x8c: {  	[bflag:$0x0] =	sbarrier.arrive $0xFFFF  }
0x8d: {  	v1 =	vld [tilespmem:$0x100];
	_ =	sdelay $0x1  }
0x8e: {  	v2 =	vld [tilespmem:$0x110];
	_ =	sdelay $0x1  }
0x8f: {  	v3 =	vld [tilespmem:$0x120]  }
0x90: {  	v62 =	vand.u32 $0xFFFF, v1  }
0x91: {  	v63 =	vld [tilespmem:$0x130];
	v1 =	vshrl.u32 v1, $0x10;
	[tilespmem:$0x4200] =	vst v62  }
0x92: {  	[tilespmem:$0x4280] =	vst v1;
	v1 =	vand.u32 $0xFFFF, v2  }
0x93: {  	[tilespmem:$0x4210] =	vst v1;
	v1 =	vshrl.u32 v2, $0x10;
	v2 =	vld [tilespmem:$0x140]  }
0x94: {  	[tilespmem:$0x4290] =	vst v1;
	v1 =	vand.u32 $0xFFFF, v3  }
0x95: {  	[tilespmem:$0x4220] =	vst v1;
	v1 =	vshrl.u32 v3, $0x10  }
0x96: {  	[tilespmem:$0x42A0] =	vst v1;
	v1 =	vand.u32 $0xFFFF, v63  }
0x97: {  	[tilespmem:$0x4230] =	vst v1;
	v1 =	vshrl.u32 v63, $0x10  }
0x98: {  	[tilespmem:$0x42B0] =	vst v1;
	v1 =	vand.u32 $0xFFFF, v2  }
0x99: {  	[tilespmem:$0x4240] =	vst v1;
	v1 =	vshrl.u32 v2, $0x10  }
0x9a: {  	[tilespmem:$0x42C0] =	vst v1  }
0x9b: {  	[tilespmem:s31], [sflag:$0x3] =	stream.indirect.gather [hbm4b:s4+s21], $0x80, s0, s21, $0xb8;
	[tilespmem:$0x1FB00] =	vst v63  }
.LBB2_4:
0x9c: {  	_ =	swait.ge [sflag:s3], $0x2800  }
0x9d: {  	p0 =	seq.s32 s11, $0xF600;
	[sflag:s3] =	ssyncset.done $0x0  }
.Ltmp3:
0x9e: {  	[sflag:s3] =	ssyncadd.s32 $0xFFFFD800;
	(pc) =	sbr.rel @!p0 .LBB2_5-.Ltmp3, $4  }
0x9f: {  	[spmem:s1] =	stream.indirect.scatter.add.f32 [tilespmem:s28], [sflag:$0x4], $0x80, s5, s21, $0xb8;
	[tilespmem:$0x1FB00] =	vst v63  }
0xa0: {  	_ =	swait.ge [sflag:s20], $0x2800  }
0xa1: {  	[sflag:s20] =	ssyncset.done $0x0  }
0xa2: {  	[sflag:s20] =	ssyncadd.s32 $0xFFFFD800  }
0xa3: {  	_ =	swait.ge [sflag:s6], $0x2800  }
0xa4: {  	[sflag:s6] =	ssyncset.done $0x0  }
.Ltmp4:
0xa5: {  	[sflag:s6] =	ssyncadd.s32 $0xFFFFD800;
	(pc) =	sbr.rel .LBB2_7-.Ltmp4, $4  }
0xa6: {  	[spmem:s1] =	stream.indirect.scatter.add.f32 [tilespmem:s30], [sflag:$0x4], $0x80, s7, s21, $0xb8;
	[tilespmem:$0x1FB00] =	vst v63  }
0xa7: {  	_ =	swait.ge [sflag:s20], $0x2800  }
0xa8: {  	[sflag:s20] =	ssyncset.done $0x0  }
0xa9: {  	[sflag:s20] =	ssyncadd.s32 $0xFFFFD800  }
.LBB2_5:
0xaa: {  	s12 =	sshra.s32 s11, $0x2  }
0xab: {  	v1 =	vld [tilespmem:s12+$0x180];
	_ =	sdelay $0x4  }
0xac: {  	v2 =	vand.u32 $0xFFFF, v1  }
0xad: {  	v1 =	vshrl.u32 v1, $0x10;
	[tilespmem:$0x4000] =	vst v2  }
0xae: {  	[tilespmem:$0x4080] =	vst v1  }
0xaf: {  	v1 =	vld [tilespmem:s12+$0x190];
	_ =	sdelay $0x4  }
0xb0: {  	v2 =	vand.u32 $0xFFFF, v1  }
0xb1: {  	v1 =	vshrl.u32 v1, $0x10;
	[tilespmem:$0x4010] =	vst v2  }
0xb2: {  	[tilespmem:$0x4090] =	vst v1  }
0xb3: {  	v1 =	vld [tilespmem:s12+$0x1A0];
	_ =	sdelay $0x4  }
0xb4: {  	v2 =	vand.u32 $0xFFFF, v1  }
0xb5: {  	v1 =	vshrl.u32 v1, $0x10;
	[tilespmem:$0x4020] =	vst v2  }
0xb6: {  	[tilespmem:$0x40A0] =	vst v1  }
0xb7: {  	v1 =	vld [tilespmem:s12+$0x1B0];
	_ =	sdelay $0x4  }
0xb8: {  	v2 =	vand.u32 $0xFFFF, v1  }
0xb9: {  	v1 =	vshrl.u32 v1, $0x10;
	[tilespmem:$0x4030] =	vst v2  }
0xba: {  	[tilespmem:$0x40B0] =	vst v1  }
0xbb: {  	v1 =	vld [tilespmem:s12+$0x1C0];
	_ =	sdelay $0x4  }
0xbc: {  	v2 =	vand.u32 $0xFFFF, v1  }
0xbd: {  	v1 =	vshrl.u32 v1, $0x10;
	[tilespmem:$0x4040] =	vst v2  }
0xbe: {  	[tilespmem:$0x40C0] =	vst v1  }
0xbf: {  	[tilespmem:s28], [sflag:$0x1] =	stream.indirect.gather [hbm4b:s4+s21], $0x80, s26, s21, $0xb8;
	[tilespmem:$0x1FB00] =	vst v63  }
0xc0: {  	_ =	swait.ge [sflag:s6], $0x2800  }
0xc1: {  	[sflag:s6] =	ssyncset.done $0x0  }
0xc2: {  	[sflag:s6] =	ssyncadd.s32 $0xFFFFD800  }
0xc3: {  	[spmem:s1] =	stream.indirect.scatter.add.f32 [tilespmem:s30], [sflag:$0x4], $0x80, s7, s21, $0xb8;
	[tilespmem:$0x1FB00] =	vst v63  }
0xc4: {  	_ =	swait.ge [sflag:s20], $0x2800  }
0xc5: {  	[sflag:s20] =	ssyncset.done $0x0  }
0xc6: {  	[sflag:s20] =	ssyncadd.s32 $0xFFFFD800  }
0xc7: {  	v1 =	vld [tilespmem:s12+$0x200];
	_ =	sdelay $0x4  }
0xc8: {  	v2 =	vand.u32 $0xFFFF, v1  }
0xc9: {  	v1 =	vshrl.u32 v1, $0x10;
	[tilespmem:$0x4100] =	vst v2  }
0xca: {  	[tilespmem:$0x4180] =	vst v1  }
0xcb: {  	v1 =	vld [tilespmem:s12+$0x210];
	_ =	sdelay $0x4  }
0xcc: {  	v2 =	vand.u32 $0xFFFF, v1  }
0xcd: {  	v1 =	vshrl.u32 v1, $0x10;
	[tilespmem:$0x4110] =	vst v2  }
0xce: {  	[tilespmem:$0x4190] =	vst v1  }
0xcf: {  	v1 =	vld [tilespmem:s12+$0x220];
	_ =	sdelay $0x4  }
0xd0: {  	v2 =	vand.u32 $0xFFFF, v1  }
0xd1: {  	v1 =	vshrl.u32 v1, $0x10;
	[tilespmem:$0x4120] =	vst v2  }
0xd2: {  	[tilespmem:$0x41A0] =	vst v1  }
0xd3: {  	v1 =	vld [tilespmem:s12+$0x230];
	_ =	sdelay $0x4  }
0xd4: {  	v2 =	vand.u32 $0xFFFF, v1  }
0xd5: {  	v1 =	vshrl.u32 v1, $0x10;
	[tilespmem:$0x4130] =	vst v2  }
0xd6: {  	[tilespmem:$0x41B0] =	vst v1  }
0xd7: {  	v1 =	vld [tilespmem:s12+$0x240];
	_ =	sdelay $0x4  }
0xd8: {  	v2 =	vand.u32 $0xFFFF, v1  }
0xd9: {  	v1 =	vshrl.u32 v1, $0x10;
	[tilespmem:$0x4140] =	vst v2  }
0xda: {  	[tilespmem:$0x41C0] =	vst v1  }
0xdb: {  	[tilespmem:s30], [sflag:$0x2] =	stream.indirect.gather [hbm4b:s4+s21], $0x80, s29, s21, $0xb8;
	[tilespmem:$0x1FB00] =	vst v63  }
.LBB2_7:
0xdc: {  	_ =	swait.ge [sflag:s9], $0x2800  }
0xdd: {  	[sflag:s9] =	ssyncset.done $0x0  }
.Ltmp5:
0xde: {  	[sflag:s9] =	ssyncadd.s32 $0xFFFFD800;
	(pc) =	sbr.rel @p0 .LBB2_9-.Ltmp5, $4  }
0xdf: {  	[spmem:s1] =	stream.indirect.scatter.add.f32 [tilespmem:s31], [sflag:$0x4], $0x80, s10, s21, $0xb8;
	[tilespmem:$0x1FB00] =	vst v63  }
0xe0: {  	_ =	swait.ge [sflag:s20], $0x2800  }
0xe1: {  	[sflag:s20] =	ssyncset.done $0x0  }
0xe2: {  	[sflag:s20] =	ssyncadd.s32 $0xFFFFD800  }
0xe3: {  	s12 =	sshra.s32 s11, $0x2  }
0xe4: {  	v1 =	vld [tilespmem:s12+$0x280];
	_ =	sdelay $0x4  }
0xe5: {  	v2 =	vand.u32 $0xFFFF, v1  }
0xe6: {  	v1 =	vshrl.u32 v1, $0x10;
	[tilespmem:$0x4200] =	vst v2  }
0xe7: {  	[tilespmem:$0x4280] =	vst v1  }
0xe8: {  	v1 =	vld [tilespmem:s12+$0x290];
	_ =	sdelay $0x4  }
0xe9: {  	v2 =	vand.u32 $0xFFFF, v1  }
0xea: {  	v1 =	vshrl.u32 v1, $0x10;
	[tilespmem:$0x4210] =	vst v2  }
0xeb: {  	[tilespmem:$0x4290] =	vst v1  }
0xec: {  	v1 =	vld [tilespmem:s12+$0x2A0];
	_ =	sdelay $0x4  }
0xed: {  	v2 =	vand.u32 $0xFFFF, v1  }
0xee: {  	v1 =	vshrl.u32 v1, $0x10;
	[tilespmem:$0x4220] =	vst v2  }
0xef: {  	[tilespmem:$0x42A0] =	vst v1  }
0xf0: {  	v1 =	vld [tilespmem:s12+$0x2B0];
	_ =	sdelay $0x4  }
0xf1: {  	v2 =	vand.u32 $0xFFFF, v1  }
0xf2: {  	v1 =	vshrl.u32 v1, $0x10;
	[tilespmem:$0x4230] =	vst v2  }
0xf3: {  	[tilespmem:$0x42B0] =	vst v1  }
0xf4: {  	v1 =	vld [tilespmem:s12+$0x2C0];
	_ =	sdelay $0x3  }
.Ltmp6:
0xf5: {  	_ = 	snop;
	(pc) =	sbr.rel .LBB2_4-.Ltmp6, $4  }
0xf6: {  	v2 =	vand.u32 $0xFFFF, v1  }
0xf7: {  	v1 =	vshrl.u32 v1, $0x10;
	[tilespmem:$0x4240] =	vst v2  }
0xf8: {  	s11 =	sadd.s32 $0x600, s11;
	[tilespmem:$0x42C0] =	vst v1  }
0xf9: {  	[tilespmem:s31], [sflag:$0x3] =	stream.indirect.gather [hbm4b:s4+s21], $0x80, s0, s21, $0xb8;
	[tilespmem:$0x1FB00] =	vst v63  }
.LBB2_10:
0xfa: {  	_ =	sfence.sel $0x180000  }
0xfb: {  	[bflag:$0x0] =	sbarrier.arrive $0xFFFF  }
0xfc: {  	_ =	strace $0x90000050  }
0xfd: {  	s0 =	stileid.u32;
	[bflag:$0x2] =	sbarrier.arrive $0xFFFF  }
0xfe: {  	p0 =	sne.s32 s0, $0x0;
	s0 =	rddreg [dreg:$0x2]  }
0xff: {  	s0 =	sadd.s32 @!p0 $0x100000, s0  }
0x100: {  	[sflag:s0] =	ssyncadd.tile.s32 @!p0 $0x1;
	_ =	shalt  }
.Lfunc_end2:
_tile_overlayer_lowered:
.L_overlay_start_2:
0x101: {  	(tag) =	ssettag $0x2  }
0x102: {  	s0 =	rddreg [dreg:$0x0];
	s2 =	stileid.u32  }
0x103: {  	s1 =	rddreg [dreg:$0x1];
	p0 =	sne.s32 s2, $0x0  }
0x104: {  	s3 =	rddreg [dreg:$0x2];
	[bflag:$0x3] =	sbarrier.arrive $0xFFFF;
	s2 =	simm.s32 @!p0 $0x1C04  }
0x105: {  	[timem:s3], [sflag:s2] =	dma.local @!p0 [hbm:s0], s1  }
0x106: {  	s0 =	simm.s32 @!p0 $0x4  }
0x107: {  	_ =	swait.ge @!p0 [sflag:s0], s1  }
0x108: {  	s1 =	ssub.s32 @!p0 $0x0, s1;
	[sflag:s0] =	ssyncset.done @!p0 $0x0  }
0x109: {  	[sflag:s0] =	ssyncadd.s32 @!p0 s1  }
0x10a: {  	[bflag:$0x3] =	sbarrier.arrive $0xFFFF  }
0x10b: {  	_ =	shalt  }

</sc_bundles>
